<compile_context>
chip_gen: v7x
topology: tpu7x:2x2x1
jax: 0.10.2.dev20260603
libtpu: 0.0.44.dev20260713+nightly
codegen_flags: <defaults>
</compile_context>

<pallas_src>
import jax
import jax.numpy as jnp
from jax import lax
from jax.experimental import pallas as pl
from jax.experimental.pallas import tpu as pltpu
from jax.experimental.pallas import tpu_sc as plsc

N = 10000
E = 320000
FN = 64
IN = 64
HID = 128
FE = 9
LAT = 128

NC = 2
NS = 16
LANES = 16
HALF = N // NC
EPB = E // NS
SEGSZ = 2000
NSEG = EPB // SEGSZ
SEGG = SEGSZ // LANES
K = 64
NBUF = 2
LCAP = SEGSZ + K
APAD = 5120
RPT = APAD // NS
BE = 8000


def _prep_body(fn_ref, hn_ref, Wn1, Wn2, bn, W1, W2, W3, Wep, be, bm,
               h_ref, A_ref, B_ref, Wp_ref):
    h = (jnp.dot(fn_ref[...], Wn1[...], preferred_element_type=jnp.float32)
         + jnp.dot(hn_ref[...], Wn2[...], preferred_element_type=jnp.float32)
         + bn[...])
    h_ref[...] = h
    A_ref[...] = jnp.dot(h, W1[...], preferred_element_type=jnp.float32)
    c0 = jnp.dot(be[...], W3[...], preferred_element_type=jnp.float32) + bm[...]
    B_ref[...] = jnp.dot(h, W2[...], preferred_element_type=jnp.float32) + c0
    Wp_ref[...] = jnp.dot(Wep[...], W3[...], preferred_element_type=jnp.float32)


_prep_call = pl.pallas_call(
    _prep_body,
    out_shape=[
        jax.ShapeDtypeStruct((N, HID), jnp.float32),
        jax.ShapeDtypeStruct((N, HID), jnp.float32),
        jax.ShapeDtypeStruct((N, HID), jnp.float32),
        jax.ShapeDtypeStruct((16, HID), jnp.float32),
    ],
)


def _edgec_body(fe_ref, Wp_ref, C_ref):
    C_ref[...] = jnp.dot(fe_ref[...], Wp_ref[:FE],
                         preferred_element_type=jnp.float32)


_edgec_call = pl.pallas_call(
    _edgec_body,
    grid=(E // BE,),
    in_specs=[
        pl.BlockSpec((BE, FE), lambda i: (i, 0)),
        pl.BlockSpec((16, HID), lambda i: (0, 0)),
    ],
    out_specs=pl.BlockSpec((BE, HID), lambda i: (i, 0)),
    out_shape=jax.ShapeDtypeStruct((E, HID), jnp.float32),
)


def _sc_edge_body(A_hbm, B_hbm, C_hbm, src_hbm, dst_hbm, z_hbm, out_hbm,
                  raw_s, raw_d, ls, ld, le,
                  srcb0, dstg0, dstl0, dstm0, eidb0,
                  bufA0, bufB0, bufC0, bufM0,
                  srcb1, dstg1, dstl1, dstm1, eidb1,
                  bufA1, bufB1, bufC1, bufM1,
                  acc_sh,
                  semA0, semB0, semC0, ssem0,
                  semA1, semB1, semC1, ssem1):
    srcb = (srcb0, srcb1)
    dstg = (dstg0, dstg1)
    dstl = (dstl0, dstl1)
    dstm = (dstm0, dstm1)
    eidb = (eidb0, eidb1)
    bufA = (bufA0, bufA1)
    bufB = (bufB0, bufB1)
    bufC = (bufC0, bufC1)
    bufM = (bufM0, bufM1)
    semA = (semA0, semA1)
    semB = (semB0, semB1)
    semC = (semC0, semC1)
    ssem = (ssem0, ssem1)
    cid = lax.axis_index("c")
    sid = lax.axis_index("s")
    lo = cid * HALF

    pltpu.sync_copy(z_hbm.at[pl.ds(sid * RPT, RPT)],
                    acc_sh.at[pl.ds(sid * RPT, RPT)])
    plsc.subcore_barrier()

    iota = lax.iota(jnp.int32, LANES)
    lo_v = jnp.full((LANES,), lo, jnp.int32)
    ones_v = jnp.full((LANES,), 1, jnp.int32)
    zeros_v = jnp.full((LANES,), 0, jnp.int32)

    def segment(seg, carry0):
        sbase = sid * EPB + seg * SEGSZ
        pltpu.sync_copy(src_hbm.at[pl.ds(sbase, SEGSZ)], raw_s)
        pltpu.sync_copy(dst_hbm.at[pl.ds(sbase, SEGSZ)], raw_d)

        def compact(g, off_v):
            s = raw_s[pl.ds(g * LANES, LANES)]
            d = raw_d[pl.ds(g * LANES, LANES)]
            rel = d - lo_v
            lm = rel.astype(jnp.uint32) < jnp.uint32(HALF)
            lmi = jnp.where(lm, ones_v, zeros_v)
            excl = plsc.cumsum(lmi) - lmi
            idxv = excl + off_v
            plsc.store_scatter(ls, [idxv], s, mask=lm)
            plsc.store_scatter(ld, [idxv], rel, mask=lm)
            plsc.store_scatter(le, [idxv],
                               jnp.full((LANES,), sbase + g * LANES,
                                        jnp.int32) + iota, mask=lm)
            return off_v + plsc.all_reduce_population_count(lm)

        cnt_v = lax.fori_loop(0, SEGG, compact, zeros_v)

        for j in range(K // LANES):
            idxv = cnt_v + jnp.full((LANES,), j * LANES, jnp.int32) + iota
            plsc.store_scatter(ls, [idxv], zeros_v)
            plsc.store_scatter(ld, [idxv],
                               jnp.full((LANES,), APAD - 1, jnp.int32))
            plsc.store_scatter(le, [idxv], zeros_v)

        def valid(i):
            return jnp.any(jnp.full((LANES,), i * K, jnp.int32) < cnt_v)

        def fire(i, j):
            for jj in range(K // LANES):
                sl = pl.ds(i * K + jj * LANES, LANES)
                t = pl.ds(jj * LANES, LANES)
                srcb[j][t] = ls[sl]
                v = ld[sl]
                dstl[j][t] = v
                dstg[j][t] = jnp.minimum(v, HALF - 1) + lo_v
                eidb[j][t] = le[sl]
            pltpu.async_copy(A_hbm.at[srcb[j]], bufA[j], semA[j])
            pltpu.async_copy(B_hbm.at[dstg[j]], bufB[j], semB[j])
            pltpu.async_copy(C_hbm.at[eidb[j]], bufC[j], semC[j])

        RU = 4

        def scat_wait(j):
            pltpu.make_async_copy(bufM[j], acc_sh.at[dstm[j]],
                                  ssem[j]).wait()

        def drain(p, i, j):
            pltpu.make_async_copy(A_hbm.at[srcb[j]], bufA[j], semA[j]).wait()
            pltpu.make_async_copy(B_hbm.at[dstg[j]], bufB[j], semB[j]).wait()
            pltpu.make_async_copy(C_hbm.at[eidb[j]], bufC[j], semC[j]).wait()
            pl.when(jnp.logical_and(p > 0, valid(i - NBUF)))(
                lambda j=j: scat_wait(j))

            def row(r4, c2):
                for u in range(RU):
                    r = r4 * RU + u
                    for c in range(HID // LANES):
                        slc = pl.ds(c * LANES, LANES)
                        v2 = (bufA[j][r, slc] + bufB[j][r, slc]
                              + bufC[j][r, slc])
                        bufM[j][r, slc] = jnp.maximum(v2, 0.0)
                return c2

            lax.fori_loop(0, K // RU, row, 0)
            for jj in range(K // LANES):
                t = pl.ds(jj * LANES, LANES)
                dstm[j][t] = dstl[j][t]
            pltpu.async_copy(bufM[j], acc_sh.at[dstm[j]], ssem[j],
                             add=True)

        for j in range(NBUF):
            pl.when(valid(j))(lambda j=j: fire(j, j))

        def superchunk(p):
            base = p * NBUF
            for j in range(NBUF):
                i = base + j
                pl.when(valid(i))(lambda p=p, i=i, j=j: drain(p, i, j))
                pl.when(valid(i + NBUF))(
                    lambda i=i + NBUF, j=j: fire(i, j))
            return p + 1

        p_end = lax.while_loop(lambda p: valid(p * NBUF), superchunk,
                               jnp.int32(0))
        for j in range(NBUF):
            pl.when(jnp.logical_and(
                p_end > 0, valid((p_end - 1) * NBUF + j)))(
                lambda j=j: scat_wait(j))
        return carry0

    lax.fori_loop(0, NSEG, segment, 0)
    plsc.subcore_barrier()
    pltpu.sync_copy(acc_sh.at[pl.ds(sid * RPT, RPT)],
                    out_hbm.at[cid, pl.ds(sid * RPT, RPT)])


_sc_call = pl.kernel(
    _sc_edge_body,
    out_type=jax.ShapeDtypeStruct((NC, APAD, HID), jnp.float32),
    mesh=plsc.VectorSubcoreMesh(core_axis_name="c", subcore_axis_name="s",
                                num_cores=NC),
    compiler_params=pltpu.CompilerParams(needs_layout_passes=False),
    scratch_types=[
        pltpu.VMEM((SEGSZ,), jnp.int32),
        pltpu.VMEM((SEGSZ,), jnp.int32),
        pltpu.VMEM((LCAP,), jnp.int32),
        pltpu.VMEM((LCAP,), jnp.int32),
        pltpu.VMEM((LCAP,), jnp.int32),
    ] + [
        t
        for _ in range(NBUF)
        for t in (
            pltpu.VMEM((K,), jnp.int32),
            pltpu.VMEM((K,), jnp.int32),
            pltpu.VMEM((K,), jnp.int32),
            pltpu.VMEM((K,), jnp.int32),
            pltpu.VMEM((K,), jnp.int32),
            pltpu.VMEM((K, HID), jnp.float32),
            pltpu.VMEM((K, HID), jnp.float32),
            pltpu.VMEM((K, HID), jnp.float32),
            pltpu.VMEM((K, HID), jnp.float32),
        )
    ] + [
        pltpu.VMEM_SHARED((APAD, HID), jnp.float32),
    ] + [pltpu.SemaphoreType.DMA] * (4 * NBUF),
)


def _final_body(h_ref, p_ref, Wu1, Wu2, bu, o_ref):
    agg = jnp.concatenate([p_ref[0, :HALF], p_ref[1, :HALF]], axis=0)
    o_ref[...] = (jnp.dot(h_ref[...], Wu1[...], preferred_element_type=jnp.float32)
                  + jnp.dot(agg, Wu2[...], preferred_element_type=jnp.float32)
                  + bu[...])


_final_call = pl.pallas_call(
    _final_body,
    out_shape=jax.ShapeDtypeStruct((N, LAT), jnp.float32),
)


def kernel(fn, hn, fe, edge_index, W_node, b_node, W_edge, b_edge,
           W_msg, b_msg, W_upd, b_upd):
    Wn1, Wn2 = W_node[:FN], W_node[FN:]
    W1, W2, W3 = W_msg[:HID], W_msg[HID:2 * HID], W_msg[2 * HID:]
    Wep = jnp.zeros((16, HID), jnp.float32).at[:FE].set(W_edge)
    bn = b_node.reshape(1, HID)
    be = b_edge.reshape(1, HID)
    bm = b_msg.reshape(1, HID)

    h, A, B, Wp = _prep_call(fn, hn, Wn1, Wn2, bn, W1, W2, W3, Wep, be, bm)

    C = _edgec_call(fe, Wp)

    zeros = jnp.zeros((APAD, HID), jnp.float32)
    parts = _sc_call(A, B, C, edge_index[0], edge_index[1], zeros)

    Wu1, Wu2 = W_upd[:HID], W_upd[HID:]
    bu = b_upd.reshape(1, LAT)
    return _final_call(h, parts, Wu1, Wu2, bu)

# --- scband reference (transcript-rebuilt; emitter-appended) ---
"""Pipeline reference for scband-encoder-29901562314954 (READ-ONLY COPY).

The authoritative reference and input builder live on the scoring server;
editing this copy changes nothing except your own understanding.
"""

import jax, jax.numpy as jnp
import numpy as np

N = 10000
E = 320000
FN = 64
IN = 64
HID = 128
FE = 9
LAT = 128


def setup_inputs(seed: int = 0) -> dict:
    key = jax.random.key(seed)
    ks = jax.random.split(key, 10)
    fn = jax.random.normal(ks[0], (N, FN), dtype=jnp.float32)
    hn = jax.random.normal(ks[1], (N, IN), dtype=jnp.float32)
    fe = jax.random.normal(ks[2], (E, FE), dtype=jnp.float32)
    edge_index = jax.random.randint(ks[3], (2, E), 0, N, dtype=jnp.int32)
    # node_proj: Linear(irreps_fn.dim + irreps_in.dim -> irreps_hidden.dim)
    W_node = jax.random.normal(ks[4], (FN + IN, HID), dtype=jnp.float32) / np.sqrt(FN + IN)
    b_node = jnp.zeros((HID,), dtype=jnp.float32)
    # edge_proj: Linear(irreps_fe.dim -> irreps_hidden.dim)
    W_edge = jax.random.normal(ks[5], (FE, HID), dtype=jnp.float32) / np.sqrt(FE)
    b_edge = jnp.zeros((HID,), dtype=jnp.float32)
    # nEq_NLMP message MLP: [h_src, h_dst, h_edge] -> latent
    W_msg = jax.random.normal(ks[6], (3 * HID, LAT), dtype=jnp.float32) / np.sqrt(3 * HID)
    b_msg = jnp.zeros((LAT,), dtype=jnp.float32)
    # nEq_NLMP node update: [h, agg_msg] -> latent
    W_upd = jax.random.normal(ks[7], (HID + LAT, LAT), dtype=jnp.float32) / np.sqrt(HID + LAT)
    b_upd = jnp.zeros((LAT,), dtype=jnp.float32)
    return {
        "fn": fn, "hn": hn, "fe": fe, "edge_index": edge_index,
        "W_node": W_node, "b_node": b_node,
        "W_edge": W_edge, "b_edge": b_edge,
        "W_msg": W_msg, "b_msg": b_msg,
        "W_upd": W_upd, "b_upd": b_upd,
    }


def reference(fn, hn, fe, edge_index, W_node, b_node, W_edge, b_edge, W_msg, b_msg, W_upd, b_upd):
    # data.hn = self.node_proj(torch.cat([data.fn, data.hn], dim=-1))
    h = jnp.concatenate([fn, hn], axis=-1) @ W_node + b_node
    # data.he = self.edge_proj(data.fe)
    e = fe @ W_edge + b_edge
    # nonlinear message passing (nEq_NLMP): per-edge message MLP + scatter-add aggregation
    src = edge_index[0]
    dst = edge_index[1]
    h_src = jnp.take(h, src, axis=0)
    h_dst = jnp.take(h, dst, axis=0)
    m = jax.nn.relu(jnp.concatenate([h_src, h_dst, e], axis=-1) @ W_msg + b_msg)
    agg = jax.ops.segment_sum(m, dst, num_segments=N)
    # node update to latent irreps
    h_out = jnp.concatenate([h, agg], axis=-1) @ W_upd + b_upd
    return h_out

if __name__ == "__main__":
    import jax
    _d = setup_inputs()
    print(jax.jit(kernel)(*tuple(_d.values())))

</pallas_src>

<mosaic_0001>
#map = affine_map<(d0, d1) -> (0, 0)>
#map1 = affine_map<(d0, d1) -> (0)>
#map2 = affine_map<(d0, d1) -> (0, 0, 0)>
module attributes {stable_mosaic.version = 14 : i64} {
  func.func @_sc_edge_body(%arg0: i32, %arg1: i32, %arg2: memref<10000x128xf32, #tpu.memory_space<hbm>>, %arg3: memref<10000x128xf32, #tpu.memory_space<hbm>>, %arg4: memref<320000x128xf32, #tpu.memory_space<hbm>>, %arg5: memref<320000xi32, #tpu.memory_space<hbm>>, %arg6: memref<320000xi32, #tpu.memory_space<hbm>>, %arg7: memref<5120x128xf32, #tpu.memory_space<hbm>>, %arg8: memref<2x5120x128xf32, #tpu.memory_space<hbm>>, %arg9: memref<2000xi32, #tpu.memory_space<vmem>>, %arg10: memref<2000xi32, #tpu.memory_space<vmem>>, %arg11: memref<2064xi32, #tpu.memory_space<vmem>>, %arg12: memref<2064xi32, #tpu.memory_space<vmem>>, %arg13: memref<2064xi32, #tpu.memory_space<vmem>>, %arg14: memref<64xi32, #tpu.memory_space<vmem>>, %arg15: memref<64xi32, #tpu.memory_space<vmem>>, %arg16: memref<64xi32, #tpu.memory_space<vmem>>, %arg17: memref<64xi32, #tpu.memory_space<vmem>>, %arg18: memref<64xi32, #tpu.memory_space<vmem>>, %arg19: memref<64x128xf32, #tpu.memory_space<vmem>>, %arg20: memref<64x128xf32, #tpu.memory_space<vmem>>, %arg21: memref<64x128xf32, #tpu.memory_space<vmem>>, %arg22: memref<64x128xf32, #tpu.memory_space<vmem>>, %arg23: memref<64xi32, #tpu.memory_space<vmem>>, %arg24: memref<64xi32, #tpu.memory_space<vmem>>, %arg25: memref<64xi32, #tpu.memory_space<vmem>>, %arg26: memref<64xi32, #tpu.memory_space<vmem>>, %arg27: memref<64xi32, #tpu.memory_space<vmem>>, %arg28: memref<64x128xf32, #tpu.memory_space<vmem>>, %arg29: memref<64x128xf32, #tpu.memory_space<vmem>>, %arg30: memref<64x128xf32, #tpu.memory_space<vmem>>, %arg31: memref<64x128xf32, #tpu.memory_space<vmem>>, %arg32: memref<5120x128xf32, #tpu.memory_space<vmem_shared>>, %arg33: memref<!tpu.dma_semaphore, #tpu.memory_space<semaphore_mem>>, %arg34: memref<!tpu.dma_semaphore, #tpu.memory_space<semaphore_mem>>, %arg35: memref<!tpu.dma_semaphore, #tpu.memory_space<semaphore_mem>>, %arg36: memref<!tpu.dma_semaphore, #tpu.memory_space<semaphore_mem>>, %arg37: memref<!tpu.dma_semaphore, #tpu.memory_space<semaphore_mem>>, %arg38: memref<!tpu.dma_semaphore, #tpu.memory_space<semaphore_mem>>, %arg39: memref<!tpu.dma_semaphore, #tpu.memory_space<semaphore_mem>>, %arg40: memref<!tpu.dma_semaphore, #tpu.memory_space<semaphore_mem>>) attributes {dimension_semantics = [#tpu.dimension_semantics<core_parallel>, #tpu.dimension_semantics<subcore_parallel>], iteration_bounds = array<i64: 2, 16>, scalar_prefetch = 0 : i64, scratch_operands = 32 : i64, tpu.core_type = #tpu.core_type<sc_vector_subcore>, window_params = [{transform_indices = #map}, {transform_indices = #map}, {transform_indices = #map}, {transform_indices = #map1}, {transform_indices = #map1}, {transform_indices = #map}, {transform_indices = #map2}]} {
    %mul3A = arith.constant 5000 : i32
    %mul3A_0 = arith.muli %arg0, %mul3A : i32
    %mul3A_1 = arith.constant 320 : i32
    %mul3A_2 = arith.muli %arg1, %mul3A_1 : i32
    %mul3A_3 = arith.constant 320 : i32
    %mul3A_4 = arith.muli %arg1, %mul3A_3 : i32
    "tpu.region"() ({
      %run_scoped3A = tpu.sem_alloc : memref<!tpu.dma_semaphore, #tpu.memory_space<semaphore_mem>>
      %dma_start3A = arith.constant 0 : i32
      %dma_start3A_19 = tpu.memref_slice %arg32[%mul3A_4, %dma_start3A] : memref<5120x128xf32, #tpu.memory_space<vmem_shared>> -> memref<320x128xf32, #tpu.memory_space<vmem_shared>>
      %dma_start3A_20 = arith.constant 0 : i32
      %dma_start3A_21 = tpu.memref_slice %arg7[%mul3A_2, %dma_start3A_20] : memref<5120x128xf32, #tpu.memory_space<hbm>> -> memref<320x128xf32, #tpu.memory_space<hbm>>
      tpu.enqueue_dma source(%dma_start3A_21 : memref<320x128xf32, #tpu.memory_space<hbm>>) target(%dma_start3A_19 : memref<320x128xf32, #tpu.memory_space<vmem_shared>>) target_semaphore(%run_scoped3A : memref<!tpu.dma_semaphore, #tpu.memory_space<semaphore_mem>>)
      %dma_wait3A = arith.constant 0 : i32
      %dma_wait3A_22 = tpu.memref_slice %arg32[%mul3A_4, %dma_wait3A] : memref<5120x128xf32, #tpu.memory_space<vmem_shared>> -> memref<320x128xf32, #tpu.memory_space<vmem_shared>>
      %dma_wait3A_23 = arith.constant 0 : i32
      %dma_wait3A_24 = tpu.memref_slice %arg7[%mul3A_2, %dma_wait3A_23] : memref<5120x128xf32, #tpu.memory_space<hbm>> -> memref<320x128xf32, #tpu.memory_space<hbm>>
      tpu.wait_dma2 semaphore(%run_scoped3A : memref<!tpu.dma_semaphore, #tpu.memory_space<semaphore_mem>>) src(%dma_wait3A_24 : memref<320x128xf32, #tpu.memory_space<hbm>>) dst(%dma_wait3A_22 : memref<320x128xf32, #tpu.memory_space<vmem_shared>>)
      tpu.yield
    }) : () -> ()
    %barrier3A = arith.constant 0 : index
    tpu.barrier barrier_id(%barrier3A)
    %iota3A = tpu.iota {dimensions = array<i32: 0>} : vector<16xi32>
    %broadcast_in_dim3A = vector.broadcast %mul3A_0 : i32 to vector<16xi32>
    %broadcast_in_dim3A_5 = arith.constant 1 : i32
    %broadcast_in_dim3A_6 = vector.broadcast %broadcast_in_dim3A_5 : i32 to vector<16xi32>
    %broadcast_in_dim3A_7 = arith.constant 0 : i32
    %broadcast_in_dim3A_8 = vector.broadcast %broadcast_in_dim3A_7 : i32 to vector<16xi32>
    %scan3A = arith.constant 0 : i32
    %scan3A_9 = arith.constant 0 : i32
    %scan3A_10 = arith.constant 10 : i32
    %scan3A_11 = arith.addi %scan3A_9, %scan3A_10 : i32
    %scan3A_12 = arith.constant 1 : i32
    scf.for %scan3A_19 = %scan3A_9 to %scan3A_11 step %scan3A_12  : i32 {
      %mul3A_20 = arith.constant 20000 : i32
      %mul3A_21 = arith.muli %arg1, %mul3A_20 : i32
      %mul3A_22 = arith.constant 2000 : i32
      %mul3A_23 = arith.muli %scan3A_19, %mul3A_22 : i32
      %add3A = arith.addi %mul3A_21, %mul3A_23 : i32
      "tpu.region"() ({
        %run_scoped3A = tpu.sem_alloc : memref<!tpu.dma_semaphore, #tpu.memory_space<semaphore_mem>>
        %dma_start3A = tpu.memref_slice %arg5[%add3A] : memref<320000xi32, #tpu.memory_space<hbm>> -> memref<2000xi32, #tpu.memory_space<hbm>>
        %dma_start3A_136 = tpu.memref_slice %arg5[%add3A] : memref<320000xi32, #tpu.memory_space<hbm>> -> memref<2000xi32, #tpu.memory_space<hbm>>
        tpu.enqueue_dma source(%dma_start3A_136 : memref<2000xi32, #tpu.memory_space<hbm>>) target(%arg9 : memref<2000xi32, #tpu.memory_space<vmem>>) target_semaphore(%run_scoped3A : memref<!tpu.dma_semaphore, #tpu.memory_space<semaphore_mem>>)
        %dma_wait3A = tpu.memref_slice %arg5[%add3A] : memref<320000xi32, #tpu.memory_space<hbm>> -> memref<2000xi32, #tpu.memory_space<hbm>>
        %dma_wait3A_137 = tpu.memref_slice %arg5[%add3A] : memref<320000xi32, #tpu.memory_space<hbm>> -> memref<2000xi32, #tpu.memory_space<hbm>>
        tpu.wait_dma2 semaphore(%run_scoped3A : memref<!tpu.dma_semaphore, #tpu.memory_space<semaphore_mem>>) src(%dma_wait3A_137 : memref<2000xi32, #tpu.memory_space<hbm>>) dst(%arg9 : memref<2000xi32, #tpu.memory_space<vmem>>)
        tpu.yield
      }) : () -> ()
      "tpu.region"() ({
        %run_scoped3A = tpu.sem_alloc : memref<!tpu.dma_semaphore, #tpu.memory_space<semaphore_mem>>
        %dma_start3A = tpu.memref_slice %arg6[%add3A] : memref<320000xi32, #tpu.memory_space<hbm>> -> memref<2000xi32, #tpu.memory_space<hbm>>
        %dma_start3A_136 = tpu.memref_slice %arg6[%add3A] : memref<320000xi32, #tpu.memory_space<hbm>> -> memref<2000xi32, #tpu.memory_space<hbm>>
        tpu.enqueue_dma source(%dma_start3A_136 : memref<2000xi32, #tpu.memory_space<hbm>>) target(%arg10 : memref<2000xi32, #tpu.memory_space<vmem>>) target_semaphore(%run_scoped3A : memref<!tpu.dma_semaphore, #tpu.memory_space<semaphore_mem>>)
        %dma_wait3A = tpu.memref_slice %arg6[%add3A] : memref<320000xi32, #tpu.memory_space<hbm>> -> memref<2000xi32, #tpu.memory_space<hbm>>
        %dma_wait3A_137 = tpu.memref_slice %arg6[%add3A] : memref<320000xi32, #tpu.memory_space<hbm>> -> memref<2000xi32, #tpu.memory_space<hbm>>
        tpu.wait_dma2 semaphore(%run_scoped3A : memref<!tpu.dma_semaphore, #tpu.memory_space<semaphore_mem>>) src(%dma_wait3A_137 : memref<2000xi32, #tpu.memory_space<hbm>>) dst(%arg10 : memref<2000xi32, #tpu.memory_space<vmem>>)
        tpu.yield
      }) : () -> ()
      %scan3A_24 = arith.constant 0 : i32
      %scan3A_25 = arith.constant 125 : i32
      %scan3A_26 = arith.addi %scan3A_24, %scan3A_25 : i32
      %scan3A_27 = arith.constant 1 : i32
      %scan3A_28 = scf.for %scan3A_136 = %scan3A_24 to %scan3A_26 step %scan3A_27 iter_args(%scan3A_137 = %broadcast_in_dim3A_8) -> (vector<16xi32>)  : i32 {
        %mul3A_138 = arith.constant 16 : i32
        %mul3A_139 = arith.muli %scan3A_136, %mul3A_138 : i32
        %get3A = arith.index_cast %mul3A_139 : i32 to index
        %get3A_140 = tpu.vector_load %arg9[%get3A] {strides = array<i32>} : memref<2000xi32, #tpu.memory_space<vmem>>, vector<16xi32>,
        %mul3A_141 = arith.constant 16 : i32
        %mul3A_142 = arith.muli %scan3A_136, %mul3A_141 : i32
        %get3A_143 = arith.index_cast %mul3A_142 : i32 to index
        %get3A_144 = tpu.vector_load %arg10[%get3A_143] {strides = array<i32>} : memref<2000xi32, #tpu.memory_space<vmem>>, vector<16xi32>,
        %sub3A_145 = arith.subi %get3A_144, %broadcast_in_dim3A : vector<16xi32>
        %lt3A_146 = arith.constant 5000 : i32
        %lt3A_147 = vector.broadcast %lt3A_146 : i32 to vector<16xi32>
        %lt3A_148 = arith.cmpi ult, %sub3A_145, %lt3A_147 : vector<16xi32>
        %select_n3A = arith.select %lt3A_148, %broadcast_in_dim3A_6, %broadcast_in_dim3A_8 : vector<16xi1>, vector<16xi32>
        %broadcast_in_dim3A_149 = arith.constant true
        %broadcast_in_dim3A_150 = vector.broadcast %broadcast_in_dim3A_149 : i1 to vector<16xi1>
        %masked_cumsum3A = tpu.scan <sum>, %select_n3A masked %broadcast_in_dim3A_150 : vector<16xi32>, vector<16xi1> -> vector<16xi32>
        %sub3A_151 = arith.subi %masked_cumsum3A, %select_n3A : vector<16xi32>
        %add3A_152 = arith.addi %sub3A_151, %scan3A_137 : vector<16xi32>
        tpu.vector_store_idx %arg11[%add3A_152], %get3A_140 masked %lt3A_148 : memref<2064xi32, #tpu.memory_space<vmem>>[vector<16xi32>], vector<16xi32>, vector<16xi1>
        tpu.vector_store_idx %arg12[%add3A_152], %sub3A_145 masked %lt3A_148 : memref<2064xi32, #tpu.memory_space<vmem>>[vector<16xi32>], vector<16xi32>, vector<16xi1>
        %mul3A_153 = arith.constant 16 : i32
        %mul3A_154 = arith.muli %scan3A_136, %mul3A_153 : i32
        %add3A_155 = arith.addi %add3A, %mul3A_154 : i32
        %broadcast_in_dim3A_156 = vector.broadcast %add3A_155 : i32 to vector<16xi32>
        %add3A_157 = arith.addi %broadcast_in_dim3A_156, %iota3A : vector<16xi32>
        tpu.vector_store_idx %arg13[%add3A_152], %add3A_157 masked %lt3A_148 : memref<2064xi32, #tpu.memory_space<vmem>>[vector<16xi32>], vector<16xi32>, vector<16xi1>
        %all_reduce_population_count3A = tpu.all_reduce %lt3A_148 {dim = 0 : i64, kind = #tpu.reduction_kind<sum>} : vector<16xi1> -> vector<16xi32>
        %add3A_158 = arith.addi %scan3A_137, %all_reduce_population_count3A : vector<16xi32>
        scf.yield %add3A_158 : vector<16xi32>
      }
      %scan3A_29 = arith.constant 125 : i32
      %broadcast_in_dim3A_30 = arith.constant 0 : i32
      %broadcast_in_dim3A_31 = vector.broadcast %broadcast_in_dim3A_30 : i32 to vector<16xi32>
      %add3A_32 = arith.addi %scan3A_28, %broadcast_in_dim3A_31 : vector<16xi32>
      %add3A_33 = arith.addi %add3A_32, %iota3A : vector<16xi32>
      tpu.vector_store_idx %arg11[%add3A_33], %broadcast_in_dim3A_8 : memref<2064xi32, #tpu.memory_space<vmem>>[vector<16xi32>], vector<16xi32>,
      %broadcast_in_dim3A_34 = arith.constant 5119 : i32
      %broadcast_in_dim3A_35 = vector.broadcast %broadcast_in_dim3A_34 : i32 to vector<16xi32>
      tpu.vector_store_idx %arg12[%add3A_33], %broadcast_in_dim3A_35 : memref<2064xi32, #tpu.memory_space<vmem>>[vector<16xi32>], vector<16xi32>,
      tpu.vector_store_idx %arg13[%add3A_33], %broadcast_in_dim3A_8 : memref<2064xi32, #tpu.memory_space<vmem>>[vector<16xi32>], vector<16xi32>,
      %broadcast_in_dim3A_36 = arith.constant 16 : i32
      %broadcast_in_dim3A_37 = vector.broadcast %broadcast_in_dim3A_36 : i32 to vector<16xi32>
      %add3A_38 = arith.addi %scan3A_28, %broadcast_in_dim3A_37 : vector<16xi32>
      %add3A_39 = arith.addi %add3A_38, %iota3A : vector<16xi32>
      tpu.vector_store_idx %arg11[%add3A_39], %broadcast_in_dim3A_8 : memref<2064xi32, #tpu.memory_space<vmem>>[vector<16xi32>], vector<16xi32>,
      %broadcast_in_dim3A_40 = arith.constant 5119 : i32
      %broadcast_in_dim3A_41 = vector.broadcast %broadcast_in_dim3A_40 : i32 to vector<16xi32>
      tpu.vector_store_idx %arg12[%add3A_39], %broadcast_in_dim3A_41 : memref<2064xi32, #tpu.memory_space<vmem>>[vector<16xi32>], vector<16xi32>,
      tpu.vector_store_idx %arg13[%add3A_39], %broadcast_in_dim3A_8 : memref<2064xi32, #tpu.memory_space<vmem>>[vector<16xi32>], vector<16xi32>,
      %broadcast_in_dim3A_42 = arith.constant 32 : i32
      %broadcast_in_dim3A_43 = vector.broadcast %broadcast_in_dim3A_42 : i32 to vector<16xi32>
      %add3A_44 = arith.addi %scan3A_28, %broadcast_in_dim3A_43 : vector<16xi32>
      %add3A_45 = arith.addi %add3A_44, %iota3A : vector<16xi32>
      tpu.vector_store_idx %arg11[%add3A_45], %broadcast_in_dim3A_8 : memref<2064xi32, #tpu.memory_space<vmem>>[vector<16xi32>], vector<16xi32>,
      %broadcast_in_dim3A_46 = arith.constant 5119 : i32
      %broadcast_in_dim3A_47 = vector.broadcast %broadcast_in_dim3A_46 : i32 to vector<16xi32>
      tpu.vector_store_idx %arg12[%add3A_45], %broadcast_in_dim3A_47 : memref<2064xi32, #tpu.memory_space<vmem>>[vector<16xi32>], vector<16xi32>,
      tpu.vector_store_idx %arg13[%add3A_45], %broadcast_in_dim3A_8 : memref<2064xi32, #tpu.memory_space<vmem>>[vector<16xi32>], vector<16xi32>,
      %broadcast_in_dim3A_48 = arith.constant 48 : i32
      %broadcast_in_dim3A_49 = vector.broadcast %broadcast_in_dim3A_48 : i32 to vector<16xi32>
      %add3A_50 = arith.addi %scan3A_28, %broadcast_in_dim3A_49 : vector<16xi32>
      %add3A_51 = arith.addi %add3A_50, %iota3A : vector<16xi32>
      tpu.vector_store_idx %arg11[%add3A_51], %broadcast_in_dim3A_8 : memref<2064xi32, #tpu.memory_space<vmem>>[vector<16xi32>], vector<16xi32>,
      %broadcast_in_dim3A_52 = arith.constant 5119 : i32
      %broadcast_in_dim3A_53 = vector.broadcast %broadcast_in_dim3A_52 : i32 to vector<16xi32>
      tpu.vector_store_idx %arg12[%add3A_51], %broadcast_in_dim3A_53 : memref<2064xi32, #tpu.memory_space<vmem>>[vector<16xi32>], vector<16xi32>,
      tpu.vector_store_idx %arg13[%add3A_51], %broadcast_in_dim3A_8 : memref<2064xi32, #tpu.memory_space<vmem>>[vector<16xi32>], vector<16xi32>,
      %broadcast_in_dim3A_54 = arith.constant 0 : i32
      %broadcast_in_dim3A_55 = vector.broadcast %broadcast_in_dim3A_54 : i32 to vector<16xi32>
      %lt3A = arith.cmpi slt, %broadcast_in_dim3A_55, %scan3A_28 : vector<16xi32>
      %reduce_or3A = arith.constant 1.000000e+00 : f32
      %reduce_or3A_56 = arith.constant 0.000000e+00 : f32
      %reduce_or3A_57 = vector.broadcast %reduce_or3A : f32 to vector<16xf32>
      %reduce_or3A_58 = vector.broadcast %reduce_or3A_56 : f32 to vector<16xf32>
      %reduce_or3A_59 = arith.select %lt3A, %reduce_or3A_57, %reduce_or3A_58 : vector<16xi1>, vector<16xf32>
      %reduce_or3A_60 = arith.constant true
      %reduce_or3A_61 = vector.broadcast %reduce_or3A_60 : i1 to vector<16xi1>
      %reduce_or3A_62 = tpu.scan <max>, %reduce_or3A_59 masked %reduce_or3A_61 : vector<16xf32>, vector<16xi1> -> vector<16xf32>
      %reduce_or3A_63 = vector.extract %reduce_or3A_62[15] : f32 from vector<16xf32>
      %reduce_or3A_64 = arith.constant 0.000000e+00 : f32
      %reduce_or3A_65 = arith.cmpf ogt, %reduce_or3A_63, %reduce_or3A_64 : f32
      %convert_element_type3A = arith.extui %reduce_or3A_65 : i1 to i32
      %cond3A = arith.constant 0 : i32
      %cond3A_66 = arith.cmpi ne, %convert_element_type3A, %cond3A : i32
      scf.if %cond3A_66 {
        %get3A = arith.constant 0 : index
        %get3A_136 = tpu.vector_load %arg11[%get3A] {strides = array<i32>} : memref<2064xi32, #tpu.memory_space<vmem>>, vector<16xi32>,
        %swap3A = arith.constant 0 : index
        %swap3A_137 = tpu.vector_load %arg14[%swap3A] {strides = array<i32>} : memref<64xi32, #tpu.memory_space<vmem>>, vector<16xi32>,
        tpu.vector_store %arg14[%swap3A], %get3A_136 {strides = array<i32>} : memref<64xi32, #tpu.memory_space<vmem>>, vector<16xi32>,
        %get3A_138 = arith.constant 0 : index
        %get3A_139 = tpu.vector_load %arg12[%get3A_138] {strides = array<i32>} : memref<2064xi32, #tpu.memory_space<vmem>>, vector<16xi32>,
        %swap3A_140 = arith.constant 0 : index
        %swap3A_141 = tpu.vector_load %arg16[%swap3A_140] {strides = array<i32>} : memref<64xi32, #tpu.memory_space<vmem>>, vector<16xi32>,
        tpu.vector_store %arg16[%swap3A_140], %get3A_139 {strides = array<i32>} : memref<64xi32, #tpu.memory_space<vmem>>, vector<16xi32>,
        %min3A = arith.constant 4999 : i32
        %min3A_142 = vector.broadcast %min3A : i32 to vector<16xi32>
        %min3A_143 = arith.minsi %get3A_139, %min3A_142 : vector<16xi32>
        %add3A_144 = arith.addi %min3A_143, %broadcast_in_dim3A : vector<16xi32>
        %swap3A_145 = arith.constant 0 : index
        %swap3A_146 = tpu.vector_load %arg15[%swap3A_145] {strides = array<i32>} : memref<64xi32, #tpu.memory_space<vmem>>, vector<16xi32>,
        tpu.vector_store %arg15[%swap3A_145], %add3A_144 {strides = array<i32>} : memref<64xi32, #tpu.memory_space<vmem>>, vector<16xi32>,
        %get3A_147 = arith.constant 0 : index
        %get3A_148 = tpu.vector_load %arg13[%get3A_147] {strides = array<i32>} : memref<2064xi32, #tpu.memory_space<vmem>>, vector<16xi32>,
        %swap3A_149 = arith.constant 0 : index
        %swap3A_150 = tpu.vector_load %arg18[%swap3A_149] {strides = array<i32>} : memref<64xi32, #tpu.memory_space<vmem>>, vector<16xi32>,
        tpu.vector_store %arg18[%swap3A_149], %get3A_148 {strides = array<i32>} : memref<64xi32, #tpu.memory_space<vmem>>, vector<16xi32>,
        %get3A_151 = arith.constant 16 : index
        %get3A_152 = tpu.vector_load %arg11[%get3A_151] {strides = array<i32>} : memref<2064xi32, #tpu.memory_space<vmem>>, vector<16xi32>,
        %swap3A_153 = arith.constant 16 : index
        %swap3A_154 = tpu.vector_load %arg14[%swap3A_153] {strides = array<i32>} : memref<64xi32, #tpu.memory_space<vmem>>, vector<16xi32>,
        tpu.vector_store %arg14[%swap3A_153], %get3A_152 {strides = array<i32>} : memref<64xi32, #tpu.memory_space<vmem>>, vector<16xi32>,
        %get3A_155 = arith.constant 16 : index
        %get3A_156 = tpu.vector_load %arg12[%get3A_155] {strides = array<i32>} : memref<2064xi32, #tpu.memory_space<vmem>>, vector<16xi32>,
        %swap3A_157 = arith.constant 16 : index
        %swap3A_158 = tpu.vector_load %arg16[%swap3A_157] {strides = array<i32>} : memref<64xi32, #tpu.memory_space<vmem>>, vector<16xi32>,
        tpu.vector_store %arg16[%swap3A_157], %get3A_156 {strides = array<i32>} : memref<64xi32, #tpu.memory_space<vmem>>, vector<16xi32>,
        %min3A_159 = arith.constant 4999 : i32
        %min3A_160 = vector.broadcast %min3A_159 : i32 to vector<16xi32>
        %min3A_161 = arith.minsi %get3A_156, %min3A_160 : vector<16xi32>
        %add3A_162 = arith.addi %min3A_161, %broadcast_in_dim3A : vector<16xi32>
        %swap3A_163 = arith.constant 16 : index
        %swap3A_164 = tpu.vector_load %arg15[%swap3A_163] {strides = array<i32>} : memref<64xi32, #tpu.memory_space<vmem>>, vector<16xi32>,
        tpu.vector_store %arg15[%swap3A_163], %add3A_162 {strides = array<i32>} : memref<64xi32, #tpu.memory_space<vmem>>, vector<16xi32>,
        %get3A_165 = arith.constant 16 : index
        %get3A_166 = tpu.vector_load %arg13[%get3A_165] {strides = array<i32>} : memref<2064xi32, #tpu.memory_space<vmem>>, vector<16xi32>,
        %swap3A_167 = arith.constant 16 : index
        %swap3A_168 = tpu.vector_load %arg18[%swap3A_167] {strides = array<i32>} : memref<64xi32, #tpu.memory_space<vmem>>, vector<16xi32>,
        tpu.vector_store %arg18[%swap3A_167], %get3A_166 {strides = array<i32>} : memref<64xi32, #tpu.memory_space<vmem>>, vector<16xi32>,
        %get3A_169 = arith.constant 32 : index
        %get3A_170 = tpu.vector_load %arg11[%get3A_169] {strides = array<i32>} : memref<2064xi32, #tpu.memory_space<vmem>>, vector<16xi32>,
        %swap3A_171 = arith.constant 32 : index
        %swap3A_172 = tpu.vector_load %arg14[%swap3A_171] {strides = array<i32>} : memref<64xi32, #tpu.memory_space<vmem>>, vector<16xi32>,
        tpu.vector_store %arg14[%swap3A_171], %get3A_170 {strides = array<i32>} : memref<64xi32, #tpu.memory_space<vmem>>, vector<16xi32>,
        %get3A_173 = arith.constant 32 : index
        %get3A_174 = tpu.vector_load %arg12[%get3A_173] {strides = array<i32>} : memref<2064xi32, #tpu.memory_space<vmem>>, vector<16xi32>,
        %swap3A_175 = arith.constant 32 : index
        %swap3A_176 = tpu.vector_load %arg16[%swap3A_175] {strides = array<i32>} : memref<64xi32, #tpu.memory_space<vmem>>, vector<16xi32>,
        tpu.vector_store %arg16[%swap3A_175], %get3A_174 {strides = array<i32>} : memref<64xi32, #tpu.memory_space<vmem>>, vector<16xi32>,
        %min3A_177 = arith.constant 4999 : i32
        %min3A_178 = vector.broadcast %min3A_177 : i32 to vector<16xi32>
        %min3A_179 = arith.minsi %get3A_174, %min3A_178 : vector<16xi32>
        %add3A_180 = arith.addi %min3A_179, %broadcast_in_dim3A : vector<16xi32>
        %swap3A_181 = arith.constant 32 : index
        %swap3A_182 = tpu.vector_load %arg15[%swap3A_181] {strides = array<i32>} : memref<64xi32, #tpu.memory_space<vmem>>, vector<16xi32>,
        tpu.vector_store %arg15[%swap3A_181], %add3A_180 {strides = array<i32>} : memref<64xi32, #tpu.memory_space<vmem>>, vector<16xi32>,
        %get3A_183 = arith.constant 32 : index
        %get3A_184 = tpu.vector_load %arg13[%get3A_183] {strides = array<i32>} : memref<2064xi32, #tpu.memory_space<vmem>>, vector<16xi32>,
        %swap3A_185 = arith.constant 32 : index
        %swap3A_186 = tpu.vector_load %arg18[%swap3A_185] {strides = array<i32>} : memref<64xi32, #tpu.memory_space<vmem>>, vector<16xi32>,
        tpu.vector_store %arg18[%swap3A_185], %get3A_184 {strides = array<i32>} : memref<64xi32, #tpu.memory_space<vmem>>, vector<16xi32>,
        %get3A_187 = arith.constant 48 : index
        %get3A_188 = tpu.vector_load %arg11[%get3A_187] {strides = array<i32>} : memref<2064xi32, #tpu.memory_space<vmem>>, vector<16xi32>,
        %swap3A_189 = arith.constant 48 : index
        %swap3A_190 = tpu.vector_load %arg14[%swap3A_189] {strides = array<i32>} : memref<64xi32, #tpu.memory_space<vmem>>, vector<16xi32>,
        tpu.vector_store %arg14[%swap3A_189], %get3A_188 {strides = array<i32>} : memref<64xi32, #tpu.memory_space<vmem>>, vector<16xi32>,
        %get3A_191 = arith.constant 48 : index
        %get3A_192 = tpu.vector_load %arg12[%get3A_191] {strides = array<i32>} : memref<2064xi32, #tpu.memory_space<vmem>>, vector<16xi32>,
        %swap3A_193 = arith.constant 48 : index
        %swap3A_194 = tpu.vector_load %arg16[%swap3A_193] {strides = array<i32>} : memref<64xi32, #tpu.memory_space<vmem>>, vector<16xi32>,
        tpu.vector_store %arg16[%swap3A_193], %get3A_192 {strides = array<i32>} : memref<64xi32, #tpu.memory_space<vmem>>, vector<16xi32>,
        %min3A_195 = arith.constant 4999 : i32
        %min3A_196 = vector.broadcast %min3A_195 : i32 to vector<16xi32>
        %min3A_197 = arith.minsi %get3A_192, %min3A_196 : vector<16xi32>
        %add3A_198 = arith.addi %min3A_197, %broadcast_in_dim3A : vector<16xi32>
        %swap3A_199 = arith.constant 48 : index
        %swap3A_200 = tpu.vector_load %arg15[%swap3A_199] {strides = array<i32>} : memref<64xi32, #tpu.memory_space<vmem>>, vector<16xi32>,
        tpu.vector_store %arg15[%swap3A_199], %add3A_198 {strides = array<i32>} : memref<64xi32, #tpu.memory_space<vmem>>, vector<16xi32>,
        %get3A_201 = arith.constant 48 : index
        %get3A_202 = tpu.vector_load %arg13[%get3A_201] {strides = array<i32>} : memref<2064xi32, #tpu.memory_space<vmem>>, vector<16xi32>,
        %swap3A_203 = arith.constant 48 : index
        %swap3A_204 = tpu.vector_load %arg18[%swap3A_203] {strides = array<i32>} : memref<64xi32, #tpu.memory_space<vmem>>, vector<16xi32>,
        tpu.vector_store %arg18[%swap3A_203], %get3A_202 {strides = array<i32>} : memref<64xi32, #tpu.memory_space<vmem>>, vector<16xi32>,
        %dma_start3A = arith.constant 0 : i32
        %dma_start3A_205 = arith.constant 0 : i32
        %dma_start3A_206 = tpu.memref_slice %arg2[%dma_start3A, %dma_start3A_205] : memref<10000x128xf32, #tpu.memory_space<hbm>> -> memref<10000x128xf32, #tpu.memory_space<hbm>>
        tpu.enqueue_indirect_dma source(%dma_start3A_206 : memref<10000x128xf32, #tpu.memory_space<hbm>>) target(%arg19 : memref<64x128xf32, #tpu.memory_space<vmem>>) offsets(%arg14 : memref<64xi32, #tpu.memory_space<vmem>>) semaphore(%arg33 : memref<!tpu.dma_semaphore, #tpu.memory_space<semaphore_mem>>)
        %dma_start3A_207 = arith.constant 0 : i32
        %dma_start3A_208 = arith.constant 0 : i32
        %dma_start3A_209 = tpu.memref_slice %arg3[%dma_start3A_207, %dma_start3A_208] : memref<10000x128xf32, #tpu.memory_space<hbm>> -> memref<10000x128xf32, #tpu.memory_space<hbm>>
        tpu.enqueue_indirect_dma source(%dma_start3A_209 : memref<10000x128xf32, #tpu.memory_space<hbm>>) target(%arg20 : memref<64x128xf32, #tpu.memory_space<vmem>>) offsets(%arg15 : memref<64xi32, #tpu.memory_space<vmem>>) semaphore(%arg34 : memref<!tpu.dma_semaphore, #tpu.memory_space<semaphore_mem>>)
        %dma_start3A_210 = arith.constant 0 : i32
        %dma_start3A_211 = arith.constant 0 : i32
        %dma_start3A_212 = tpu.memref_slice %arg4[%dma_start3A_210, %dma_start3A_211] : memref<320000x128xf32, #tpu.memory_space<hbm>> -> memref<320000x128xf32, #tpu.memory_space<hbm>>
        tpu.enqueue_indirect_dma source(%dma_start3A_212 : memref<320000x128xf32, #tpu.memory_space<hbm>>) target(%arg21 : memref<64x128xf32, #tpu.memory_space<vmem>>) offsets(%arg18 : memref<64xi32, #tpu.memory_space<vmem>>) semaphore(%arg35 : memref<!tpu.dma_semaphore, #tpu.memory_space<semaphore_mem>>)
      } else {
      }
      %broadcast_in_dim3A_67 = arith.constant 64 : i32
      %broadcast_in_dim3A_68 = vector.broadcast %broadcast_in_dim3A_67 : i32 to vector<16xi32>
      %lt3A_69 = arith.cmpi slt, %broadcast_in_dim3A_68, %scan3A_28 : vector<16xi32>
      %reduce_or3A_70 = arith.constant 1.000000e+00 : f32
      %reduce_or3A_71 = arith.constant 0.000000e+00 : f32
      %reduce_or3A_72 = vector.broadcast %reduce_or3A_70 : f32 to vector<16xf32>
      %reduce_or3A_73 = vector.broadcast %reduce_or3A_71 : f32 to vector<16xf32>
      %reduce_or3A_74 = arith.select %lt3A_69, %reduce_or3A_72, %reduce_or3A_73 : vector<16xi1>, vector<16xf32>
      %reduce_or3A_75 = arith.constant true
      %reduce_or3A_76 = vector.broadcast %reduce_or3A_75 : i1 to vector<16xi1>
      %reduce_or3A_77 = tpu.scan <max>, %reduce_or3A_74 masked %reduce_or3A_76 : vector<16xf32>, vector<16xi1> -> vector<16xf32>
      %reduce_or3A_78 = vector.extract %reduce_or3A_77[15] : f32 from vector<16xf32>
      %reduce_or3A_79 = arith.constant 0.000000e+00 : f32
      %reduce_or3A_80 = arith.cmpf ogt, %reduce_or3A_78, %reduce_or3A_79 : f32
      %convert_element_type3A_81 = arith.extui %reduce_or3A_80 : i1 to i32
      %cond3A_82 = arith.constant 0 : i32
      %cond3A_83 = arith.cmpi ne, %convert_element_type3A_81, %cond3A_82 : i32
      scf.if %cond3A_83 {
        %get3A = arith.constant 64 : index
        %get3A_136 = tpu.vector_load %arg11[%get3A] {strides = array<i32>} : memref<2064xi32, #tpu.memory_space<vmem>>, vector<16xi32>,
        %swap3A = arith.constant 0 : index
        %swap3A_137 = tpu.vector_load %arg23[%swap3A] {strides = array<i32>} : memref<64xi32, #tpu.memory_space<vmem>>, vector<16xi32>,
        tpu.vector_store %arg23[%swap3A], %get3A_136 {strides = array<i32>} : memref<64xi32, #tpu.memory_space<vmem>>, vector<16xi32>,
        %get3A_138 = arith.constant 64 : index
        %get3A_139 = tpu.vector_load %arg12[%get3A_138] {strides = array<i32>} : memref<2064xi32, #tpu.memory_space<vmem>>, vector<16xi32>,
        %swap3A_140 = arith.constant 0 : index
        %swap3A_141 = tpu.vector_load %arg25[%swap3A_140] {strides = array<i32>} : memref<64xi32, #tpu.memory_space<vmem>>, vector<16xi32>,
        tpu.vector_store %arg25[%swap3A_140], %get3A_139 {strides = array<i32>} : memref<64xi32, #tpu.memory_space<vmem>>, vector<16xi32>,
        %min3A = arith.constant 4999 : i32
        %min3A_142 = vector.broadcast %min3A : i32 to vector<16xi32>
        %min3A_143 = arith.minsi %get3A_139, %min3A_142 : vector<16xi32>
        %add3A_144 = arith.addi %min3A_143, %broadcast_in_dim3A : vector<16xi32>
        %swap3A_145 = arith.constant 0 : index
        %swap3A_146 = tpu.vector_load %arg24[%swap3A_145] {strides = array<i32>} : memref<64xi32, #tpu.memory_space<vmem>>, vector<16xi32>,
        tpu.vector_store %arg24[%swap3A_145], %add3A_144 {strides = array<i32>} : memref<64xi32, #tpu.memory_space<vmem>>, vector<16xi32>,
        %get3A_147 = arith.constant 64 : index
        %get3A_148 = tpu.vector_load %arg13[%get3A_147] {strides = array<i32>} : memref<2064xi32, #tpu.memory_space<vmem>>, vector<16xi32>,
        %swap3A_149 = arith.constant 0 : index
        %swap3A_150 = tpu.vector_load %arg27[%swap3A_149] {strides = array<i32>} : memref<64xi32, #tpu.memory_space<vmem>>, vector<16xi32>,
        tpu.vector_store %arg27[%swap3A_149], %get3A_148 {strides = array<i32>} : memref<64xi32, #tpu.memory_space<vmem>>, vector<16xi32>,
        %get3A_151 = arith.constant 80 : index
        %get3A_152 = tpu.vector_load %arg11[%get3A_151] {strides = array<i32>} : memref<2064xi32, #tpu.memory_space<vmem>>, vector<16xi32>,
        %swap3A_153 = arith.constant 16 : index
        %swap3A_154 = tpu.vector_load %arg23[%swap3A_153] {strides = array<i32>} : memref<64xi32, #tpu.memory_space<vmem>>, vector<16xi32>,
        tpu.vector_store %arg23[%swap3A_153], %get3A_152 {strides = array<i32>} : memref<64xi32, #tpu.memory_space<vmem>>, vector<16xi32>,
        %get3A_155 = arith.constant 80 : index
        %get3A_156 = tpu.vector_load %arg12[%get3A_155] {strides = array<i32>} : memref<2064xi32, #tpu.memory_space<vmem>>, vector<16xi32>,
        %swap3A_157 = arith.constant 16 : index
        %swap3A_158 = tpu.vector_load %arg25[%swap3A_157] {strides = array<i32>} : memref<64xi32, #tpu.memory_space<vmem>>, vector<16xi32>,
        tpu.vector_store %arg25[%swap3A_157], %get3A_156 {strides = array<i32>} : memref<64xi32, #tpu.memory_space<vmem>>, vector<16xi32>,
        %min3A_159 = arith.constant 4999 : i32
        %min3A_160 = vector.broadcast %min3A_159 : i32 to vector<16xi32>
        %min3A_161 = arith.minsi %get3A_156, %min3A_160 : vector<16xi32>
        %add3A_162 = arith.addi %min3A_161, %broadcast_in_dim3A : vector<16xi32>
        %swap3A_163 = arith.constant 16 : index
        %swap3A_164 = tpu.vector_load %arg24[%swap3A_163] {strides = array<i32>} : memref<64xi32, #tpu.memory_space<vmem>>, vector<16xi32>,
        tpu.vector_store %arg24[%swap3A_163], %add3A_162 {strides = array<i32>} : memref<64xi32, #tpu.memory_space<vmem>>, vector<16xi32>,
        %get3A_165 = arith.constant 80 : index
        %get3A_166 = tpu.vector_load %arg13[%get3A_165] {strides = array<i32>} : memref<2064xi32, #tpu.memory_space<vmem>>, vector<16xi32>,
        %swap3A_167 = arith.constant 16 : index
        %swap3A_168 = tpu.vector_load %arg27[%swap3A_167] {strides = array<i32>} : memref<64xi32, #tpu.memory_space<vmem>>, vector<16xi32>,
        tpu.vector_store %arg27[%swap3A_167], %get3A_166 {strides = array<i32>} : memref<64xi32, #tpu.memory_space<vmem>>, vector<16xi32>,
        %get3A_169 = arith.constant 96 : index
        %get3A_170 = tpu.vector_load %arg11[%get3A_169] {strides = array<i32>} : memref<2064xi32, #tpu.memory_space<vmem>>, vector<16xi32>,
        %swap3A_171 = arith.constant 32 : index
        %swap3A_172 = tpu.vector_load %arg23[%swap3A_171] {strides = array<i32>} : memref<64xi32, #tpu.memory_space<vmem>>, vector<16xi32>,
        tpu.vector_store %arg23[%swap3A_171], %get3A_170 {strides = array<i32>} : memref<64xi32, #tpu.memory_space<vmem>>, vector<16xi32>,
        %get3A_173 = arith.constant 96 : index
        %get3A_174 = tpu.vector_load %arg12[%get3A_173] {strides = array<i32>} : memref<2064xi32, #tpu.memory_space<vmem>>, vector<16xi32>,
        %swap3A_175 = arith.constant 32 : index
        %swap3A_176 = tpu.vector_load %arg25[%swap3A_175] {strides = array<i32>} : memref<64xi32, #tpu.memory_space<vmem>>, vector<16xi32>,
        tpu.vector_store %arg25[%swap3A_175], %get3A_174 {strides = array<i32>} : memref<64xi32, #tpu.memory_space<vmem>>, vector<16xi32>,
        %min3A_177 = arith.constant 4999 : i32
        %min3A_178 = vector.broadcast %min3A_177 : i32 to vector<16xi32>
        %min3A_179 = arith.minsi %get3A_174, %min3A_178 : vector<16xi32>
        %add3A_180 = arith.addi %min3A_179, %broadcast_in_dim3A : vector<16xi32>
        %swap3A_181 = arith.constant 32 : index
        %swap3A_182 = tpu.vector_load %arg24[%swap3A_181] {strides = array<i32>} : memref<64xi32, #tpu.memory_space<vmem>>, vector<16xi32>,
        tpu.vector_store %arg24[%swap3A_181], %add3A_180 {strides = array<i32>} : memref<64xi32, #tpu.memory_space<vmem>>, vector<16xi32>,
        %get3A_183 = arith.constant 96 : index
        %get3A_184 = tpu.vector_load %arg13[%get3A_183] {strides = array<i32>} : memref<2064xi32, #tpu.memory_space<vmem>>, vector<16xi32>,
        %swap3A_185 = arith.constant 32 : index
        %swap3A_186 = tpu.vector_load %arg27[%swap3A_185] {strides = array<i32>} : memref<64xi32, #tpu.memory_space<vmem>>, vector<16xi32>,
        tpu.vector_store %arg27[%swap3A_185], %get3A_184 {strides = array<i32>} : memref<64xi32, #tpu.memory_space<vmem>>, vector<16xi32>,
        %get3A_187 = arith.constant 112 : index
        %get3A_188 = tpu.vector_load %arg11[%get3A_187] {strides = array<i32>} : memref<2064xi32, #tpu.memory_space<vmem>>, vector<16xi32>,
        %swap3A_189 = arith.constant 48 : index
        %swap3A_190 = tpu.vector_load %arg23[%swap3A_189] {strides = array<i32>} : memref<64xi32, #tpu.memory_space<vmem>>, vector<16xi32>,
        tpu.vector_store %arg23[%swap3A_189], %get3A_188 {strides = array<i32>} : memref<64xi32, #tpu.memory_space<vmem>>, vector<16xi32>,
        %get3A_191 = arith.constant 112 : index
        %get3A_192 = tpu.vector_load %arg12[%get3A_191] {strides = array<i32>} : memref<2064xi32, #tpu.memory_space<vmem>>, vector<16xi32>,
        %swap3A_193 = arith.constant 48 : index
        %swap3A_194 = tpu.vector_load %arg25[%swap3A_193] {strides = array<i32>} : memref<64xi32, #tpu.memory_space<vmem>>, vector<16xi32>,
        tpu.vector_store %arg25[%swap3A_193], %get3A_192 {strides = array<i32>} : memref<64xi32, #tpu.memory_space<vmem>>, vector<16xi32>,
        %min3A_195 = arith.constant 4999 : i32
        %min3A_196 = vector.broadcast %min3A_195 : i32 to vector<16xi32>
        %min3A_197 = arith.minsi %get3A_192, %min3A_196 : vector<16xi32>
        %add3A_198 = arith.addi %min3A_197, %broadcast_in_dim3A : vector<16xi32>
        %swap3A_199 = arith.constant 48 : index
        %swap3A_200 = tpu.vector_load %arg24[%swap3A_199] {strides = array<i32>} : memref<64xi32, #tpu.memory_space<vmem>>, vector<16xi32>,
        tpu.vector_store %arg24[%swap3A_199], %add3A_198 {strides = array<i32>} : memref<64xi32, #tpu.memory_space<vmem>>, vector<16xi32>,
        %get3A_201 = arith.constant 112 : index
        %get3A_202 = tpu.vector_load %arg13[%get3A_201] {strides = array<i32>} : memref<2064xi32, #tpu.memory_space<vmem>>, vector<16xi32>,
        %swap3A_203 = arith.constant 48 : index
        %swap3A_204 = tpu.vector_load %arg27[%swap3A_203] {strides = array<i32>} : memref<64xi32, #tpu.memory_space<vmem>>, vector<16xi32>,
        tpu.vector_store %arg27[%swap3A_203], %get3A_202 {strides = array<i32>} : memref<64xi32, #tpu.memory_space<vmem>>, vector<16xi32>,
        %dma_start3A = arith.constant 0 : i32
        %dma_start3A_205 = arith.constant 0 : i32
        %dma_start3A_206 = tpu.memref_slice %arg2[%dma_start3A, %dma_start3A_205] : memref<10000x128xf32, #tpu.memory_space<hbm>> -> memref<10000x128xf32, #tpu.memory_space<hbm>>
        tpu.enqueue_indirect_dma source(%dma_start3A_206 : memref<10000x128xf32, #tpu.memory_space<hbm>>) target(%arg28 : memref<64x128xf32, #tpu.memory_space<vmem>>) offsets(%arg23 : memref<64xi32, #tpu.memory_space<vmem>>) semaphore(%arg37 : memref<!tpu.dma_semaphore, #tpu.memory_space<semaphore_mem>>)
        %dma_start3A_207 = arith.constant 0 : i32
        %dma_start3A_208 = arith.constant 0 : i32
        %dma_start3A_209 = tpu.memref_slice %arg3[%dma_start3A_207, %dma_start3A_208] : memref<10000x128xf32, #tpu.memory_space<hbm>> -> memref<10000x128xf32, #tpu.memory_space<hbm>>
        tpu.enqueue_indirect_dma source(%dma_start3A_209 : memref<10000x128xf32, #tpu.memory_space<hbm>>) target(%arg29 : memref<64x128xf32, #tpu.memory_space<vmem>>) offsets(%arg24 : memref<64xi32, #tpu.memory_space<vmem>>) semaphore(%arg38 : memref<!tpu.dma_semaphore, #tpu.memory_space<semaphore_mem>>)
        %dma_start3A_210 = arith.constant 0 : i32
        %dma_start3A_211 = arith.constant 0 : i32
        %dma_start3A_212 = tpu.memref_slice %arg4[%dma_start3A_210, %dma_start3A_211] : memref<320000x128xf32, #tpu.memory_space<hbm>> -> memref<320000x128xf32, #tpu.memory_space<hbm>>
        tpu.enqueue_indirect_dma source(%dma_start3A_212 : memref<320000x128xf32, #tpu.memory_space<hbm>>) target(%arg30 : memref<64x128xf32, #tpu.memory_space<vmem>>) offsets(%arg27 : memref<64xi32, #tpu.memory_space<vmem>>) semaphore(%arg39 : memref<!tpu.dma_semaphore, #tpu.memory_space<semaphore_mem>>)
      } else {
      }
      %while3A = arith.constant 0 : i32
      %while3A_84 = scf.while (%while3A_136 = %while3A) : (i32) -> i32 {
        %mul3A_137 = arith.constant 2 : i32
        %mul3A_138 = arith.muli %while3A_136, %mul3A_137 : i32
        %mul3A_139 = arith.constant 64 : i32
        %mul3A_140 = arith.muli %mul3A_138, %mul3A_139 : i32
        %broadcast_in_dim3A_141 = vector.broadcast %mul3A_140 : i32 to vector<16xi32>
        %lt3A_142 = arith.cmpi slt, %broadcast_in_dim3A_141, %scan3A_28 : vector<16xi32>
        %reduce_or3A_143 = arith.constant 1.000000e+00 : f32
        %reduce_or3A_144 = arith.constant 0.000000e+00 : f32
        %reduce_or3A_145 = vector.broadcast %reduce_or3A_143 : f32 to vector<16xf32>
        %reduce_or3A_146 = vector.broadcast %reduce_or3A_144 : f32 to vector<16xf32>
        %reduce_or3A_147 = arith.select %lt3A_142, %reduce_or3A_145, %reduce_or3A_146 : vector<16xi1>, vector<16xf32>
        %reduce_or3A_148 = arith.constant true
        %reduce_or3A_149 = vector.broadcast %reduce_or3A_148 : i1 to vector<16xi1>
        %reduce_or3A_150 = tpu.scan <max>, %reduce_or3A_147 masked %reduce_or3A_149 : vector<16xf32>, vector<16xi1> -> vector<16xf32>
        %reduce_or3A_151 = vector.extract %reduce_or3A_150[15] : f32 from vector<16xf32>
        %reduce_or3A_152 = arith.constant 0.000000e+00 : f32
        %reduce_or3A_153 = arith.cmpf ogt, %reduce_or3A_151, %reduce_or3A_152 : f32
        scf.condition(%reduce_or3A_153) %while3A_136 : i32
      } do {
      ^bb0(%while3A_136: i32):
        %mul3A_137 = arith.constant 2 : i32
        %mul3A_138 = arith.muli %while3A_136, %mul3A_137 : i32
        %add3A_139 = arith.constant 0 : i32
        %add3A_140 = arith.addi %mul3A_138, %add3A_139 : i32
        %mul3A_141 = arith.constant 64 : i32
        %mul3A_142 = arith.muli %add3A_140, %mul3A_141 : i32
        %broadcast_in_dim3A_143 = vector.broadcast %mul3A_142 : i32 to vector<16xi32>
        %lt3A_144 = arith.cmpi slt, %broadcast_in_dim3A_143, %scan3A_28 : vector<16xi32>
        %reduce_or3A_145 = arith.constant 1.000000e+00 : f32
        %reduce_or3A_146 = arith.constant 0.000000e+00 : f32
        %reduce_or3A_147 = vector.broadcast %reduce_or3A_145 : f32 to vector<16xf32>
        %reduce_or3A_148 = vector.broadcast %reduce_or3A_146 : f32 to vector<16xf32>
        %reduce_or3A_149 = arith.select %lt3A_144, %reduce_or3A_147, %reduce_or3A_148 : vector<16xi1>, vector<16xf32>
        %reduce_or3A_150 = arith.constant true
        %reduce_or3A_151 = vector.broadcast %reduce_or3A_150 : i1 to vector<16xi1>
        %reduce_or3A_152 = tpu.scan <max>, %reduce_or3A_149 masked %reduce_or3A_151 : vector<16xf32>, vector<16xi1> -> vector<16xf32>
        %reduce_or3A_153 = vector.extract %reduce_or3A_152[15] : f32 from vector<16xf32>
        %reduce_or3A_154 = arith.constant 0.000000e+00 : f32
        %reduce_or3A_155 = arith.cmpf ogt, %reduce_or3A_153, %reduce_or3A_154 : f32
        %convert_element_type3A_156 = arith.extui %reduce_or3A_155 : i1 to i32
        %cond3A_157 = arith.constant 0 : i32
        %cond3A_158 = arith.cmpi ne, %convert_element_type3A_156, %cond3A_157 : i32
        scf.if %cond3A_158 {
          %dma_wait3A = arith.constant 0 : i32
          %dma_wait3A_225 = arith.constant 0 : i32
          %dma_wait3A_226 = tpu.memref_slice %arg2[%dma_wait3A, %dma_wait3A_225] : memref<10000x128xf32, #tpu.memory_space<hbm>> -> memref<10000x128xf32, #tpu.memory_space<hbm>>
          tpu.wait_indirect_dma semaphore(%arg33 : memref<!tpu.dma_semaphore, #tpu.memory_space<semaphore_mem>>) src(%dma_wait3A_226 : memref<10000x128xf32, #tpu.memory_space<hbm>>) dst(%arg19 : memref<64x128xf32, #tpu.memory_space<vmem>>)
          %dma_wait3A_227 = arith.constant 0 : i32
          %dma_wait3A_228 = arith.constant 0 : i32
          %dma_wait3A_229 = tpu.memref_slice %arg3[%dma_wait3A_227, %dma_wait3A_228] : memref<10000x128xf32, #tpu.memory_space<hbm>> -> memref<10000x128xf32, #tpu.memory_space<hbm>>
          tpu.wait_indirect_dma semaphore(%arg34 : memref<!tpu.dma_semaphore, #tpu.memory_space<semaphore_mem>>) src(%dma_wait3A_229 : memref<10000x128xf32, #tpu.memory_space<hbm>>) dst(%arg20 : memref<64x128xf32, #tpu.memory_space<vmem>>)
          %dma_wait3A_230 = arith.constant 0 : i32
          %dma_wait3A_231 = arith.constant 0 : i32
          %dma_wait3A_232 = tpu.memref_slice %arg4[%dma_wait3A_230, %dma_wait3A_231] : memref<320000x128xf32, #tpu.memory_space<hbm>> -> memref<320000x128xf32, #tpu.memory_space<hbm>>
          tpu.wait_indirect_dma semaphore(%arg35 : memref<!tpu.dma_semaphore, #tpu.memory_space<semaphore_mem>>) src(%dma_wait3A_232 : memref<320000x128xf32, #tpu.memory_space<hbm>>) dst(%arg21 : memref<64x128xf32, #tpu.memory_space<vmem>>)
          %gt3A_233 = arith.constant 0 : i32
          %gt3A_234 = arith.cmpi sgt, %while3A_136, %gt3A_233 : i32
          %sub3A_235 = arith.constant 2 : i32
          %sub3A_236 = arith.subi %add3A_140, %sub3A_235 : i32
          %mul3A_237 = arith.constant 64 : i32
          %mul3A_238 = arith.muli %sub3A_236, %mul3A_237 : i32
          %broadcast_in_dim3A_239 = vector.broadcast %mul3A_238 : i32 to vector<16xi32>
          %lt3A_240 = arith.cmpi slt, %broadcast_in_dim3A_239, %scan3A_28 : vector<16xi32>
          %reduce_or3A_241 = arith.constant 1.000000e+00 : f32
          %reduce_or3A_242 = arith.constant 0.000000e+00 : f32
          %reduce_or3A_243 = vector.broadcast %reduce_or3A_241 : f32 to vector<16xf32>
          %reduce_or3A_244 = vector.broadcast %reduce_or3A_242 : f32 to vector<16xf32>
          %reduce_or3A_245 = arith.select %lt3A_240, %reduce_or3A_243, %reduce_or3A_244 : vector<16xi1>, vector<16xf32>
          %reduce_or3A_246 = arith.constant true
          %reduce_or3A_247 = vector.broadcast %reduce_or3A_246 : i1 to vector<16xi1>
          %reduce_or3A_248 = tpu.scan <max>, %reduce_or3A_245 masked %reduce_or3A_247 : vector<16xf32>, vector<16xi1> -> vector<16xf32>
          %reduce_or3A_249 = vector.extract %reduce_or3A_248[15] : f32 from vector<16xf32>
          %reduce_or3A_250 = arith.constant 0.000000e+00 : f32
          %reduce_or3A_251 = arith.cmpf ogt, %reduce_or3A_249, %reduce_or3A_250 : f32
          %and3A_252 = arith.andi %gt3A_234, %reduce_or3A_251 : i1
          %convert_element_type3A_253 = arith.extui %and3A_252 : i1 to i32
          %cond3A_254 = arith.constant 0 : i32
          %cond3A_255 = arith.cmpi ne, %convert_element_type3A_253, %cond3A_254 : i32
          scf.if %cond3A_255 {
            %dma_wait3A_278 = arith.constant 0 : i32
            %dma_wait3A_279 = arith.constant 0 : i32
            %dma_wait3A_280 = tpu.memref_slice %arg32[%dma_wait3A_278, %dma_wait3A_279] : memref<5120x128xf32, #tpu.memory_space<vmem_shared>> -> memref<5120x128xf32, #tpu.memory_space<vmem_shared>>
            tpu.wait_indirect_dma semaphore(%arg36 : memref<!tpu.dma_semaphore, #tpu.memory_space<semaphore_mem>>) src(%arg22 : memref<64x128xf32, #tpu.memory_space<vmem>>) dst(%dma_wait3A_280 : memref<5120x128xf32, #tpu.memory_space<vmem_shared>>)
          } else {
          }
          %scan3A_256 = arith.constant 0 : i32
          %scan3A_257 = arith.constant 0 : i32
          %scan3A_258 = arith.constant 16 : i32
          %scan3A_259 = arith.addi %scan3A_257, %scan3A_258 : i32
          %scan3A_260 = arith.constant 1 : i32
          scf.for %scan3A_278 = %scan3A_257 to %scan3A_259 step %scan3A_260  : i32 {
            %mul3A_279 = arith.constant 4 : i32
            %mul3A_280 = arith.muli %scan3A_278, %mul3A_279 : i32
            %add3A_281 = arith.constant 0 : i32
            %add3A_282 = arith.addi %mul3A_280, %add3A_281 : i32
            %get3A_283 = arith.index_cast %add3A_282 : i32 to index
            %get3A_284 = arith.constant 0 : index
            %get3A_285 = tpu.vector_load %arg19[%get3A_283, %get3A_284] {strides = array<i32>} : memref<64x128xf32, #tpu.memory_space<vmem>>, vector<16xf32>,
            %get3A_286 = arith.index_cast %add3A_282 : i32 to index
            %get3A_287 = arith.constant 0 : index
            %get3A_288 = tpu.vector_load %arg20[%get3A_286, %get3A_287] {strides = array<i32>} : memref<64x128xf32, #tpu.memory_space<vmem>>, vector<16xf32>,
            %add3A_289 = arith.addf %get3A_285, %get3A_288 : vector<16xf32>
            %get3A_290 = arith.index_cast %add3A_282 : i32 to index
            %get3A_291 = arith.constant 0 : index
            %get3A_292 = tpu.vector_load %arg21[%get3A_290, %get3A_291] {strides = array<i32>} : memref<64x128xf32, #tpu.memory_space<vmem>>, vector<16xf32>,
            %add3A_293 = arith.addf %add3A_289, %get3A_292 : vector<16xf32>
            %max3A = arith.constant 0.000000e+00 : f32
            %max3A_294 = vector.broadcast %max3A : f32 to vector<16xf32>
            %max3A_295 = arith.maximumf %add3A_293, %max3A_294 : vector<16xf32>
            %swap3A_296 = arith.index_cast %add3A_282 : i32 to index
            %swap3A_297 = arith.constant 0 : index
            %swap3A_298 = tpu.vector_load %arg22[%swap3A_296, %swap3A_297] {strides = array<i32>} : memref<64x128xf32, #tpu.memory_space<vmem>>, vector<16xf32>,
            tpu.vector_store %arg22[%swap3A_296, %swap3A_297], %max3A_295 {strides = array<i32>} : memref<64x128xf32, #tpu.memory_space<vmem>>, vector<16xf32>,
            %get3A_299 = arith.index_cast %add3A_282 : i32 to index
            %get3A_300 = arith.constant 16 : index
            %get3A_301 = tpu.vector_load %arg19[%get3A_299, %get3A_300] {strides = array<i32>} : memref<64x128xf32, #tpu.memory_space<vmem>>, vector<16xf32>,
            %get3A_302 = arith.index_cast %add3A_282 : i32 to index
            %get3A_303 = arith.constant 16 : index
            %get3A_304 = tpu.vector_load %arg20[%get3A_302, %get3A_303] {strides = array<i32>} : memref<64x128xf32, #tpu.memory_space<vmem>>, vector<16xf32>,
            %add3A_305 = arith.addf %get3A_301, %get3A_304 : vector<16xf32>
            %get3A_306 = arith.index_cast %add3A_282 : i32 to index
            %get3A_307 = arith.constant 16 : index
            %get3A_308 = tpu.vector_load %arg21[%get3A_306, %get3A_307] {strides = array<i32>} : memref<64x128xf32, #tpu.memory_space<vmem>>, vector<16xf32>,
            %add3A_309 = arith.addf %add3A_305, %get3A_308 : vector<16xf32>
            %max3A_310 = arith.constant 0.000000e+00 : f32
            %max3A_311 = vector.broadcast %max3A_310 : f32 to vector<16xf32>
            %max3A_312 = arith.maximumf %add3A_309, %max3A_311 : vector<16xf32>
            %swap3A_313 = arith.index_cast %add3A_282 : i32 to index
            %swap3A_314 = arith.constant 16 : index
            %swap3A_315 = tpu.vector_load %arg22[%swap3A_313, %swap3A_314] {strides = array<i32>} : memref<64x128xf32, #tpu.memory_space<vmem>>, vector<16xf32>,
            tpu.vector_store %arg22[%swap3A_313, %swap3A_314], %max3A_312 {strides = array<i32>} : memref<64x128xf32, #tpu.memory_space<vmem>>, vector<16xf32>,
            %get3A_316 = arith.index_cast %add3A_282 : i32 to index
            %get3A_317 = arith.constant 32 : index
            %get3A_318 = tpu.vector_load %arg19[%get3A_316, %get3A_317] {strides = array<i32>} : memref<64x128xf32, #tpu.memory_space<vmem>>, vector<16xf32>,
            %get3A_319 = arith.index_cast %add3A_282 : i32 to index
            %get3A_320 = arith.constant 32 : index
            %get3A_321 = tpu.vector_load %arg20[%get3A_319, %get3A_320] {strides = array<i32>} : memref<64x128xf32, #tpu.memory_space<vmem>>, vector<16xf32>,
            %add3A_322 = arith.addf %get3A_318, %get3A_321 : vector<16xf32>
            %get3A_323 = arith.index_cast %add3A_282 : i32 to index
            %get3A_324 = arith.constant 32 : index
            %get3A_325 = tpu.vector_load %arg21[%get3A_323, %get3A_324] {strides = array<i32>} : memref<64x128xf32, #tpu.memory_space<vmem>>, vector<16xf32>,
            %add3A_326 = arith.addf %add3A_322, %get3A_325 : vector<16xf32>
            %max3A_327 = arith.constant 0.000000e+00 : f32
            %max3A_328 = vector.broadcast %max3A_327 : f32 to vector<16xf32>
            %max3A_329 = arith.maximumf %add3A_326, %max3A_328 : vector<16xf32>
            %swap3A_330 = arith.index_cast %add3A_282 : i32 to index
            %swap3A_331 = arith.constant 32 : index
            %swap3A_332 = tpu.vector_load %arg22[%swap3A_330, %swap3A_331] {strides = array<i32>} : memref<64x128xf32, #tpu.memory_space<vmem>>, vector<16xf32>,
            tpu.vector_store %arg22[%swap3A_330, %swap3A_331], %max3A_329 {strides = array<i32>} : memref<64x128xf32, #tpu.memory_space<vmem>>, vector<16xf32>,
            %get3A_333 = arith.index_cast %add3A_282 : i32 to index
            %get3A_334 = arith.constant 48 : index
            %get3A_335 = tpu.vector_load %arg19[%get3A_333, %get3A_334] {strides = array<i32>} : memref<64x128xf32, #tpu.memory_space<vmem>>, vector<16xf32>,
            %get3A_336 = arith.index_cast %add3A_282 : i32 to index
            %get3A_337 = arith.constant 48 : index
            %get3A_338 = tpu.vector_load %arg20[%get3A_336, %get3A_337] {strides = array<i32>} : memref<64x128xf32, #tpu.memory_space<vmem>>, vector<16xf32>,
            %add3A_339 = arith.addf %get3A_335, %get3A_338 : vector<16xf32>
            %get3A_340 = arith.index_cast %add3A_282 : i32 to index
            %get3A_341 = arith.constant 48 : index
            %get3A_342 = tpu.vector_load %arg21[%get3A_340, %get3A_341] {strides = array<i32>} : memref<64x128xf32, #tpu.memory_space<vmem>>, vector<16xf32>,
            %add3A_343 = arith.addf %add3A_339, %get3A_342 : vector<16xf32>
            %max3A_344 = arith.constant 0.000000e+00 : f32
            %max3A_345 = vector.broadcast %max3A_344 : f32 to vector<16xf32>
            %max3A_346 = arith.maximumf %add3A_343, %max3A_345 : vector<16xf32>
            %swap3A_347 = arith.index_cast %add3A_282 : i32 to index
            %swap3A_348 = arith.constant 48 : index
            %swap3A_349 = tpu.vector_load %arg22[%swap3A_347, %swap3A_348] {strides = array<i32>} : memref<64x128xf32, #tpu.memory_space<vmem>>, vector<16xf32>,
            tpu.vector_store %arg22[%swap3A_347, %swap3A_348], %max3A_346 {strides = array<i32>} : memref<64x128xf32, #tpu.memory_space<vmem>>, vector<16xf32>,
            %get3A_350 = arith.index_cast %add3A_282 : i32 to index
            %get3A_351 = arith.constant 64 : index
            %get3A_352 = tpu.vector_load %arg19[%get3A_350, %get3A_351] {strides = array<i32>} : memref<64x128xf32, #tpu.memory_space<vmem>>, vector<16xf32>,
            %get3A_353 = arith.index_cast %add3A_282 : i32 to index
            %get3A_354 = arith.constant 64 : index
            %get3A_355 = tpu.vector_load %arg20[%get3A_353, %get3A_354] {strides = array<i32>} : memref<64x128xf32, #tpu.memory_space<vmem>>, vector<16xf32>,
            %add3A_356 = arith.addf %get3A_352, %get3A_355 : vector<16xf32>
            %get3A_357 = arith.index_cast %add3A_282 : i32 to index
            %get3A_358 = arith.constant 64 : index
            %get3A_359 = tpu.vector_load %arg21[%get3A_357, %get3A_358] {strides = array<i32>} : memref<64x128xf32, #tpu.memory_space<vmem>>, vector<16xf32>,
            %add3A_360 = arith.addf %add3A_356, %get3A_359 : vector<16xf32>
            %max3A_361 = arith.constant 0.000000e+00 : f32
            %max3A_362 = vector.broadcast %max3A_361 : f32 to vector<16xf32>
            %max3A_363 = arith.maximumf %add3A_360, %max3A_362 : vector<16xf32>
            %swap3A_364 = arith.index_cast %add3A_282 : i32 to index
            %swap3A_365 = arith.constant 64 : index
            %swap3A_366 = tpu.vector_load %arg22[%swap3A_364, %swap3A_365] {strides = array<i32>} : memref<64x128xf32, #tpu.memory_space<vmem>>, vector<16xf32>,
            tpu.vector_store %arg22[%swap3A_364, %swap3A_365], %max3A_363 {strides = array<i32>} : memref<64x128xf32, #tpu.memory_space<vmem>>, vector<16xf32>,
            %get3A_367 = arith.index_cast %add3A_282 : i32 to index
            %get3A_368 = arith.constant 80 : index
            %get3A_369 = tpu.vector_load %arg19[%get3A_367, %get3A_368] {strides = array<i32>} : memref<64x128xf32, #tpu.memory_space<vmem>>, vector<16xf32>,
            %get3A_370 = arith.index_cast %add3A_282 : i32 to index
            %get3A_371 = arith.constant 80 : index
            %get3A_372 = tpu.vector_load %arg20[%get3A_370, %get3A_371] {strides = array<i32>} : memref<64x128xf32, #tpu.memory_space<vmem>>, vector<16xf32>,
            %add3A_373 = arith.addf %get3A_369, %get3A_372 : vector<16xf32>
            %get3A_374 = arith.index_cast %add3A_282 : i32 to index
            %get3A_375 = arith.constant 80 : index
            %get3A_376 = tpu.vector_load %arg21[%get3A_374, %get3A_375] {strides = array<i32>} : memref<64x128xf32, #tpu.memory_space<vmem>>, vector<16xf32>,
            %add3A_377 = arith.addf %add3A_373, %get3A_376 : vector<16xf32>
            %max3A_378 = arith.constant 0.000000e+00 : f32
            %max3A_379 = vector.broadcast %max3A_378 : f32 to vector<16xf32>
            %max3A_380 = arith.maximumf %add3A_377, %max3A_379 : vector<16xf32>
            %swap3A_381 = arith.index_cast %add3A_282 : i32 to index
            %swap3A_382 = arith.constant 80 : index
            %swap3A_383 = tpu.vector_load %arg22[%swap3A_381, %swap3A_382] {strides = array<i32>} : memref<64x128xf32, #tpu.memory_space<vmem>>, vector<16xf32>,
            tpu.vector_store %arg22[%swap3A_381, %swap3A_382], %max3A_380 {strides = array<i32>} : memref<64x128xf32, #tpu.memory_space<vmem>>, vector<16xf32>,
            %get3A_384 = arith.index_cast %add3A_282 : i32 to index
            %get3A_385 = arith.constant 96 : index
            %get3A_386 = tpu.vector_load %arg19[%get3A_384, %get3A_385] {strides = array<i32>} : memref<64x128xf32, #tpu.memory_space<vmem>>, vector<16xf32>,
            %get3A_387 = arith.index_cast %add3A_282 : i32 to index
            %get3A_388 = arith.constant 96 : index
            %get3A_389 = tpu.vector_load %arg20[%get3A_387, %get3A_388] {strides = array<i32>} : memref<64x128xf32, #tpu.memory_space<vmem>>, vector<16xf32>,
            %add3A_390 = arith.addf %get3A_386, %get3A_389 : vector<16xf32>
            %get3A_391 = arith.index_cast %add3A_282 : i32 to index
            %get3A_392 = arith.constant 96 : index
            %get3A_393 = tpu.vector_load %arg21[%get3A_391, %get3A_392] {strides = array<i32>} : memref<64x128xf32, #tpu.memory_space<vmem>>, vector<16xf32>,
            %add3A_394 = arith.addf %add3A_390, %get3A_393 : vector<16xf32>
            %max3A_395 = arith.constant 0.000000e+00 : f32
            %max3A_396 = vector.broadcast %max3A_395 : f32 to vector<16xf32>
            %max3A_397 = arith.maximumf %add3A_394, %max3A_396 : vector<16xf32>
            %swap3A_398 = arith.index_cast %add3A_282 : i32 to index
            %swap3A_399 = arith.constant 96 : index
            %swap3A_400 = tpu.vector_load %arg22[%swap3A_398, %swap3A_399] {strides = array<i32>} : memref<64x128xf32, #tpu.memory_space<vmem>>, vector<16xf32>,
            tpu.vector_store %arg22[%swap3A_398, %swap3A_399], %max3A_397 {strides = array<i32>} : memref<64x128xf32, #tpu.memory_space<vmem>>, vector<16xf32>,
            %get3A_401 = arith.index_cast %add3A_282 : i32 to index
            %get3A_402 = arith.constant 112 : index
            %get3A_403 = tpu.vector_load %arg19[%get3A_401, %get3A_402] {strides = array<i32>} : memref<64x128xf32, #tpu.memory_space<vmem>>, vector<16xf32>,
            %get3A_404 = arith.index_cast %add3A_282 : i32 to index
            %get3A_405 = arith.constant 112 : index
            %get3A_406 = tpu.vector_load %arg20[%get3A_404, %get3A_405] {strides = array<i32>} : memref<64x128xf32, #tpu.memory_space<vmem>>, vector<16xf32>,
            %add3A_407 = arith.addf %get3A_403, %get3A_406 : vector<16xf32>
            %get3A_408 = arith.index_cast %add3A_282 : i32 to index
            %get3A_409 = arith.constant 112 : index
            %get3A_410 = tpu.vector_load %arg21[%get3A_408, %get3A_409] {strides = array<i32>} : memref<64x128xf32, #tpu.memory_space<vmem>>, vector<16xf32>,
            %add3A_411 = arith.addf %add3A_407, %get3A_410 : vector<16xf32>
            %max3A_412 = arith.constant 0.000000e+00 : f32
            %max3A_413 = vector.broadcast %max3A_412 : f32 to vector<16xf32>
            %max3A_414 = arith.maximumf %add3A_411, %max3A_413 : vector<16xf32>
            %swap3A_415 = arith.index_cast %add3A_282 : i32 to index
            %swap3A_416 = arith.constant 112 : index
            %swap3A_417 = tpu.vector_load %arg22[%swap3A_415, %swap3A_416] {strides = array<i32>} : memref<64x128xf32, #tpu.memory_space<vmem>>, vector<16xf32>,
            tpu.vector_store %arg22[%swap3A_415, %swap3A_416], %max3A_414 {strides = array<i32>} : memref<64x128xf32, #tpu.memory_space<vmem>>, vector<16xf32>,
            %mul3A_418 = arith.constant 4 : i32
            %mul3A_419 = arith.muli %scan3A_278, %mul3A_418 : i32
            %add3A_420 = arith.constant 1 : i32
            %add3A_421 = arith.addi %mul3A_419, %add3A_420 : i32
            %get3A_422 = arith.index_cast %add3A_421 : i32 to index
            %get3A_423 = arith.constant 0 : index
            %get3A_424 = tpu.vector_load %arg19[%get3A_422, %get3A_423] {strides = array<i32>} : memref<64x128xf32, #tpu.memory_space<vmem>>, vector<16xf32>,
            %get3A_425 = arith.index_cast %add3A_421 : i32 to index
            %get3A_426 = arith.constant 0 : index
            %get3A_427 = tpu.vector_load %arg20[%get3A_425, %get3A_426] {strides = array<i32>} : memref<64x128xf32, #tpu.memory_space<vmem>>, vector<16xf32>,
            %add3A_428 = arith.addf %get3A_424, %get3A_427 : vector<16xf32>
            %get3A_429 = arith.index_cast %add3A_421 : i32 to index
            %get3A_430 = arith.constant 0 : index
            %get3A_431 = tpu.vector_load %arg21[%get3A_429, %get3A_430] {strides = array<i32>} : memref<64x128xf32, #tpu.memory_space<vmem>>, vector<16xf32>,
            %add3A_432 = arith.addf %add3A_428, %get3A_431 : vector<16xf32>
            %max3A_433 = arith.constant 0.000000e+00 : f32
            %max3A_434 = vector.broadcast %max3A_433 : f32 to vector<16xf32>
            %max3A_435 = arith.maximumf %add3A_432, %max3A_434 : vector<16xf32>
            %swap3A_436 = arith.index_cast %add3A_421 : i32 to index
            %swap3A_437 = arith.constant 0 : index
            %swap3A_438 = tpu.vector_load %arg22[%swap3A_436, %swap3A_437] {strides = array<i32>} : memref<64x128xf32, #tpu.memory_space<vmem>>, vector<16xf32>,
            tpu.vector_store %arg22[%swap3A_436, %swap3A_437], %max3A_435 {strides = array<i32>} : memref<64x128xf32, #tpu.memory_space<vmem>>, vector<16xf32>,
            %get3A_439 = arith.index_cast %add3A_421 : i32 to index
            %get3A_440 = arith.constant 16 : index
            %get3A_441 = tpu.vector_load %arg19[%get3A_439, %get3A_440] {strides = array<i32>} : memref<64x128xf32, #tpu.memory_space<vmem>>, vector<16xf32>,
            %get3A_442 = arith.index_cast %add3A_421 : i32 to index
            %get3A_443 = arith.constant 16 : index
            %get3A_444 = tpu.vector_load %arg20[%get3A_442, %get3A_443] {strides = array<i32>} : memref<64x128xf32, #tpu.memory_space<vmem>>, vector<16xf32>,
            %add3A_445 = arith.addf %get3A_441, %get3A_444 : vector<16xf32>
            %get3A_446 = arith.index_cast %add3A_421 : i32 to index
            %get3A_447 = arith.constant 16 : index
            %get3A_448 = tpu.vector_load %arg21[%get3A_446, %get3A_447] {strides = array<i32>} : memref<64x128xf32, #tpu.memory_space<vmem>>, vector<16xf32>,
            %add3A_449 = arith.addf %add3A_445, %get3A_448 : vector<16xf32>
            %max3A_450 = arith.constant 0.000000e+00 : f32
            %max3A_451 = vector.broadcast %max3A_450 : f32 to vector<16xf32>
            %max3A_452 = arith.maximumf %add3A_449, %max3A_451 : vector<16xf32>
            %swap3A_453 = arith.index_cast %add3A_421 : i32 to index
            %swap3A_454 = arith.constant 16 : index
            %swap3A_455 = tpu.vector_load %arg22[%swap3A_453, %swap3A_454] {strides = array<i32>} : memref<64x128xf32, #tpu.memory_space<vmem>>, vector<16xf32>,
            tpu.vector_store %arg22[%swap3A_453, %swap3A_454], %max3A_452 {strides = array<i32>} : memref<64x128xf32, #tpu.memory_space<vmem>>, vector<16xf32>,
            %get3A_456 = arith.index_cast %add3A_421 : i32 to index
            %get3A_457 = arith.constant 32 : index
            %get3A_458 = tpu.vector_load %arg19[%get3A_456, %get3A_457] {strides = array<i32>} : memref<64x128xf32, #tpu.memory_space<vmem>>, vector<16xf32>,
            %get3A_459 = arith.index_cast %add3A_421 : i32 to index
            %get3A_460 = arith.constant 32 : index
            %get3A_461 = tpu.vector_load %arg20[%get3A_459, %get3A_460] {strides = array<i32>} : memref<64x128xf32, #tpu.memory_space<vmem>>, vector<16xf32>,
            %add3A_462 = arith.addf %get3A_458, %get3A_461 : vector<16xf32>
            %get3A_463 = arith.index_cast %add3A_421 : i32 to index
            %get3A_464 = arith.constant 32 : index
            %get3A_465 = tpu.vector_load %arg21[%get3A_463, %get3A_464] {strides = array<i32>} : memref<64x128xf32, #tpu.memory_space<vmem>>, vector<16xf32>,
            %add3A_466 = arith.addf %add3A_462, %get3A_465 : vector<16xf32>
            %max3A_467 = arith.constant 0.000000e+00 : f32
            %max3A_468 = vector.broadcast %max3A_467 : f32 to vector<16xf32>
            %max3A_469 = arith.maximumf %add3A_466, %max3A_468 : vector<16xf32>
            %swap3A_470 = arith.index_cast %add3A_421 : i32 to index
            %swap3A_471 = arith.constant 32 : index
            %swap3A_472 = tpu.vector_load %arg22[%swap3A_470, %swap3A_471] {strides = array<i32>} : memref<64x128xf32, #tpu.memory_space<vmem>>, vector<16xf32>,
            tpu.vector_store %arg22[%swap3A_470, %swap3A_471], %max3A_469 {strides = array<i32>} : memref<64x128xf32, #tpu.memory_space<vmem>>, vector<16xf32>,
            %get3A_473 = arith.index_cast %add3A_421 : i32 to index
            %get3A_474 = arith.constant 48 : index
            %get3A_475 = tpu.vector_load %arg19[%get3A_473, %get3A_474] {strides = array<i32>} : memref<64x128xf32, #tpu.memory_space<vmem>>, vector<16xf32>,
            %get3A_476 = arith.index_cast %add3A_421 : i32 to index
            %get3A_477 = arith.constant 48 : index
            %get3A_478 = tpu.vector_load %arg20[%get3A_476, %get3A_477] {strides = array<i32>} : memref<64x128xf32, #tpu.memory_space<vmem>>, vector<16xf32>,
            %add3A_479 = arith.addf %get3A_475, %get3A_478 : vector<16xf32>
            %get3A_480 = arith.index_cast %add3A_421 : i32 to index
            %get3A_481 = arith.constant 48 : index
            %get3A_482 = tpu.vector_load %arg21[%get3A_480, %get3A_481] {strides = array<i32>} : memref<64x128xf32, #tpu.memory_space<vmem>>, vector<16xf32>,
            %add3A_483 = arith.addf %add3A_479, %get3A_482 : vector<16xf32>
            %max3A_484 = arith.constant 0.000000e+00 : f32
            %max3A_485 = vector.broadcast %max3A_484 : f32 to vector<16xf32>
            %max3A_486 = arith.maximumf %add3A_483, %max3A_485 : vector<16xf32>
            %swap3A_487 = arith.index_cast %add3A_421 : i32 to index
            %swap3A_488 = arith.constant 48 : index
            %swap3A_489 = tpu.vector_load %arg22[%swap3A_487, %swap3A_488] {strides = array<i32>} : memref<64x128xf32, #tpu.memory_space<vmem>>, vector<16xf32>,
            tpu.vector_store %arg22[%swap3A_487, %swap3A_488], %max3A_486 {strides = array<i32>} : memref<64x128xf32, #tpu.memory_space<vmem>>, vector<16xf32>,
            %get3A_490 = arith.index_cast %add3A_421 : i32 to index
            %get3A_491 = arith.constant 64 : index
            %get3A_492 = tpu.vector_load %arg19[%get3A_490, %get3A_491] {strides = array<i32>} : memref<64x128xf32, #tpu.memory_space<vmem>>, vector<16xf32>,
            %get3A_493 = arith.index_cast %add3A_421 : i32 to index
            %get3A_494 = arith.constant 64 : index
            %get3A_495 = tpu.vector_load %arg20[%get3A_493, %get3A_494] {strides = array<i32>} : memref<64x128xf32, #tpu.memory_space<vmem>>, vector<16xf32>,
            %add3A_496 = arith.addf %get3A_492, %get3A_495 : vector<16xf32>
            %get3A_497 = arith.index_cast %add3A_421 : i32 to index
            %get3A_498 = arith.constant 64 : index
            %get3A_499 = tpu.vector_load %arg21[%get3A_497, %get3A_498] {strides = array<i32>} : memref<64x128xf32, #tpu.memory_space<vmem>>, vector<16xf32>,
            %add3A_500 = arith.addf %add3A_496, %get3A_499 : vector<16xf32>
            %max3A_501 = arith.constant 0.000000e+00 : f32
            %max3A_502 = vector.broadcast %max3A_501 : f32 to vector<16xf32>
            %max3A_503 = arith.maximumf %add3A_500, %max3A_502 : vector<16xf32>
            %swap3A_504 = arith.index_cast %add3A_421 : i32 to index
            %swap3A_505 = arith.constant 64 : index
            %swap3A_506 = tpu.vector_load %arg22[%swap3A_504, %swap3A_505] {strides = array<i32>} : memref<64x128xf32, #tpu.memory_space<vmem>>, vector<16xf32>,
            tpu.vector_store %arg22[%swap3A_504, %swap3A_505], %max3A_503 {strides = array<i32>} : memref<64x128xf32, #tpu.memory_space<vmem>>, vector<16xf32>,
            %get3A_507 = arith.index_cast %add3A_421 : i32 to index
            %get3A_508 = arith.constant 80 : index
            %get3A_509 = tpu.vector_load %arg19[%get3A_507, %get3A_508] {strides = array<i32>} : memref<64x128xf32, #tpu.memory_space<vmem>>, vector<16xf32>,
            %get3A_510 = arith.index_cast %add3A_421 : i32 to index
            %get3A_511 = arith.constant 80 : index
            %get3A_512 = tpu.vector_load %arg20[%get3A_510, %get3A_511] {strides = array<i32>} : memref<64x128xf32, #tpu.memory_space<vmem>>, vector<16xf32>,
            %add3A_513 = arith.addf %get3A_509, %get3A_512 : vector<16xf32>
            %get3A_514 = arith.index_cast %add3A_421 : i32 to index
            %get3A_515 = arith.constant 80 : index
            %get3A_516 = tpu.vector_load %arg21[%get3A_514, %get3A_515] {strides = array<i32>} : memref<64x128xf32, #tpu.memory_space<vmem>>, vector<16xf32>,
            %add3A_517 = arith.addf %add3A_513, %get3A_516 : vector<16xf32>
            %max3A_518 = arith.constant 0.000000e+00 : f32
            %max3A_519 = vector.broadcast %max3A_518 : f32 to vector<16xf32>
            %max3A_520 = arith.maximumf %add3A_517, %max3A_519 : vector<16xf32>
            %swap3A_521 = arith.index_cast %add3A_421 : i32 to index
            %swap3A_522 = arith.constant 80 : index
            %swap3A_523 = tpu.vector_load %arg22[%swap3A_521, %swap3A_522] {strides = array<i32>} : memref<64x128xf32, #tpu.memory_space<vmem>>, vector<16xf32>,
            tpu.vector_store %arg22[%swap3A_521, %swap3A_522], %max3A_520 {strides = array<i32>} : memref<64x128xf32, #tpu.memory_space<vmem>>, vector<16xf32>,
            %get3A_524 = arith.index_cast %add3A_421 : i32 to index
            %get3A_525 = arith.constant 96 : index
            %get3A_526 = tpu.vector_load %arg19[%get3A_524, %get3A_525] {strides = array<i32>} : memref<64x128xf32, #tpu.memory_space<vmem>>, vector<16xf32>,
            %get3A_527 = arith.index_cast %add3A_421 : i32 to index
            %get3A_528 = arith.constant 96 : index
            %get3A_529 = tpu.vector_load %arg20[%get3A_527, %get3A_528] {strides = array<i32>} : memref<64x128xf32, #tpu.memory_space<vmem>>, vector<16xf32>,
            %add3A_530 = arith.addf %get3A_526, %get3A_529 : vector<16xf32>
            %get3A_531 = arith.index_cast %add3A_421 : i32 to index
            %get3A_532 = arith.constant 96 : index
            %get3A_533 = tpu.vector_load %arg21[%get3A_531, %get3A_532] {strides = array<i32>} : memref<64x128xf32, #tpu.memory_space<vmem>>, vector<16xf32>,
            %add3A_534 = arith.addf %add3A_530, %get3A_533 : vector<16xf32>
            %max3A_535 = arith.constant 0.000000e+00 : f32
            %max3A_536 = vector.broadcast %max3A_535 : f32 to vector<16xf32>
            %max3A_537 = arith.maximumf %add3A_534, %max3A_536 : vector<16xf32>
            %swap3A_538 = arith.index_cast %add3A_421 : i32 to index
            %swap3A_539 = arith.constant 96 : index
            %swap3A_540 = tpu.vector_load %arg22[%swap3A_538, %swap3A_539] {strides = array<i32>} : memref<64x128xf32, #tpu.memory_space<vmem>>, vector<16xf32>,
            tpu.vector_store %arg22[%swap3A_538, %swap3A_539], %max3A_537 {strides = array<i32>} : memref<64x128xf32, #tpu.memory_space<vmem>>, vector<16xf32>,
            %get3A_541 = arith.index_cast %add3A_421 : i32 to index
            %get3A_542 = arith.constant 112 : index
            %get3A_543 = tpu.vector_load %arg19[%get3A_541, %get3A_542] {strides = array<i32>} : memref<64x128xf32, #tpu.memory_space<vmem>>, vector<16xf32>,
            %get3A_544 = arith.index_cast %add3A_421 : i32 to index
            %get3A_545 = arith.constant 112 : index
            %get3A_546 = tpu.vector_load %arg20[%get3A_544, %get3A_545] {strides = array<i32>} : memref<64x128xf32, #tpu.memory_space<vmem>>, vector<16xf32>,
            %add3A_547 = arith.addf %get3A_543, %get3A_546 : vector<16xf32>
            %get3A_548 = arith.index_cast %add3A_421 : i32 to index
            %get3A_549 = arith.constant 112 : index
            %get3A_550 = tpu.vector_load %arg21[%get3A_548, %get3A_549] {strides = array<i32>} : memref<64x128xf32, #tpu.memory_space<vmem>>, vector<16xf32>,
            %add3A_551 = arith.addf %add3A_547, %get3A_550 : vector<16xf32>
            %max3A_552 = arith.constant 0.000000e+00 : f32
            %max3A_553 = vector.broadcast %max3A_552 : f32 to vector<16xf32>
            %max3A_554 = arith.maximumf %add3A_551, %max3A_553 : vector<16xf32>
            %swap3A_555 = arith.index_cast %add3A_421 : i32 to index
            %swap3A_556 = arith.constant 112 : index
            %swap3A_557 = tpu.vector_load %arg22[%swap3A_555, %swap3A_556] {strides = array<i32>} : memref<64x128xf32, #tpu.memory_space<vmem>>, vector<16xf32>,
            tpu.vector_store %arg22[%swap3A_555, %swap3A_556], %max3A_554 {strides = array<i32>} : memref<64x128xf32, #tpu.memory_space<vmem>>, vector<16xf32>,
            %mul3A_558 = arith.constant 4 : i32
            %mul3A_559 = arith.muli %scan3A_278, %mul3A_558 : i32
            %add3A_560 = arith.constant 2 : i32
            %add3A_561 = arith.addi %mul3A_559, %add3A_560 : i32
            %get3A_562 = arith.index_cast %add3A_561 : i32 to index
            %get3A_563 = arith.constant 0 : index
            %get3A_564 = tpu.vector_load %arg19[%get3A_562, %get3A_563] {strides = array<i32>} : memref<64x128xf32, #tpu.memory_space<vmem>>, vector<16xf32>,
            %get3A_565 = arith.index_cast %add3A_561 : i32 to index
            %get3A_566 = arith.constant 0 : index
            %get3A_567 = tpu.vector_load %arg20[%get3A_565, %get3A_566] {strides = array<i32>} : memref<64x128xf32, #tpu.memory_space<vmem>>, vector<16xf32>,
            %add3A_568 = arith.addf %get3A_564, %get3A_567 : vector<16xf32>
            %get3A_569 = arith.index_cast %add3A_561 : i32 to index
            %get3A_570 = arith.constant 0 : index
            %get3A_571 = tpu.vector_load %arg21[%get3A_569, %get3A_570] {strides = array<i32>} : memref<64x128xf32, #tpu.memory_space<vmem>>, vector<16xf32>,
            %add3A_572 = arith.addf %add3A_568, %get3A_571 : vector<16xf32>
            %max3A_573 = arith.constant 0.000000e+00 : f32
            %max3A_574 = vector.broadcast %max3A_573 : f32 to vector<16xf32>
            %max3A_575 = arith.maximumf %add3A_572, %max3A_574 : vector<16xf32>
            %swap3A_576 = arith.index_cast %add3A_561 : i32 to index
            %swap3A_577 = arith.constant 0 : index
            %swap3A_578 = tpu.vector_load %arg22[%swap3A_576, %swap3A_577] {strides = array<i32>} : memref<64x128xf32, #tpu.memory_space<vmem>>, vector<16xf32>,
            tpu.vector_store %arg22[%swap3A_576, %swap3A_577], %max3A_575 {strides = array<i32>} : memref<64x128xf32, #tpu.memory_space<vmem>>, vector<16xf32>,
            %get3A_579 = arith.index_cast %add3A_561 : i32 to index
            %get3A_580 = arith.constant 16 : index
            %get3A_581 = tpu.vector_load %arg19[%get3A_579, %get3A_580] {strides = array<i32>} : memref<64x128xf32, #tpu.memory_space<vmem>>, vector<16xf32>,
            %get3A_582 = arith.index_cast %add3A_561 : i32 to index
            %get3A_583 = arith.constant 16 : index
            %get3A_584 = tpu.vector_load %arg20[%get3A_582, %get3A_583] {strides = array<i32>} : memref<64x128xf32, #tpu.memory_space<vmem>>, vector<16xf32>,
            %add3A_585 = arith.addf %get3A_581, %get3A_584 : vector<16xf32>
            %get3A_586 = arith.index_cast %add3A_561 : i32 to index
            %get3A_587 = arith.constant 16 : index
            %get3A_588 = tpu.vector_load %arg21[%get3A_586, %get3A_587] {strides = array<i32>} : memref<64x128xf32, #tpu.memory_space<vmem>>, vector<16xf32>,
            %add3A_589 = arith.addf %add3A_585, %get3A_588 : vector<16xf32>
            %max3A_590 = arith.constant 0.000000e+00 : f32
            %max3A_591 = vector.broadcast %max3A_590 : f32 to vector<16xf32>
            %max3A_592 = arith.maximumf %add3A_589, %max3A_591 : vector<16xf32>
            %swap3A_593 = arith.index_cast %add3A_561 : i32 to index
            %swap3A_594 = arith.constant 16 : index
            %swap3A_595 = tpu.vector_load %arg22[%swap3A_593, %swap3A_594] {strides = array<i32>} : memref<64x128xf32, #tpu.memory_space<vmem>>, vector<16xf32>,
            tpu.vector_store %arg22[%swap3A_593, %swap3A_594], %max3A_592 {strides = array<i32>} : memref<64x128xf32, #tpu.memory_space<vmem>>, vector<16xf32>,
            %get3A_596 = arith.index_cast %add3A_561 : i32 to index
            %get3A_597 = arith.constant 32 : index
            %get3A_598 = tpu.vector_load %arg19[%get3A_596, %get3A_597] {strides = array<i32>} : memref<64x128xf32, #tpu.memory_space<vmem>>, vector<16xf32>,
            %get3A_599 = arith.index_cast %add3A_561 : i32 to index
            %get3A_600 = arith.constant 32 : index
            %get3A_601 = tpu.vector_load %arg20[%get3A_599, %get3A_600] {strides = array<i32>} : memref<64x128xf32, #tpu.memory_space<vmem>>, vector<16xf32>,
            %add3A_602 = arith.addf %get3A_598, %get3A_601 : vector<16xf32>
            %get3A_603 = arith.index_cast %add3A_561 : i32 to index
            %get3A_604 = arith.constant 32 : index
            %get3A_605 = tpu.vector_load %arg21[%get3A_603, %get3A_604] {strides = array<i32>} : memref<64x128xf32, #tpu.memory_space<vmem>>, vector<16xf32>,
            %add3A_606 = arith.addf %add3A_602, %get3A_605 : vector<16xf32>
            %max3A_607 = arith.constant 0.000000e+00 : f32
            %max3A_608 = vector.broadcast %max3A_607 : f32 to vector<16xf32>
            %max3A_609 = arith.maximumf %add3A_606, %max3A_608 : vector<16xf32>
            %swap3A_610 = arith.index_cast %add3A_561 : i32 to index
            %swap3A_611 = arith.constant 32 : index
            %swap3A_612 = tpu.vector_load %arg22[%swap3A_610, %swap3A_611] {strides = array<i32>} : memref<64x128xf32, #tpu.memory_space<vmem>>, vector<16xf32>,
            tpu.vector_store %arg22[%swap3A_610, %swap3A_611], %max3A_609 {strides = array<i32>} : memref<64x128xf32, #tpu.memory_space<vmem>>, vector<16xf32>,
            %get3A_613 = arith.index_cast %add3A_561 : i32 to index
            %get3A_614 = arith.constant 48 : index
            %get3A_615 = tpu.vector_load %arg19[%get3A_613, %get3A_614] {strides = array<i32>} : memref<64x128xf32, #tpu.memory_space<vmem>>, vector<16xf32>,
            %get3A_616 = arith.index_cast %add3A_561 : i32 to index
            %get3A_617 = arith.constant 48 : index
            %get3A_618 = tpu.vector_load %arg20[%get3A_616, %get3A_617] {strides = array<i32>} : memref<64x128xf32, #tpu.memory_space<vmem>>, vector<16xf32>,
            %add3A_619 = arith.addf %get3A_615, %get3A_618 : vector<16xf32>
            %get3A_620 = arith.index_cast %add3A_561 : i32 to index
            %get3A_621 = arith.constant 48 : index
            %get3A_622 = tpu.vector_load %arg21[%get3A_620, %get3A_621] {strides = array<i32>} : memref<64x128xf32, #tpu.memory_space<vmem>>, vector<16xf32>,
            %add3A_623 = arith.addf %add3A_619, %get3A_622 : vector<16xf32>
            %max3A_624 = arith.constant 0.000000e+00 : f32
            %max3A_625 = vector.broadcast %max3A_624 : f32 to vector<16xf32>
            %max3A_626 = arith.maximumf %add3A_623, %max3A_625 : vector<16xf32>
            %swap3A_627 = arith.index_cast %add3A_561 : i32 to index
            %swap3A_628 = arith.constant 48 : index
            %swap3A_629 = tpu.vector_load %arg22[%swap3A_627, %swap3A_628] {strides = array<i32>} : memref<64x128xf32, #tpu.memory_space<vmem>>, vector<16xf32>,
            tpu.vector_store %arg22[%swap3A_627, %swap3A_628], %max3A_626 {strides = array<i32>} : memref<64x128xf32, #tpu.memory_space<vmem>>, vector<16xf32>,
            %get3A_630 = arith.index_cast %add3A_561 : i32 to index
            %get3A_631 = arith.constant 64 : index
            %get3A_632 = tpu.vector_load %arg19[%get3A_630, %get3A_631] {strides = array<i32>} : memref<64x128xf32, #tpu.memory_space<vmem>>, vector<16xf32>,
            %get3A_633 = arith.index_cast %add3A_561 : i32 to index
            %get3A_634 = arith.constant 64 : index
            %get3A_635 = tpu.vector_load %arg20[%get3A_633, %get3A_634] {strides = array<i32>} : memref<64x128xf32, #tpu.memory_space<vmem>>, vector<16xf32>,
            %add3A_636 = arith.addf %get3A_632, %get3A_635 : vector<16xf32>
            %get3A_637 = arith.index_cast %add3A_561 : i32 to index
            %get3A_638 = arith.constant 64 : index
            %get3A_639 = tpu.vector_load %arg21[%get3A_637, %get3A_638] {strides = array<i32>} : memref<64x128xf32, #tpu.memory_space<vmem>>, vector<16xf32>,
            %add3A_640 = arith.addf %add3A_636, %get3A_639 : vector<16xf32>
            %max3A_641 = arith.constant 0.000000e+00 : f32
            %max3A_642 = vector.broadcast %max3A_641 : f32 to vector<16xf32>
            %max3A_643 = arith.maximumf %add3A_640, %max3A_642 : vector<16xf32>
            %swap3A_644 = arith.index_cast %add3A_561 : i32 to index
            %swap3A_645 = arith.constant 64 : index
            %swap3A_646 = tpu.vector_load %arg22[%swap3A_644, %swap3A_645] {strides = array<i32>} : memref<64x128xf32, #tpu.memory_space<vmem>>, vector<16xf32>,
            tpu.vector_store %arg22[%swap3A_644, %swap3A_645], %max3A_643 {strides = array<i32>} : memref<64x128xf32, #tpu.memory_space<vmem>>, vector<16xf32>,
            %get3A_647 = arith.index_cast %add3A_561 : i32 to index
            %get3A_648 = arith.constant 80 : index
            %get3A_649 = tpu.vector_load %arg19[%get3A_647, %get3A_648] {strides = array<i32>} : memref<64x128xf32, #tpu.memory_space<vmem>>, vector<16xf32>,
            %get3A_650 = arith.index_cast %add3A_561 : i32 to index
            %get3A_651 = arith.constant 80 : index
            %get3A_652 = tpu.vector_load %arg20[%get3A_650, %get3A_651] {strides = array<i32>} : memref<64x128xf32, #tpu.memory_space<vmem>>, vector<16xf32>,
            %add3A_653 = arith.addf %get3A_649, %get3A_652 : vector<16xf32>
            %get3A_654 = arith.index_cast %add3A_561 : i32 to index
            %get3A_655 = arith.constant 80 : index
            %get3A_656 = tpu.vector_load %arg21[%get3A_654, %get3A_655] {strides = array<i32>} : memref<64x128xf32, #tpu.memory_space<vmem>>, vector<16xf32>,
            %add3A_657 = arith.addf %add3A_653, %get3A_656 : vector<16xf32>
            %max3A_658 = arith.constant 0.000000e+00 : f32
            %max3A_659 = vector.broadcast %max3A_658 : f32 to vector<16xf32>
            %max3A_660 = arith.maximumf %add3A_657, %max3A_659 : vector<16xf32>
            %swap3A_661 = arith.index_cast %add3A_561 : i32 to index
            %swap3A_662 = arith.constant 80 : index
            %swap3A_663 = tpu.vector_load %arg22[%swap3A_661, %swap3A_662] {strides = array<i32>} : memref<64x128xf32, #tpu.memory_space<vmem>>, vector<16xf32>,
            tpu.vector_store %arg22[%swap3A_661, %swap3A_662], %max3A_660 {strides = array<i32>} : memref<64x128xf32, #tpu.memory_space<vmem>>, vector<16xf32>,
            %get3A_664 = arith.index_cast %add3A_561 : i32 to index
            %get3A_665 = arith.constant 96 : index
            %get3A_666 = tpu.vector_load %arg19[%get3A_664, %get3A_665] {strides = array<i32>} : memref<64x128xf32, #tpu.memory_space<vmem>>, vector<16xf32>,
            %get3A_667 = arith.index_cast %add3A_561 : i32 to index
            %get3A_668 = arith.constant 96 : index
            %get3A_669 = tpu.vector_load %arg20[%get3A_667, %get3A_668] {strides = array<i32>} : memref<64x128xf32, #tpu.memory_space<vmem>>, vector<16xf32>,
            %add3A_670 = arith.addf %get3A_666, %get3A_669 : vector<16xf32>
            %get3A_671 = arith.index_cast %add3A_561 : i32 to index
            %get3A_672 = arith.constant 96 : index
            %get3A_673 = tpu.vector_load %arg21[%get3A_671, %get3A_672] {strides = array<i32>} : memref<64x128xf32, #tpu.memory_space<vmem>>, vector<16xf32>,
            %add3A_674 = arith.addf %add3A_670, %get3A_673 : vector<16xf32>
            %max3A_675 = arith.constant 0.000000e+00 : f32
            %max3A_676 = vector.broadcast %max3A_675 : f32 to vector<16xf32>
            %max3A_677 = arith.maximumf %add3A_674, %max3A_676 : vector<16xf32>
            %swap3A_678 = arith.index_cast %add3A_561 : i32 to index
            %swap3A_679 = arith.constant 96 : index
            %swap3A_680 = tpu.vector_load %arg22[%swap3A_678, %swap3A_679] {strides = array<i32>} : memref<64x128xf32, #tpu.memory_space<vmem>>, vector<16xf32>,
            tpu.vector_store %arg22[%swap3A_678, %swap3A_679], %max3A_677 {strides = array<i32>} : memref<64x128xf32, #tpu.memory_space<vmem>>, vector<16xf32>,
            %get3A_681 = arith.index_cast %add3A_561 : i32 to index
            %get3A_682 = arith.constant 112 : index
            %get3A_683 = tpu.vector_load %arg19[%get3A_681, %get3A_682] {strides = array<i32>} : memref<64x128xf32, #tpu.memory_space<vmem>>, vector<16xf32>,
            %get3A_684 = arith.index_cast %add3A_561 : i32 to index
            %get3A_685 = arith.constant 112 : index
            %get3A_686 = tpu.vector_load %arg20[%get3A_684, %get3A_685] {strides = array<i32>} : memref<64x128xf32, #tpu.memory_space<vmem>>, vector<16xf32>,
            %add3A_687 = arith.addf %get3A_683, %get3A_686 : vector<16xf32>
            %get3A_688 = arith.index_cast %add3A_561 : i32 to index
            %get3A_689 = arith.constant 112 : index
            %get3A_690 = tpu.vector_load %arg21[%get3A_688, %get3A_689] {strides = array<i32>} : memref<64x128xf32, #tpu.memory_space<vmem>>, vector<16xf32>,
            %add3A_691 = arith.addf %add3A_687, %get3A_690 : vector<16xf32>
            %max3A_692 = arith.constant 0.000000e+00 : f32
            %max3A_693 = vector.broadcast %max3A_692 : f32 to vector<16xf32>
            %max3A_694 = arith.maximumf %add3A_691, %max3A_693 : vector<16xf32>
            %swap3A_695 = arith.index_cast %add3A_561 : i32 to index
            %swap3A_696 = arith.constant 112 : index
            %swap3A_697 = tpu.vector_load %arg22[%swap3A_695, %swap3A_696] {strides = array<i32>} : memref<64x128xf32, #tpu.memory_space<vmem>>, vector<16xf32>,
            tpu.vector_store %arg22[%swap3A_695, %swap3A_696], %max3A_694 {strides = array<i32>} : memref<64x128xf32, #tpu.memory_space<vmem>>, vector<16xf32>,
            %mul3A_698 = arith.constant 4 : i32
            %mul3A_699 = arith.muli %scan3A_278, %mul3A_698 : i32
            %add3A_700 = arith.constant 3 : i32
            %add3A_701 = arith.addi %mul3A_699, %add3A_700 : i32
            %get3A_702 = arith.index_cast %add3A_701 : i32 to index
            %get3A_703 = arith.constant 0 : index
            %get3A_704 = tpu.vector_load %arg19[%get3A_702, %get3A_703] {strides = array<i32>} : memref<64x128xf32, #tpu.memory_space<vmem>>, vector<16xf32>,
            %get3A_705 = arith.index_cast %add3A_701 : i32 to index
            %get3A_706 = arith.constant 0 : index
            %get3A_707 = tpu.vector_load %arg20[%get3A_705, %get3A_706] {strides = array<i32>} : memref<64x128xf32, #tpu.memory_space<vmem>>, vector<16xf32>,
            %add3A_708 = arith.addf %get3A_704, %get3A_707 : vector<16xf32>
            %get3A_709 = arith.index_cast %add3A_701 : i32 to index
            %get3A_710 = arith.constant 0 : index
            %get3A_711 = tpu.vector_load %arg21[%get3A_709, %get3A_710] {strides = array<i32>} : memref<64x128xf32, #tpu.memory_space<vmem>>, vector<16xf32>,
            %add3A_712 = arith.addf %add3A_708, %get3A_711 : vector<16xf32>
            %max3A_713 = arith.constant 0.000000e+00 : f32
            %max3A_714 = vector.broadcast %max3A_713 : f32 to vector<16xf32>
            %max3A_715 = arith.maximumf %add3A_712, %max3A_714 : vector<16xf32>
            %swap3A_716 = arith.index_cast %add3A_701 : i32 to index
            %swap3A_717 = arith.constant 0 : index
            %swap3A_718 = tpu.vector_load %arg22[%swap3A_716, %swap3A_717] {strides = array<i32>} : memref<64x128xf32, #tpu.memory_space<vmem>>, vector<16xf32>,
            tpu.vector_store %arg22[%swap3A_716, %swap3A_717], %max3A_715 {strides = array<i32>} : memref<64x128xf32, #tpu.memory_space<vmem>>, vector<16xf32>,
            %get3A_719 = arith.index_cast %add3A_701 : i32 to index
            %get3A_720 = arith.constant 16 : index
            %get3A_721 = tpu.vector_load %arg19[%get3A_719, %get3A_720] {strides = array<i32>} : memref<64x128xf32, #tpu.memory_space<vmem>>, vector<16xf32>,
            %get3A_722 = arith.index_cast %add3A_701 : i32 to index
            %get3A_723 = arith.constant 16 : index
            %get3A_724 = tpu.vector_load %arg20[%get3A_722, %get3A_723] {strides = array<i32>} : memref<64x128xf32, #tpu.memory_space<vmem>>, vector<16xf32>,
            %add3A_725 = arith.addf %get3A_721, %get3A_724 : vector<16xf32>
            %get3A_726 = arith.index_cast %add3A_701 : i32 to index
            %get3A_727 = arith.constant 16 : index
            %get3A_728 = tpu.vector_load %arg21[%get3A_726, %get3A_727] {strides = array<i32>} : memref<64x128xf32, #tpu.memory_space<vmem>>, vector<16xf32>,
            %add3A_729 = arith.addf %add3A_725, %get3A_728 : vector<16xf32>
            %max3A_730 = arith.constant 0.000000e+00 : f32
            %max3A_731 = vector.broadcast %max3A_730 : f32 to vector<16xf32>
            %max3A_732 = arith.maximumf %add3A_729, %max3A_731 : vector<16xf32>
            %swap3A_733 = arith.index_cast %add3A_701 : i32 to index
            %swap3A_734 = arith.constant 16 : index
            %swap3A_735 = tpu.vector_load %arg22[%swap3A_733, %swap3A_734] {strides = array<i32>} : memref<64x128xf32, #tpu.memory_space<vmem>>, vector<16xf32>,
            tpu.vector_store %arg22[%swap3A_733, %swap3A_734], %max3A_732 {strides = array<i32>} : memref<64x128xf32, #tpu.memory_space<vmem>>, vector<16xf32>,
            %get3A_736 = arith.index_cast %add3A_701 : i32 to index
            %get3A_737 = arith.constant 32 : index
            %get3A_738 = tpu.vector_load %arg19[%get3A_736, %get3A_737] {strides = array<i32>} : memref<64x128xf32, #tpu.memory_space<vmem>>, vector<16xf32>,
            %get3A_739 = arith.index_cast %add3A_701 : i32 to index
            %get3A_740 = arith.constant 32 : index
            %get3A_741 = tpu.vector_load %arg20[%get3A_739, %get3A_740] {strides = array<i32>} : memref<64x128xf32, #tpu.memory_space<vmem>>, vector<16xf32>,
            %add3A_742 = arith.addf %get3A_738, %get3A_741 : vector<16xf32>
            %get3A_743 = arith.index_cast %add3A_701 : i32 to index
            %get3A_744 = arith.constant 32 : index
            %get3A_745 = tpu.vector_load %arg21[%get3A_743, %get3A_744] {strides = array<i32>} : memref<64x128xf32, #tpu.memory_space<vmem>>, vector<16xf32>,
            %add3A_746 = arith.addf %add3A_742, %get3A_745 : vector<16xf32>
            %max3A_747 = arith.constant 0.000000e+00 : f32
            %max3A_748 = vector.broadcast %max3A_747 : f32 to vector<16xf32>
            %max3A_749 = arith.maximumf %add3A_746, %max3A_748 : vector<16xf32>
            %swap3A_750 = arith.index_cast %add3A_701 : i32 to index
            %swap3A_751 = arith.constant 32 : index
            %swap3A_752 = tpu.vector_load %arg22[%swap3A_750, %swap3A_751] {strides = array<i32>} : memref<64x128xf32, #tpu.memory_space<vmem>>, vector<16xf32>,
            tpu.vector_store %arg22[%swap3A_750, %swap3A_751], %max3A_749 {strides = array<i32>} : memref<64x128xf32, #tpu.memory_space<vmem>>, vector<16xf32>,
            %get3A_753 = arith.index_cast %add3A_701 : i32 to index
            %get3A_754 = arith.constant 48 : index
            %get3A_755 = tpu.vector_load %arg19[%get3A_753, %get3A_754] {strides = array<i32>} : memref<64x128xf32, #tpu.memory_space<vmem>>, vector<16xf32>,
            %get3A_756 = arith.index_cast %add3A_701 : i32 to index
            %get3A_757 = arith.constant 48 : index
            %get3A_758 = tpu.vector_load %arg20[%get3A_756, %get3A_757] {strides = array<i32>} : memref<64x128xf32, #tpu.memory_space<vmem>>, vector<16xf32>,
            %add3A_759 = arith.addf %get3A_755, %get3A_758 : vector<16xf32>
            %get3A_760 = arith.index_cast %add3A_701 : i32 to index
            %get3A_761 = arith.constant 48 : index
            %get3A_762 = tpu.vector_load %arg21[%get3A_760, %get3A_761] {strides = array<i32>} : memref<64x128xf32, #tpu.memory_space<vmem>>, vector<16xf32>,
            %add3A_763 = arith.addf %add3A_759, %get3A_762 : vector<16xf32>
            %max3A_764 = arith.constant 0.000000e+00 : f32
            %max3A_765 = vector.broadcast %max3A_764 : f32 to vector<16xf32>
            %max3A_766 = arith.maximumf %add3A_763, %max3A_765 : vector<16xf32>
            %swap3A_767 = arith.index_cast %add3A_701 : i32 to index
            %swap3A_768 = arith.constant 48 : index
            %swap3A_769 = tpu.vector_load %arg22[%swap3A_767, %swap3A_768] {strides = array<i32>} : memref<64x128xf32, #tpu.memory_space<vmem>>, vector<16xf32>,
            tpu.vector_store %arg22[%swap3A_767, %swap3A_768], %max3A_766 {strides = array<i32>} : memref<64x128xf32, #tpu.memory_space<vmem>>, vector<16xf32>,
            %get3A_770 = arith.index_cast %add3A_701 : i32 to index
            %get3A_771 = arith.constant 64 : index
            %get3A_772 = tpu.vector_load %arg19[%get3A_770, %get3A_771] {strides = array<i32>} : memref<64x128xf32, #tpu.memory_space<vmem>>, vector<16xf32>,
            %get3A_773 = arith.index_cast %add3A_701 : i32 to index
            %get3A_774 = arith.constant 64 : index
            %get3A_775 = tpu.vector_load %arg20[%get3A_773, %get3A_774] {strides = array<i32>} : memref<64x128xf32, #tpu.memory_space<vmem>>, vector<16xf32>,
            %add3A_776 = arith.addf %get3A_772, %get3A_775 : vector<16xf32>
            %get3A_777 = arith.index_cast %add3A_701 : i32 to index
            %get3A_778 = arith.constant 64 : index
            %get3A_779 = tpu.vector_load %arg21[%get3A_777, %get3A_778] {strides = array<i32>} : memref<64x128xf32, #tpu.memory_space<vmem>>, vector<16xf32>,
            %add3A_780 = arith.addf %add3A_776, %get3A_779 : vector<16xf32>
            %max3A_781 = arith.constant 0.000000e+00 : f32
            %max3A_782 = vector.broadcast %max3A_781 : f32 to vector<16xf32>
            %max3A_783 = arith.maximumf %add3A_780, %max3A_782 : vector<16xf32>
            %swap3A_784 = arith.index_cast %add3A_701 : i32 to index
            %swap3A_785 = arith.constant 64 : index
            %swap3A_786 = tpu.vector_load %arg22[%swap3A_784, %swap3A_785] {strides = array<i32>} : memref<64x128xf32, #tpu.memory_space<vmem>>, vector<16xf32>,
            tpu.vector_store %arg22[%swap3A_784, %swap3A_785], %max3A_783 {strides = array<i32>} : memref<64x128xf32, #tpu.memory_space<vmem>>, vector<16xf32>,
            %get3A_787 = arith.index_cast %add3A_701 : i32 to index
            %get3A_788 = arith.constant 80 : index
            %get3A_789 = tpu.vector_load %arg19[%get3A_787, %get3A_788] {strides = array<i32>} : memref<64x128xf32, #tpu.memory_space<vmem>>, vector<16xf32>,
            %get3A_790 = arith.index_cast %add3A_701 : i32 to index
            %get3A_791 = arith.constant 80 : index
            %get3A_792 = tpu.vector_load %arg20[%get3A_790, %get3A_791] {strides = array<i32>} : memref<64x128xf32, #tpu.memory_space<vmem>>, vector<16xf32>,
            %add3A_793 = arith.addf %get3A_789, %get3A_792 : vector<16xf32>
            %get3A_794 = arith.index_cast %add3A_701 : i32 to index
            %get3A_795 = arith.constant 80 : index
            %get3A_796 = tpu.vector_load %arg21[%get3A_794, %get3A_795] {strides = array<i32>} : memref<64x128xf32, #tpu.memory_space<vmem>>, vector<16xf32>,
            %add3A_797 = arith.addf %add3A_793, %get3A_796 : vector<16xf32>
            %max3A_798 = arith.constant 0.000000e+00 : f32
            %max3A_799 = vector.broadcast %max3A_798 : f32 to vector<16xf32>
            %max3A_800 = arith.maximumf %add3A_797, %max3A_799 : vector<16xf32>
            %swap3A_801 = arith.index_cast %add3A_701 : i32 to index
            %swap3A_802 = arith.constant 80 : index
            %swap3A_803 = tpu.vector_load %arg22[%swap3A_801, %swap3A_802] {strides = array<i32>} : memref<64x128xf32, #tpu.memory_space<vmem>>, vector<16xf32>,
            tpu.vector_store %arg22[%swap3A_801, %swap3A_802], %max3A_800 {strides = array<i32>} : memref<64x128xf32, #tpu.memory_space<vmem>>, vector<16xf32>,
            %get3A_804 = arith.index_cast %add3A_701 : i32 to index
            %get3A_805 = arith.constant 96 : index
            %get3A_806 = tpu.vector_load %arg19[%get3A_804, %get3A_805] {strides = array<i32>} : memref<64x128xf32, #tpu.memory_space<vmem>>, vector<16xf32>,
            %get3A_807 = arith.index_cast %add3A_701 : i32 to index
            %get3A_808 = arith.constant 96 : index
            %get3A_809 = tpu.vector_load %arg20[%get3A_807, %get3A_808] {strides = array<i32>} : memref<64x128xf32, #tpu.memory_space<vmem>>, vector<16xf32>,
            %add3A_810 = arith.addf %get3A_806, %get3A_809 : vector<16xf32>
            %get3A_811 = arith.index_cast %add3A_701 : i32 to index
            %get3A_812 = arith.constant 96 : index
            %get3A_813 = tpu.vector_load %arg21[%get3A_811, %get3A_812] {strides = array<i32>} : memref<64x128xf32, #tpu.memory_space<vmem>>, vector<16xf32>,
            %add3A_814 = arith.addf %add3A_810, %get3A_813 : vector<16xf32>
            %max3A_815 = arith.constant 0.000000e+00 : f32
            %max3A_816 = vector.broadcast %max3A_815 : f32 to vector<16xf32>
            %max3A_817 = arith.maximumf %add3A_814, %max3A_816 : vector<16xf32>
            %swap3A_818 = arith.index_cast %add3A_701 : i32 to index
            %swap3A_819 = arith.constant 96 : index
            %swap3A_820 = tpu.vector_load %arg22[%swap3A_818, %swap3A_819] {strides = array<i32>} : memref<64x128xf32, #tpu.memory_space<vmem>>, vector<16xf32>,
            tpu.vector_store %arg22[%swap3A_818, %swap3A_819], %max3A_817 {strides = array<i32>} : memref<64x128xf32, #tpu.memory_space<vmem>>, vector<16xf32>,
            %get3A_821 = arith.index_cast %add3A_701 : i32 to index
            %get3A_822 = arith.constant 112 : index
            %get3A_823 = tpu.vector_load %arg19[%get3A_821, %get3A_822] {strides = array<i32>} : memref<64x128xf32, #tpu.memory_space<vmem>>, vector<16xf32>,
            %get3A_824 = arith.index_cast %add3A_701 : i32 to index
            %get3A_825 = arith.constant 112 : index
            %get3A_826 = tpu.vector_load %arg20[%get3A_824, %get3A_825] {strides = array<i32>} : memref<64x128xf32, #tpu.memory_space<vmem>>, vector<16xf32>,
            %add3A_827 = arith.addf %get3A_823, %get3A_826 : vector<16xf32>
            %get3A_828 = arith.index_cast %add3A_701 : i32 to index
            %get3A_829 = arith.constant 112 : index
            %get3A_830 = tpu.vector_load %arg21[%get3A_828, %get3A_829] {strides = array<i32>} : memref<64x128xf32, #tpu.memory_space<vmem>>, vector<16xf32>,
            %add3A_831 = arith.addf %add3A_827, %get3A_830 : vector<16xf32>
            %max3A_832 = arith.constant 0.000000e+00 : f32
            %max3A_833 = vector.broadcast %max3A_832 : f32 to vector<16xf32>
            %max3A_834 = arith.maximumf %add3A_831, %max3A_833 : vector<16xf32>
            %swap3A_835 = arith.index_cast %add3A_701 : i32 to index
            %swap3A_836 = arith.constant 112 : index
            %swap3A_837 = tpu.vector_load %arg22[%swap3A_835, %swap3A_836] {strides = array<i32>} : memref<64x128xf32, #tpu.memory_space<vmem>>, vector<16xf32>,
            tpu.vector_store %arg22[%swap3A_835, %swap3A_836], %max3A_834 {strides = array<i32>} : memref<64x128xf32, #tpu.memory_space<vmem>>, vector<16xf32>,
          }
          %scan3A_261 = arith.constant 16 : i32
          %get3A = arith.constant 0 : index
          %get3A_262 = tpu.vector_load %arg16[%get3A] {strides = array<i32>} : memref<64xi32, #tpu.memory_space<vmem>>, vector<16xi32>,
          %swap3A = arith.constant 0 : index
          %swap3A_263 = tpu.vector_load %arg17[%swap3A] {strides = array<i32>} : memref<64xi32, #tpu.memory_space<vmem>>, vector<16xi32>,
          tpu.vector_store %arg17[%swap3A], %get3A_262 {strides = array<i32>} : memref<64xi32, #tpu.memory_space<vmem>>, vector<16xi32>,
          %get3A_264 = arith.constant 16 : index
          %get3A_265 = tpu.vector_load %arg16[%get3A_264] {strides = array<i32>} : memref<64xi32, #tpu.memory_space<vmem>>, vector<16xi32>,
          %swap3A_266 = arith.constant 16 : index
          %swap3A_267 = tpu.vector_load %arg17[%swap3A_266] {strides = array<i32>} : memref<64xi32, #tpu.memory_space<vmem>>, vector<16xi32>,
          tpu.vector_store %arg17[%swap3A_266], %get3A_265 {strides = array<i32>} : memref<64xi32, #tpu.memory_space<vmem>>, vector<16xi32>,
          %get3A_268 = arith.constant 32 : index
          %get3A_269 = tpu.vector_load %arg16[%get3A_268] {strides = array<i32>} : memref<64xi32, #tpu.memory_space<vmem>>, vector<16xi32>,
          %swap3A_270 = arith.constant 32 : index
          %swap3A_271 = tpu.vector_load %arg17[%swap3A_270] {strides = array<i32>} : memref<64xi32, #tpu.memory_space<vmem>>, vector<16xi32>,
          tpu.vector_store %arg17[%swap3A_270], %get3A_269 {strides = array<i32>} : memref<64xi32, #tpu.memory_space<vmem>>, vector<16xi32>,
          %get3A_272 = arith.constant 48 : index
          %get3A_273 = tpu.vector_load %arg16[%get3A_272] {strides = array<i32>} : memref<64xi32, #tpu.memory_space<vmem>>, vector<16xi32>,
          %swap3A_274 = arith.constant 48 : index
          %swap3A_275 = tpu.vector_load %arg17[%swap3A_274] {strides = array<i32>} : memref<64xi32, #tpu.memory_space<vmem>>, vector<16xi32>,
          tpu.vector_store %arg17[%swap3A_274], %get3A_273 {strides = array<i32>} : memref<64xi32, #tpu.memory_space<vmem>>, vector<16xi32>,
          %dma_start3A = arith.constant 0 : i32
          %dma_start3A_276 = arith.constant 0 : i32
          %dma_start3A_277 = tpu.memref_slice %arg32[%dma_start3A, %dma_start3A_276] : memref<5120x128xf32, #tpu.memory_space<vmem_shared>> -> memref<5120x128xf32, #tpu.memory_space<vmem_shared>>
          tpu.enqueue_indirect_dma source(%arg22 : memref<64x128xf32, #tpu.memory_space<vmem>>) target(%dma_start3A_277 : memref<5120x128xf32, #tpu.memory_space<vmem_shared>>) offsets(%arg17 : memref<64xi32, #tpu.memory_space<vmem>>) semaphore(%arg36 : memref<!tpu.dma_semaphore, #tpu.memory_space<semaphore_mem>>) {add = true}
        } else {
        }
        %add3A_159 = arith.constant 2 : i32
        %add3A_160 = arith.addi %add3A_140, %add3A_159 : i32
        %mul3A_161 = arith.constant 64 : i32
        %mul3A_162 = arith.muli %add3A_160, %mul3A_161 : i32
        %broadcast_in_dim3A_163 = vector.broadcast %mul3A_162 : i32 to vector<16xi32>
        %lt3A_164 = arith.cmpi slt, %broadcast_in_dim3A_163, %scan3A_28 : vector<16xi32>
        %reduce_or3A_165 = arith.constant 1.000000e+00 : f32
        %reduce_or3A_166 = arith.constant 0.000000e+00 : f32
        %reduce_or3A_167 = vector.broadcast %reduce_or3A_165 : f32 to vector<16xf32>
        %reduce_or3A_168 = vector.broadcast %reduce_or3A_166 : f32 to vector<16xf32>
        %reduce_or3A_169 = arith.select %lt3A_164, %reduce_or3A_167, %reduce_or3A_168 : vector<16xi1>, vector<16xf32>
        %reduce_or3A_170 = arith.constant true
        %reduce_or3A_171 = vector.broadcast %reduce_or3A_170 : i1 to vector<16xi1>
        %reduce_or3A_172 = tpu.scan <max>, %reduce_or3A_169 masked %reduce_or3A_171 : vector<16xf32>, vector<16xi1> -> vector<16xf32>
        %reduce_or3A_173 = vector.extract %reduce_or3A_172[15] : f32 from vector<16xf32>
        %reduce_or3A_174 = arith.constant 0.000000e+00 : f32
        %reduce_or3A_175 = arith.cmpf ogt, %reduce_or3A_173, %reduce_or3A_174 : f32
        %add3A_176 = arith.constant 2 : i32
        %add3A_177 = arith.addi %add3A_140, %add3A_176 : i32
        %convert_element_type3A_178 = arith.extui %reduce_or3A_175 : i1 to i32
        %cond3A_179 = arith.constant 0 : i32
        %cond3A_180 = arith.cmpi ne, %convert_element_type3A_178, %cond3A_179 : i32
        scf.if %cond3A_180 {
          %mul3A_225 = arith.constant 64 : i32
          %mul3A_226 = arith.muli %add3A_177, %mul3A_225 : i32
          %add3A_227 = arith.constant 0 : i32
          %add3A_228 = arith.addi %mul3A_226, %add3A_227 : i32
          %get3A = arith.index_cast %add3A_228 : i32 to index
          %get3A_229 = tpu.vector_load %arg11[%get3A] {strides = array<i32>} : memref<2064xi32, #tpu.memory_space<vmem>>, vector<16xi32>,
          %swap3A = arith.constant 0 : index
          %swap3A_230 = tpu.vector_load %arg14[%swap3A] {strides = array<i32>} : memref<64xi32, #tpu.memory_space<vmem>>, vector<16xi32>,
          tpu.vector_store %arg14[%swap3A], %get3A_229 {strides = array<i32>} : memref<64xi32, #tpu.memory_space<vmem>>, vector<16xi32>,
          %get3A_231 = arith.index_cast %add3A_228 : i32 to index
          %get3A_232 = tpu.vector_load %arg12[%get3A_231] {strides = array<i32>} : memref<2064xi32, #tpu.memory_space<vmem>>, vector<16xi32>,
          %swap3A_233 = arith.constant 0 : index
          %swap3A_234 = tpu.vector_load %arg16[%swap3A_233] {strides = array<i32>} : memref<64xi32, #tpu.memory_space<vmem>>, vector<16xi32>,
          tpu.vector_store %arg16[%swap3A_233], %get3A_232 {strides = array<i32>} : memref<64xi32, #tpu.memory_space<vmem>>, vector<16xi32>,
          %min3A = arith.constant 4999 : i32
          %min3A_235 = vector.broadcast %min3A : i32 to vector<16xi32>
          %min3A_236 = arith.minsi %get3A_232, %min3A_235 : vector<16xi32>
          %add3A_237 = arith.addi %min3A_236, %broadcast_in_dim3A : vector<16xi32>
          %swap3A_238 = arith.constant 0 : index
          %swap3A_239 = tpu.vector_load %arg15[%swap3A_238] {strides = array<i32>} : memref<64xi32, #tpu.memory_space<vmem>>, vector<16xi32>,
          tpu.vector_store %arg15[%swap3A_238], %add3A_237 {strides = array<i32>} : memref<64xi32, #tpu.memory_space<vmem>>, vector<16xi32>,
          %get3A_240 = arith.index_cast %add3A_228 : i32 to index
          %get3A_241 = tpu.vector_load %arg13[%get3A_240] {strides = array<i32>} : memref<2064xi32, #tpu.memory_space<vmem>>, vector<16xi32>,
          %swap3A_242 = arith.constant 0 : index
          %swap3A_243 = tpu.vector_load %arg18[%swap3A_242] {strides = array<i32>} : memref<64xi32, #tpu.memory_space<vmem>>, vector<16xi32>,
          tpu.vector_store %arg18[%swap3A_242], %get3A_241 {strides = array<i32>} : memref<64xi32, #tpu.memory_space<vmem>>, vector<16xi32>,
          %mul3A_244 = arith.constant 64 : i32
          %mul3A_245 = arith.muli %add3A_177, %mul3A_244 : i32
          %add3A_246 = arith.constant 16 : i32
          %add3A_247 = arith.addi %mul3A_245, %add3A_246 : i32
          %get3A_248 = arith.index_cast %add3A_247 : i32 to index
          %get3A_249 = tpu.vector_load %arg11[%get3A_248] {strides = array<i32>} : memref<2064xi32, #tpu.memory_space<vmem>>, vector<16xi32>,
          %swap3A_250 = arith.constant 16 : index
          %swap3A_251 = tpu.vector_load %arg14[%swap3A_250] {strides = array<i32>} : memref<64xi32, #tpu.memory_space<vmem>>, vector<16xi32>,
          tpu.vector_store %arg14[%swap3A_250], %get3A_249 {strides = array<i32>} : memref<64xi32, #tpu.memory_space<vmem>>, vector<16xi32>,
          %get3A_252 = arith.index_cast %add3A_247 : i32 to index
          %get3A_253 = tpu.vector_load %arg12[%get3A_252] {strides = array<i32>} : memref<2064xi32, #tpu.memory_space<vmem>>, vector<16xi32>,
          %swap3A_254 = arith.constant 16 : index
          %swap3A_255 = tpu.vector_load %arg16[%swap3A_254] {strides = array<i32>} : memref<64xi32, #tpu.memory_space<vmem>>, vector<16xi32>,
          tpu.vector_store %arg16[%swap3A_254], %get3A_253 {strides = array<i32>} : memref<64xi32, #tpu.memory_space<vmem>>, vector<16xi32>,
          %min3A_256 = arith.constant 4999 : i32
          %min3A_257 = vector.broadcast %min3A_256 : i32 to vector<16xi32>
          %min3A_258 = arith.minsi %get3A_253, %min3A_257 : vector<16xi32>
          %add3A_259 = arith.addi %min3A_258, %broadcast_in_dim3A : vector<16xi32>
          %swap3A_260 = arith.constant 16 : index
          %swap3A_261 = tpu.vector_load %arg15[%swap3A_260] {strides = array<i32>} : memref<64xi32, #tpu.memory_space<vmem>>, vector<16xi32>,
          tpu.vector_store %arg15[%swap3A_260], %add3A_259 {strides = array<i32>} : memref<64xi32, #tpu.memory_space<vmem>>, vector<16xi32>,
          %get3A_262 = arith.index_cast %add3A_247 : i32 to index
          %get3A_263 = tpu.vector_load %arg13[%get3A_262] {strides = array<i32>} : memref<2064xi32, #tpu.memory_space<vmem>>, vector<16xi32>,
          %swap3A_264 = arith.constant 16 : index
          %swap3A_265 = tpu.vector_load %arg18[%swap3A_264] {strides = array<i32>} : memref<64xi32, #tpu.memory_space<vmem>>, vector<16xi32>,
          tpu.vector_store %arg18[%swap3A_264], %get3A_263 {strides = array<i32>} : memref<64xi32, #tpu.memory_space<vmem>>, vector<16xi32>,
          %mul3A_266 = arith.constant 64 : i32
          %mul3A_267 = arith.muli %add3A_177, %mul3A_266 : i32
          %add3A_268 = arith.constant 32 : i32
          %add3A_269 = arith.addi %mul3A_267, %add3A_268 : i32
          %get3A_270 = arith.index_cast %add3A_269 : i32 to index
          %get3A_271 = tpu.vector_load %arg11[%get3A_270] {strides = array<i32>} : memref<2064xi32, #tpu.memory_space<vmem>>, vector<16xi32>,
          %swap3A_272 = arith.constant 32 : index
          %swap3A_273 = tpu.vector_load %arg14[%swap3A_272] {strides = array<i32>} : memref<64xi32, #tpu.memory_space<vmem>>, vector<16xi32>,
          tpu.vector_store %arg14[%swap3A_272], %get3A_271 {strides = array<i32>} : memref<64xi32, #tpu.memory_space<vmem>>, vector<16xi32>,
          %get3A_274 = arith.index_cast %add3A_269 : i32 to index
          %get3A_275 = tpu.vector_load %arg12[%get3A_274] {strides = array<i32>} : memref<2064xi32, #tpu.memory_space<vmem>>, vector<16xi32>,
          %swap3A_276 = arith.constant 32 : index
          %swap3A_277 = tpu.vector_load %arg16[%swap3A_276] {strides = array<i32>} : memref<64xi32, #tpu.memory_space<vmem>>, vector<16xi32>,
          tpu.vector_store %arg16[%swap3A_276], %get3A_275 {strides = array<i32>} : memref<64xi32, #tpu.memory_space<vmem>>, vector<16xi32>,
          %min3A_278 = arith.constant 4999 : i32
          %min3A_279 = vector.broadcast %min3A_278 : i32 to vector<16xi32>
          %min3A_280 = arith.minsi %get3A_275, %min3A_279 : vector<16xi32>
          %add3A_281 = arith.addi %min3A_280, %broadcast_in_dim3A : vector<16xi32>
          %swap3A_282 = arith.constant 32 : index
          %swap3A_283 = tpu.vector_load %arg15[%swap3A_282] {strides = array<i32>} : memref<64xi32, #tpu.memory_space<vmem>>, vector<16xi32>,
          tpu.vector_store %arg15[%swap3A_282], %add3A_281 {strides = array<i32>} : memref<64xi32, #tpu.memory_space<vmem>>, vector<16xi32>,
          %get3A_284 = arith.index_cast %add3A_269 : i32 to index
          %get3A_285 = tpu.vector_load %arg13[%get3A_284] {strides = array<i32>} : memref<2064xi32, #tpu.memory_space<vmem>>, vector<16xi32>,
          %swap3A_286 = arith.constant 32 : index
          %swap3A_287 = tpu.vector_load %arg18[%swap3A_286] {strides = array<i32>} : memref<64xi32, #tpu.memory_space<vmem>>, vector<16xi32>,
          tpu.vector_store %arg18[%swap3A_286], %get3A_285 {strides = array<i32>} : memref<64xi32, #tpu.memory_space<vmem>>, vector<16xi32>,
          %mul3A_288 = arith.constant 64 : i32
          %mul3A_289 = arith.muli %add3A_177, %mul3A_288 : i32
          %add3A_290 = arith.constant 48 : i32
          %add3A_291 = arith.addi %mul3A_289, %add3A_290 : i32
          %get3A_292 = arith.index_cast %add3A_291 : i32 to index
          %get3A_293 = tpu.vector_load %arg11[%get3A_292] {strides = array<i32>} : memref<2064xi32, #tpu.memory_space<vmem>>, vector<16xi32>,
          %swap3A_294 = arith.constant 48 : index
          %swap3A_295 = tpu.vector_load %arg14[%swap3A_294] {strides = array<i32>} : memref<64xi32, #tpu.memory_space<vmem>>, vector<16xi32>,
          tpu.vector_store %arg14[%swap3A_294], %get3A_293 {strides = array<i32>} : memref<64xi32, #tpu.memory_space<vmem>>, vector<16xi32>,
          %get3A_296 = arith.index_cast %add3A_291 : i32 to index
          %get3A_297 = tpu.vector_load %arg12[%get3A_296] {strides = array<i32>} : memref<2064xi32, #tpu.memory_space<vmem>>, vector<16xi32>,
          %swap3A_298 = arith.constant 48 : index
          %swap3A_299 = tpu.vector_load %arg16[%swap3A_298] {strides = array<i32>} : memref<64xi32, #tpu.memory_space<vmem>>, vector<16xi32>,
          tpu.vector_store %arg16[%swap3A_298], %get3A_297 {strides = array<i32>} : memref<64xi32, #tpu.memory_space<vmem>>, vector<16xi32>,
          %min3A_300 = arith.constant 4999 : i32
          %min3A_301 = vector.broadcast %min3A_300 : i32 to vector<16xi32>
          %min3A_302 = arith.minsi %get3A_297, %min3A_301 : vector<16xi32>
          %add3A_303 = arith.addi %min3A_302, %broadcast_in_dim3A : vector<16xi32>
          %swap3A_304 = arith.constant 48 : index
          %swap3A_305 = tpu.vector_load %arg15[%swap3A_304] {strides = array<i32>} : memref<64xi32, #tpu.memory_space<vmem>>, vector<16xi32>,
          tpu.vector_store %arg15[%swap3A_304], %add3A_303 {strides = array<i32>} : memref<64xi32, #tpu.memory_space<vmem>>, vector<16xi32>,
          %get3A_306 = arith.index_cast %add3A_291 : i32 to index
          %get3A_307 = tpu.vector_load %arg13[%get3A_306] {strides = array<i32>} : memref<2064xi32, #tpu.memory_space<vmem>>, vector<16xi32>,
          %swap3A_308 = arith.constant 48 : index
          %swap3A_309 = tpu.vector_load %arg18[%swap3A_308] {strides = array<i32>} : memref<64xi32, #tpu.memory_space<vmem>>, vector<16xi32>,
          tpu.vector_store %arg18[%swap3A_308], %get3A_307 {strides = array<i32>} : memref<64xi32, #tpu.memory_space<vmem>>, vector<16xi32>,
          %dma_start3A = arith.constant 0 : i32
          %dma_start3A_310 = arith.constant 0 : i32
          %dma_start3A_311 = tpu.memref_slice %arg2[%dma_start3A, %dma_start3A_310] : memref<10000x128xf32, #tpu.memory_space<hbm>> -> memref<10000x128xf32, #tpu.memory_space<hbm>>
          tpu.enqueue_indirect_dma source(%dma_start3A_311 : memref<10000x128xf32, #tpu.memory_space<hbm>>) target(%arg19 : memref<64x128xf32, #tpu.memory_space<vmem>>) offsets(%arg14 : memref<64xi32, #tpu.memory_space<vmem>>) semaphore(%arg33 : memref<!tpu.dma_semaphore, #tpu.memory_space<semaphore_mem>>)
          %dma_start3A_312 = arith.constant 0 : i32
          %dma_start3A_313 = arith.constant 0 : i32
          %dma_start3A_314 = tpu.memref_slice %arg3[%dma_start3A_312, %dma_start3A_313] : memref<10000x128xf32, #tpu.memory_space<hbm>> -> memref<10000x128xf32, #tpu.memory_space<hbm>>
          tpu.enqueue_indirect_dma source(%dma_start3A_314 : memref<10000x128xf32, #tpu.memory_space<hbm>>) target(%arg20 : memref<64x128xf32, #tpu.memory_space<vmem>>) offsets(%arg15 : memref<64xi32, #tpu.memory_space<vmem>>) semaphore(%arg34 : memref<!tpu.dma_semaphore, #tpu.memory_space<semaphore_mem>>)
          %dma_start3A_315 = arith.constant 0 : i32
          %dma_start3A_316 = arith.constant 0 : i32
          %dma_start3A_317 = tpu.memref_slice %arg4[%dma_start3A_315, %dma_start3A_316] : memref<320000x128xf32, #tpu.memory_space<hbm>> -> memref<320000x128xf32, #tpu.memory_space<hbm>>
          tpu.enqueue_indirect_dma source(%dma_start3A_317 : memref<320000x128xf32, #tpu.memory_space<hbm>>) target(%arg21 : memref<64x128xf32, #tpu.memory_space<vmem>>) offsets(%arg18 : memref<64xi32, #tpu.memory_space<vmem>>) semaphore(%arg35 : memref<!tpu.dma_semaphore, #tpu.memory_space<semaphore_mem>>)
        } else {
        }
        %add3A_181 = arith.constant 1 : i32
        %add3A_182 = arith.addi %mul3A_138, %add3A_181 : i32
        %mul3A_183 = arith.constant 64 : i32
        %mul3A_184 = arith.muli %add3A_182, %mul3A_183 : i32
        %broadcast_in_dim3A_185 = vector.broadcast %mul3A_184 : i32 to vector<16xi32>
        %lt3A_186 = arith.cmpi slt, %broadcast_in_dim3A_185, %scan3A_28 : vector<16xi32>
        %reduce_or3A_187 = arith.constant 1.000000e+00 : f32
        %reduce_or3A_188 = arith.constant 0.000000e+00 : f32
        %reduce_or3A_189 = vector.broadcast %reduce_or3A_187 : f32 to vector<16xf32>
        %reduce_or3A_190 = vector.broadcast %reduce_or3A_188 : f32 to vector<16xf32>
        %reduce_or3A_191 = arith.select %lt3A_186, %reduce_or3A_189, %reduce_or3A_190 : vector<16xi1>, vector<16xf32>
        %reduce_or3A_192 = arith.constant true
        %reduce_or3A_193 = vector.broadcast %reduce_or3A_192 : i1 to vector<16xi1>
        %reduce_or3A_194 = tpu.scan <max>, %reduce_or3A_191 masked %reduce_or3A_193 : vector<16xf32>, vector<16xi1> -> vector<16xf32>
        %reduce_or3A_195 = vector.extract %reduce_or3A_194[15] : f32 from vector<16xf32>
        %reduce_or3A_196 = arith.constant 0.000000e+00 : f32
        %reduce_or3A_197 = arith.cmpf ogt, %reduce_or3A_195, %reduce_or3A_196 : f32
        %convert_element_type3A_198 = arith.extui %reduce_or3A_197 : i1 to i32
        %cond3A_199 = arith.constant 0 : i32
        %cond3A_200 = arith.cmpi ne, %convert_element_type3A_198, %cond3A_199 : i32
        scf.if %cond3A_200 {
          %dma_wait3A = arith.constant 0 : i32
          %dma_wait3A_225 = arith.constant 0 : i32
          %dma_wait3A_226 = tpu.memref_slice %arg2[%dma_wait3A, %dma_wait3A_225] : memref<10000x128xf32, #tpu.memory_space<hbm>> -> memref<10000x128xf32, #tpu.memory_space<hbm>>
          tpu.wait_indirect_dma semaphore(%arg37 : memref<!tpu.dma_semaphore, #tpu.memory_space<semaphore_mem>>) src(%dma_wait3A_226 : memref<10000x128xf32, #tpu.memory_space<hbm>>) dst(%arg28 : memref<64x128xf32, #tpu.memory_space<vmem>>)
          %dma_wait3A_227 = arith.constant 0 : i32
          %dma_wait3A_228 = arith.constant 0 : i32
          %dma_wait3A_229 = tpu.memref_slice %arg3[%dma_wait3A_227, %dma_wait3A_228] : memref<10000x128xf32, #tpu.memory_space<hbm>> -> memref<10000x128xf32, #tpu.memory_space<hbm>>
          tpu.wait_indirect_dma semaphore(%arg38 : memref<!tpu.dma_semaphore, #tpu.memory_space<semaphore_mem>>) src(%dma_wait3A_229 : memref<10000x128xf32, #tpu.memory_space<hbm>>) dst(%arg29 : memref<64x128xf32, #tpu.memory_space<vmem>>)
          %dma_wait3A_230 = arith.constant 0 : i32
          %dma_wait3A_231 = arith.constant 0 : i32
          %dma_wait3A_232 = tpu.memref_slice %arg4[%dma_wait3A_230, %dma_wait3A_231] : memref<320000x128xf32, #tpu.memory_space<hbm>> -> memref<320000x128xf32, #tpu.memory_space<hbm>>
          tpu.wait_indirect_dma semaphore(%arg39 : memref<!tpu.dma_semaphore, #tpu.memory_space<semaphore_mem>>) src(%dma_wait3A_232 : memref<320000x128xf32, #tpu.memory_space<hbm>>) dst(%arg30 : memref<64x128xf32, #tpu.memory_space<vmem>>)
          %gt3A_233 = arith.constant 0 : i32
          %gt3A_234 = arith.cmpi sgt, %while3A_136, %gt3A_233 : i32
          %sub3A_235 = arith.constant 2 : i32
          %sub3A_236 = arith.subi %add3A_182, %sub3A_235 : i32
          %mul3A_237 = arith.constant 64 : i32
          %mul3A_238 = arith.muli %sub3A_236, %mul3A_237 : i32
          %broadcast_in_dim3A_239 = vector.broadcast %mul3A_238 : i32 to vector<16xi32>
          %lt3A_240 = arith.cmpi slt, %broadcast_in_dim3A_239, %scan3A_28 : vector<16xi32>
          %reduce_or3A_241 = arith.constant 1.000000e+00 : f32
          %reduce_or3A_242 = arith.constant 0.000000e+00 : f32
          %reduce_or3A_243 = vector.broadcast %reduce_or3A_241 : f32 to vector<16xf32>
          %reduce_or3A_244 = vector.broadcast %reduce_or3A_242 : f32 to vector<16xf32>
          %reduce_or3A_245 = arith.select %lt3A_240, %reduce_or3A_243, %reduce_or3A_244 : vector<16xi1>, vector<16xf32>
          %reduce_or3A_246 = arith.constant true
          %reduce_or3A_247 = vector.broadcast %reduce_or3A_246 : i1 to vector<16xi1>
          %reduce_or3A_248 = tpu.scan <max>, %reduce_or3A_245 masked %reduce_or3A_247 : vector<16xf32>, vector<16xi1> -> vector<16xf32>
          %reduce_or3A_249 = vector.extract %reduce_or3A_248[15] : f32 from vector<16xf32>
          %reduce_or3A_250 = arith.constant 0.000000e+00 : f32
          %reduce_or3A_251 = arith.cmpf ogt, %reduce_or3A_249, %reduce_or3A_250 : f32
          %and3A_252 = arith.andi %gt3A_234, %reduce_or3A_251 : i1
          %convert_element_type3A_253 = arith.extui %and3A_252 : i1 to i32
          %cond3A_254 = arith.constant 0 : i32
          %cond3A_255 = arith.cmpi ne, %convert_element_type3A_253, %cond3A_254 : i32
          scf.if %cond3A_255 {
            %dma_wait3A_278 = arith.constant 0 : i32
            %dma_wait3A_279 = arith.constant 0 : i32
            %dma_wait3A_280 = tpu.memref_slice %arg32[%dma_wait3A_278, %dma_wait3A_279] : memref<5120x128xf32, #tpu.memory_space<vmem_shared>> -> memref<5120x128xf32, #tpu.memory_space<vmem_shared>>
            tpu.wait_indirect_dma semaphore(%arg40 : memref<!tpu.dma_semaphore, #tpu.memory_space<semaphore_mem>>) src(%arg31 : memref<64x128xf32, #tpu.memory_space<vmem>>) dst(%dma_wait3A_280 : memref<5120x128xf32, #tpu.memory_space<vmem_shared>>)
          } else {
          }
          %scan3A_256 = arith.constant 0 : i32
          %scan3A_257 = arith.constant 0 : i32
          %scan3A_258 = arith.constant 16 : i32
          %scan3A_259 = arith.addi %scan3A_257, %scan3A_258 : i32
          %scan3A_260 = arith.constant 1 : i32
          scf.for %scan3A_278 = %scan3A_257 to %scan3A_259 step %scan3A_260  : i32 {
            %mul3A_279 = arith.constant 4 : i32
            %mul3A_280 = arith.muli %scan3A_278, %mul3A_279 : i32
            %add3A_281 = arith.constant 0 : i32
            %add3A_282 = arith.addi %mul3A_280, %add3A_281 : i32
            %get3A_283 = arith.index_cast %add3A_282 : i32 to index
            %get3A_284 = arith.constant 0 : index
            %get3A_285 = tpu.vector_load %arg28[%get3A_283, %get3A_284] {strides = array<i32>} : memref<64x128xf32, #tpu.memory_space<vmem>>, vector<16xf32>,
            %get3A_286 = arith.index_cast %add3A_282 : i32 to index
            %get3A_287 = arith.constant 0 : index
            %get3A_288 = tpu.vector_load %arg29[%get3A_286, %get3A_287] {strides = array<i32>} : memref<64x128xf32, #tpu.memory_space<vmem>>, vector<16xf32>,
            %add3A_289 = arith.addf %get3A_285, %get3A_288 : vector<16xf32>
            %get3A_290 = arith.index_cast %add3A_282 : i32 to index
            %get3A_291 = arith.constant 0 : index
            %get3A_292 = tpu.vector_load %arg30[%get3A_290, %get3A_291] {strides = array<i32>} : memref<64x128xf32, #tpu.memory_space<vmem>>, vector<16xf32>,
            %add3A_293 = arith.addf %add3A_289, %get3A_292 : vector<16xf32>
            %max3A = arith.constant 0.000000e+00 : f32
            %max3A_294 = vector.broadcast %max3A : f32 to vector<16xf32>
            %max3A_295 = arith.maximumf %add3A_293, %max3A_294 : vector<16xf32>
            %swap3A_296 = arith.index_cast %add3A_282 : i32 to index
            %swap3A_297 = arith.constant 0 : index
            %swap3A_298 = tpu.vector_load %arg31[%swap3A_296, %swap3A_297] {strides = array<i32>} : memref<64x128xf32, #tpu.memory_space<vmem>>, vector<16xf32>,
            tpu.vector_store %arg31[%swap3A_296, %swap3A_297], %max3A_295 {strides = array<i32>} : memref<64x128xf32, #tpu.memory_space<vmem>>, vector<16xf32>,
            %get3A_299 = arith.index_cast %add3A_282 : i32 to index
            %get3A_300 = arith.constant 16 : index
            %get3A_301 = tpu.vector_load %arg28[%get3A_299, %get3A_300] {strides = array<i32>} : memref<64x128xf32, #tpu.memory_space<vmem>>, vector<16xf32>,
            %get3A_302 = arith.index_cast %add3A_282 : i32 to index
            %get3A_303 = arith.constant 16 : index
            %get3A_304 = tpu.vector_load %arg29[%get3A_302, %get3A_303] {strides = array<i32>} : memref<64x128xf32, #tpu.memory_space<vmem>>, vector<16xf32>,
            %add3A_305 = arith.addf %get3A_301, %get3A_304 : vector<16xf32>
            %get3A_306 = arith.index_cast %add3A_282 : i32 to index
            %get3A_307 = arith.constant 16 : index
            %get3A_308 = tpu.vector_load %arg30[%get3A_306, %get3A_307] {strides = array<i32>} : memref<64x128xf32, #tpu.memory_space<vmem>>, vector<16xf32>,
            %add3A_309 = arith.addf %add3A_305, %get3A_308 : vector<16xf32>
            %max3A_310 = arith.constant 0.000000e+00 : f32
            %max3A_311 = vector.broadcast %max3A_310 : f32 to vector<16xf32>
            %max3A_312 = arith.maximumf %add3A_309, %max3A_311 : vector<16xf32>
            %swap3A_313 = arith.index_cast %add3A_282 : i32 to index
            %swap3A_314 = arith.constant 16 : index
            %swap3A_315 = tpu.vector_load %arg31[%swap3A_313, %swap3A_314] {strides = array<i32>} : memref<64x128xf32, #tpu.memory_space<vmem>>, vector<16xf32>,
            tpu.vector_store %arg31[%swap3A_313, %swap3A_314], %max3A_312 {strides = array<i32>} : memref<64x128xf32, #tpu.memory_space<vmem>>, vector<16xf32>,
            %get3A_316 = arith.index_cast %add3A_282 : i32 to index
            %get3A_317 = arith.constant 32 : index
            %get3A_318 = tpu.vector_load %arg28[%get3A_316, %get3A_317] {strides = array<i32>} : memref<64x128xf32, #tpu.memory_space<vmem>>, vector<16xf32>,
            %get3A_319 = arith.index_cast %add3A_282 : i32 to index
            %get3A_320 = arith.constant 32 : index
            %get3A_321 = tpu.vector_load %arg29[%get3A_319, %get3A_320] {strides = array<i32>} : memref<64x128xf32, #tpu.memory_space<vmem>>, vector<16xf32>,
            %add3A_322 = arith.addf %get3A_318, %get3A_321 : vector<16xf32>
            %get3A_323 = arith.index_cast %add3A_282 : i32 to index
            %get3A_324 = arith.constant 32 : index
            %get3A_325 = tpu.vector_load %arg30[%get3A_323, %get3A_324] {strides = array<i32>} : memref<64x128xf32, #tpu.memory_space<vmem>>, vector<16xf32>,
            %add3A_326 = arith.addf %add3A_322, %get3A_325 : vector<16xf32>
            %max3A_327 = arith.constant 0.000000e+00 : f32
            %max3A_328 = vector.broadcast %max3A_327 : f32 to vector<16xf32>
            %max3A_329 = arith.maximumf %add3A_326, %max3A_328 : vector<16xf32>
            %swap3A_330 = arith.index_cast %add3A_282 : i32 to index
            %swap3A_331 = arith.constant 32 : index
            %swap3A_332 = tpu.vector_load %arg31[%swap3A_330, %swap3A_331] {strides = array<i32>} : memref<64x128xf32, #tpu.memory_space<vmem>>, vector<16xf32>,
            tpu.vector_store %arg31[%swap3A_330, %swap3A_331], %max3A_329 {strides = array<i32>} : memref<64x128xf32, #tpu.memory_space<vmem>>, vector<16xf32>,
            %get3A_333 = arith.index_cast %add3A_282 : i32 to index
            %get3A_334 = arith.constant 48 : index
            %get3A_335 = tpu.vector_load %arg28[%get3A_333, %get3A_334] {strides = array<i32>} : memref<64x128xf32, #tpu.memory_space<vmem>>, vector<16xf32>,
            %get3A_336 = arith.index_cast %add3A_282 : i32 to index
            %get3A_337 = arith.constant 48 : index
            %get3A_338 = tpu.vector_load %arg29[%get3A_336, %get3A_337] {strides = array<i32>} : memref<64x128xf32, #tpu.memory_space<vmem>>, vector<16xf32>,
            %add3A_339 = arith.addf %get3A_335, %get3A_338 : vector<16xf32>
            %get3A_340 = arith.index_cast %add3A_282 : i32 to index
            %get3A_341 = arith.constant 48 : index
            %get3A_342 = tpu.vector_load %arg30[%get3A_340, %get3A_341] {strides = array<i32>} : memref<64x128xf32, #tpu.memory_space<vmem>>, vector<16xf32>,
            %add3A_343 = arith.addf %add3A_339, %get3A_342 : vector<16xf32>
            %max3A_344 = arith.constant 0.000000e+00 : f32
            %max3A_345 = vector.broadcast %max3A_344 : f32 to vector<16xf32>
            %max3A_346 = arith.maximumf %add3A_343, %max3A_345 : vector<16xf32>
            %swap3A_347 = arith.index_cast %add3A_282 : i32 to index
            %swap3A_348 = arith.constant 48 : index
            %swap3A_349 = tpu.vector_load %arg31[%swap3A_347, %swap3A_348] {strides = array<i32>} : memref<64x128xf32, #tpu.memory_space<vmem>>, vector<16xf32>,
            tpu.vector_store %arg31[%swap3A_347, %swap3A_348], %max3A_346 {strides = array<i32>} : memref<64x128xf32, #tpu.memory_space<vmem>>, vector<16xf32>,
            %get3A_350 = arith.index_cast %add3A_282 : i32 to index
            %get3A_351 = arith.constant 64 : index
            %get3A_352 = tpu.vector_load %arg28[%get3A_350, %get3A_351] {strides = array<i32>} : memref<64x128xf32, #tpu.memory_space<vmem>>, vector<16xf32>,
            %get3A_353 = arith.index_cast %add3A_282 : i32 to index
            %get3A_354 = arith.constant 64 : index
            %get3A_355 = tpu.vector_load %arg29[%get3A_353, %get3A_354] {strides = array<i32>} : memref<64x128xf32, #tpu.memory_space<vmem>>, vector<16xf32>,
            %add3A_356 = arith.addf %get3A_352, %get3A_355 : vector<16xf32>
            %get3A_357 = arith.index_cast %add3A_282 : i32 to index
            %get3A_358 = arith.constant 64 : index
            %get3A_359 = tpu.vector_load %arg30[%get3A_357, %get3A_358] {strides = array<i32>} : memref<64x128xf32, #tpu.memory_space<vmem>>, vector<16xf32>,
            %add3A_360 = arith.addf %add3A_356, %get3A_359 : vector<16xf32>
            %max3A_361 = arith.constant 0.000000e+00 : f32
            %max3A_362 = vector.broadcast %max3A_361 : f32 to vector<16xf32>
            %max3A_363 = arith.maximumf %add3A_360, %max3A_362 : vector<16xf32>
            %swap3A_364 = arith.index_cast %add3A_282 : i32 to index
            %swap3A_365 = arith.constant 64 : index
            %swap3A_366 = tpu.vector_load %arg31[%swap3A_364, %swap3A_365] {strides = array<i32>} : memref<64x128xf32, #tpu.memory_space<vmem>>, vector<16xf32>,
            tpu.vector_store %arg31[%swap3A_364, %swap3A_365], %max3A_363 {strides = array<i32>} : memref<64x128xf32, #tpu.memory_space<vmem>>, vector<16xf32>,
            %get3A_367 = arith.index_cast %add3A_282 : i32 to index
            %get3A_368 = arith.constant 80 : index
            %get3A_369 = tpu.vector_load %arg28[%get3A_367, %get3A_368] {strides = array<i32>} : memref<64x128xf32, #tpu.memory_space<vmem>>, vector<16xf32>,
            %get3A_370 = arith.index_cast %add3A_282 : i32 to index
            %get3A_371 = arith.constant 80 : index
            %get3A_372 = tpu.vector_load %arg29[%get3A_370, %get3A_371] {strides = array<i32>} : memref<64x128xf32, #tpu.memory_space<vmem>>, vector<16xf32>,
            %add3A_373 = arith.addf %get3A_369, %get3A_372 : vector<16xf32>
            %get3A_374 = arith.index_cast %add3A_282 : i32 to index
            %get3A_375 = arith.constant 80 : index
            %get3A_376 = tpu.vector_load %arg30[%get3A_374, %get3A_375] {strides = array<i32>} : memref<64x128xf32, #tpu.memory_space<vmem>>, vector<16xf32>,
            %add3A_377 = arith.addf %add3A_373, %get3A_376 : vector<16xf32>
            %max3A_378 = arith.constant 0.000000e+00 : f32
            %max3A_379 = vector.broadcast %max3A_378 : f32 to vector<16xf32>
            %max3A_380 = arith.maximumf %add3A_377, %max3A_379 : vector<16xf32>
            %swap3A_381 = arith.index_cast %add3A_282 : i32 to index
            %swap3A_382 = arith.constant 80 : index
            %swap3A_383 = tpu.vector_load %arg31[%swap3A_381, %swap3A_382] {strides = array<i32>} : memref<64x128xf32, #tpu.memory_space<vmem>>, vector<16xf32>,
            tpu.vector_store %arg31[%swap3A_381, %swap3A_382], %max3A_380 {strides = array<i32>} : memref<64x128xf32, #tpu.memory_space<vmem>>, vector<16xf32>,
            %get3A_384 = arith.index_cast %add3A_282 : i32 to index
            %get3A_385 = arith.constant 96 : index
            %get3A_386 = tpu.vector_load %arg28[%get3A_384, %get3A_385] {strides = array<i32>} : memref<64x128xf32, #tpu.memory_space<vmem>>, vector<16xf32>,
            %get3A_387 = arith.index_cast %add3A_282 : i32 to index
            %get3A_388 = arith.constant 96 : index
            %get3A_389 = tpu.vector_load %arg29[%get3A_387, %get3A_388] {strides = array<i32>} : memref<64x128xf32, #tpu.memory_space<vmem>>, vector<16xf32>,
            %add3A_390 = arith.addf %get3A_386, %get3A_389 : vector<16xf32>
            %get3A_391 = arith.index_cast %add3A_282 : i32 to index
            %get3A_392 = arith.constant 96 : index
            %get3A_393 = tpu.vector_load %arg30[%get3A_391, %get3A_392] {strides = array<i32>} : memref<64x128xf32, #tpu.memory_space<vmem>>, vector<16xf32>,
            %add3A_394 = arith.addf %add3A_390, %get3A_393 : vector<16xf32>
            %max3A_395 = arith.constant 0.000000e+00 : f32
            %max3A_396 = vector.broadcast %max3A_395 : f32 to vector<16xf32>
            %max3A_397 = arith.maximumf %add3A_394, %max3A_396 : vector<16xf32>
            %swap3A_398 = arith.index_cast %add3A_282 : i32 to index
            %swap3A_399 = arith.constant 96 : index
            %swap3A_400 = tpu.vector_load %arg31[%swap3A_398, %swap3A_399] {strides = array<i32>} : memref<64x128xf32, #tpu.memory_space<vmem>>, vector<16xf32>,
            tpu.vector_store %arg31[%swap3A_398, %swap3A_399], %max3A_397 {strides = array<i32>} : memref<64x128xf32, #tpu.memory_space<vmem>>, vector<16xf32>,
            %get3A_401 = arith.index_cast %add3A_282 : i32 to index
            %get3A_402 = arith.constant 112 : index
            %get3A_403 = tpu.vector_load %arg28[%get3A_401, %get3A_402] {strides = array<i32>} : memref<64x128xf32, #tpu.memory_space<vmem>>, vector<16xf32>,
            %get3A_404 = arith.index_cast %add3A_282 : i32 to index
            %get3A_405 = arith.constant 112 : index
            %get3A_406 = tpu.vector_load %arg29[%get3A_404, %get3A_405] {strides = array<i32>} : memref<64x128xf32, #tpu.memory_space<vmem>>, vector<16xf32>,
            %add3A_407 = arith.addf %get3A_403, %get3A_406 : vector<16xf32>
            %get3A_408 = arith.index_cast %add3A_282 : i32 to index
            %get3A_409 = arith.constant 112 : index
            %get3A_410 = tpu.vector_load %arg30[%get3A_408, %get3A_409] {strides = array<i32>} : memref<64x128xf32, #tpu.memory_space<vmem>>, vector<16xf32>,
            %add3A_411 = arith.addf %add3A_407, %get3A_410 : vector<16xf32>
            %max3A_412 = arith.constant 0.000000e+00 : f32
            %max3A_413 = vector.broadcast %max3A_412 : f32 to vector<16xf32>
            %max3A_414 = arith.maximumf %add3A_411, %max3A_413 : vector<16xf32>
            %swap3A_415 = arith.index_cast %add3A_282 : i32 to index
            %swap3A_416 = arith.constant 112 : index
            %swap3A_417 = tpu.vector_load %arg31[%swap3A_415, %swap3A_416] {strides = array<i32>} : memref<64x128xf32, #tpu.memory_space<vmem>>, vector<16xf32>,
            tpu.vector_store %arg31[%swap3A_415, %swap3A_416], %max3A_414 {strides = array<i32>} : memref<64x128xf32, #tpu.memory_space<vmem>>, vector<16xf32>,
            %mul3A_418 = arith.constant 4 : i32
            %mul3A_419 = arith.muli %scan3A_278, %mul3A_418 : i32
            %add3A_420 = arith.constant 1 : i32
            %add3A_421 = arith.addi %mul3A_419, %add3A_420 : i32
            %get3A_422 = arith.index_cast %add3A_421 : i32 to index
            %get3A_423 = arith.constant 0 : index
            %get3A_424 = tpu.vector_load %arg28[%get3A_422, %get3A_423] {strides = array<i32>} : memref<64x128xf32, #tpu.memory_space<vmem>>, vector<16xf32>,
            %get3A_425 = arith.index_cast %add3A_421 : i32 to index
            %get3A_426 = arith.constant 0 : index
            %get3A_427 = tpu.vector_load %arg29[%get3A_425, %get3A_426] {strides = array<i32>} : memref<64x128xf32, #tpu.memory_space<vmem>>, vector<16xf32>,
            %add3A_428 = arith.addf %get3A_424, %get3A_427 : vector<16xf32>
            %get3A_429 = arith.index_cast %add3A_421 : i32 to index
            %get3A_430 = arith.constant 0 : index
            %get3A_431 = tpu.vector_load %arg30[%get3A_429, %get3A_430] {strides = array<i32>} : memref<64x128xf32, #tpu.memory_space<vmem>>, vector<16xf32>,
            %add3A_432 = arith.addf %add3A_428, %get3A_431 : vector<16xf32>
            %max3A_433 = arith.constant 0.000000e+00 : f32
            %max3A_434 = vector.broadcast %max3A_433 : f32 to vector<16xf32>
            %max3A_435 = arith.maximumf %add3A_432, %max3A_434 : vector<16xf32>
            %swap3A_436 = arith.index_cast %add3A_421 : i32 to index
            %swap3A_437 = arith.constant 0 : index
            %swap3A_438 = tpu.vector_load %arg31[%swap3A_436, %swap3A_437] {strides = array<i32>} : memref<64x128xf32, #tpu.memory_space<vmem>>, vector<16xf32>,
            tpu.vector_store %arg31[%swap3A_436, %swap3A_437], %max3A_435 {strides = array<i32>} : memref<64x128xf32, #tpu.memory_space<vmem>>, vector<16xf32>,
            %get3A_439 = arith.index_cast %add3A_421 : i32 to index
            %get3A_440 = arith.constant 16 : index
            %get3A_441 = tpu.vector_load %arg28[%get3A_439, %get3A_440] {strides = array<i32>} : memref<64x128xf32, #tpu.memory_space<vmem>>, vector<16xf32>,
            %get3A_442 = arith.index_cast %add3A_421 : i32 to index
            %get3A_443 = arith.constant 16 : index
            %get3A_444 = tpu.vector_load %arg29[%get3A_442, %get3A_443] {strides = array<i32>} : memref<64x128xf32, #tpu.memory_space<vmem>>, vector<16xf32>,
            %add3A_445 = arith.addf %get3A_441, %get3A_444 : vector<16xf32>
            %get3A_446 = arith.index_cast %add3A_421 : i32 to index
            %get3A_447 = arith.constant 16 : index
            %get3A_448 = tpu.vector_load %arg30[%get3A_446, %get3A_447] {strides = array<i32>} : memref<64x128xf32, #tpu.memory_space<vmem>>, vector<16xf32>,
            %add3A_449 = arith.addf %add3A_445, %get3A_448 : vector<16xf32>
            %max3A_450 = arith.constant 0.000000e+00 : f32
            %max3A_451 = vector.broadcast %max3A_450 : f32 to vector<16xf32>
            %max3A_452 = arith.maximumf %add3A_449, %max3A_451 : vector<16xf32>
            %swap3A_453 = arith.index_cast %add3A_421 : i32 to index
            %swap3A_454 = arith.constant 16 : index
            %swap3A_455 = tpu.vector_load %arg31[%swap3A_453, %swap3A_454] {strides = array<i32>} : memref<64x128xf32, #tpu.memory_space<vmem>>, vector<16xf32>,
            tpu.vector_store %arg31[%swap3A_453, %swap3A_454], %max3A_452 {strides = array<i32>} : memref<64x128xf32, #tpu.memory_space<vmem>>, vector<16xf32>,
            %get3A_456 = arith.index_cast %add3A_421 : i32 to index
            %get3A_457 = arith.constant 32 : index
            %get3A_458 = tpu.vector_load %arg28[%get3A_456, %get3A_457] {strides = array<i32>} : memref<64x128xf32, #tpu.memory_space<vmem>>, vector<16xf32>,
            %get3A_459 = arith.index_cast %add3A_421 : i32 to index
            %get3A_460 = arith.constant 32 : index
            %get3A_461 = tpu.vector_load %arg29[%get3A_459, %get3A_460] {strides = array<i32>} : memref<64x128xf32, #tpu.memory_space<vmem>>, vector<16xf32>,
            %add3A_462 = arith.addf %get3A_458, %get3A_461 : vector<16xf32>
            %get3A_463 = arith.index_cast %add3A_421 : i32 to index
            %get3A_464 = arith.constant 32 : index
            %get3A_465 = tpu.vector_load %arg30[%get3A_463, %get3A_464] {strides = array<i32>} : memref<64x128xf32, #tpu.memory_space<vmem>>, vector<16xf32>,
            %add3A_466 = arith.addf %add3A_462, %get3A_465 : vector<16xf32>
            %max3A_467 = arith.constant 0.000000e+00 : f32
            %max3A_468 = vector.broadcast %max3A_467 : f32 to vector<16xf32>
            %max3A_469 = arith.maximumf %add3A_466, %max3A_468 : vector<16xf32>
            %swap3A_470 = arith.index_cast %add3A_421 : i32 to index
            %swap3A_471 = arith.constant 32 : index
            %swap3A_472 = tpu.vector_load %arg31[%swap3A_470, %swap3A_471] {strides = array<i32>} : memref<64x128xf32, #tpu.memory_space<vmem>>, vector<16xf32>,
            tpu.vector_store %arg31[%swap3A_470, %swap3A_471], %max3A_469 {strides = array<i32>} : memref<64x128xf32, #tpu.memory_space<vmem>>, vector<16xf32>,
            %get3A_473 = arith.index_cast %add3A_421 : i32 to index
            %get3A_474 = arith.constant 48 : index
            %get3A_475 = tpu.vector_load %arg28[%get3A_473, %get3A_474] {strides = array<i32>} : memref<64x128xf32, #tpu.memory_space<vmem>>, vector<16xf32>,
            %get3A_476 = arith.index_cast %add3A_421 : i32 to index
            %get3A_477 = arith.constant 48 : index
            %get3A_478 = tpu.vector_load %arg29[%get3A_476, %get3A_477] {strides = array<i32>} : memref<64x128xf32, #tpu.memory_space<vmem>>, vector<16xf32>,
            %add3A_479 = arith.addf %get3A_475, %get3A_478 : vector<16xf32>
            %get3A_480 = arith.index_cast %add3A_421 : i32 to index
            %get3A_481 = arith.constant 48 : index
            %get3A_482 = tpu.vector_load %arg30[%get3A_480, %get3A_481] {strides = array<i32>} : memref<64x128xf32, #tpu.memory_space<vmem>>, vector<16xf32>,
            %add3A_483 = arith.addf %add3A_479, %get3A_482 : vector<16xf32>
            %max3A_484 = arith.constant 0.000000e+00 : f32
            %max3A_485 = vector.broadcast %max3A_484 : f32 to vector<16xf32>
            %max3A_486 = arith.maximumf %add3A_483, %max3A_485 : vector<16xf32>
            %swap3A_487 = arith.index_cast %add3A_421 : i32 to index
            %swap3A_488 = arith.constant 48 : index
            %swap3A_489 = tpu.vector_load %arg31[%swap3A_487, %swap3A_488] {strides = array<i32>} : memref<64x128xf32, #tpu.memory_space<vmem>>, vector<16xf32>,
            tpu.vector_store %arg31[%swap3A_487, %swap3A_488], %max3A_486 {strides = array<i32>} : memref<64x128xf32, #tpu.memory_space<vmem>>, vector<16xf32>,
            %get3A_490 = arith.index_cast %add3A_421 : i32 to index
            %get3A_491 = arith.constant 64 : index
            %get3A_492 = tpu.vector_load %arg28[%get3A_490, %get3A_491] {strides = array<i32>} : memref<64x128xf32, #tpu.memory_space<vmem>>, vector<16xf32>,
            %get3A_493 = arith.index_cast %add3A_421 : i32 to index
            %get3A_494 = arith.constant 64 : index
            %get3A_495 = tpu.vector_load %arg29[%get3A_493, %get3A_494] {strides = array<i32>} : memref<64x128xf32, #tpu.memory_space<vmem>>, vector<16xf32>,
            %add3A_496 = arith.addf %get3A_492, %get3A_495 : vector<16xf32>
            %get3A_497 = arith.index_cast %add3A_421 : i32 to index
            %get3A_498 = arith.constant 64 : index
            %get3A_499 = tpu.vector_load %arg30[%get3A_497, %get3A_498] {strides = array<i32>} : memref<64x128xf32, #tpu.memory_space<vmem>>, vector<16xf32>,
            %add3A_500 = arith.addf %add3A_496, %get3A_499 : vector<16xf32>
            %max3A_501 = arith.constant 0.000000e+00 : f32
            %max3A_502 = vector.broadcast %max3A_501 : f32 to vector<16xf32>
            %max3A_503 = arith.maximumf %add3A_500, %max3A_502 : vector<16xf32>
            %swap3A_504 = arith.index_cast %add3A_421 : i32 to index
            %swap3A_505 = arith.constant 64 : index
            %swap3A_506 = tpu.vector_load %arg31[%swap3A_504, %swap3A_505] {strides = array<i32>} : memref<64x128xf32, #tpu.memory_space<vmem>>, vector<16xf32>,
            tpu.vector_store %arg31[%swap3A_504, %swap3A_505], %max3A_503 {strides = array<i32>} : memref<64x128xf32, #tpu.memory_space<vmem>>, vector<16xf32>,
            %get3A_507 = arith.index_cast %add3A_421 : i32 to index
            %get3A_508 = arith.constant 80 : index
            %get3A_509 = tpu.vector_load %arg28[%get3A_507, %get3A_508] {strides = array<i32>} : memref<64x128xf32, #tpu.memory_space<vmem>>, vector<16xf32>,
            %get3A_510 = arith.index_cast %add3A_421 : i32 to index
            %get3A_511 = arith.constant 80 : index
            %get3A_512 = tpu.vector_load %arg29[%get3A_510, %get3A_511] {strides = array<i32>} : memref<64x128xf32, #tpu.memory_space<vmem>>, vector<16xf32>,
            %add3A_513 = arith.addf %get3A_509, %get3A_512 : vector<16xf32>
            %get3A_514 = arith.index_cast %add3A_421 : i32 to index
            %get3A_515 = arith.constant 80 : index
            %get3A_516 = tpu.vector_load %arg30[%get3A_514, %get3A_515] {strides = array<i32>} : memref<64x128xf32, #tpu.memory_space<vmem>>, vector<16xf32>,
            %add3A_517 = arith.addf %add3A_513, %get3A_516 : vector<16xf32>
            %max3A_518 = arith.constant 0.000000e+00 : f32
            %max3A_519 = vector.broadcast %max3A_518 : f32 to vector<16xf32>
            %max3A_520 = arith.maximumf %add3A_517, %max3A_519 : vector<16xf32>
            %swap3A_521 = arith.index_cast %add3A_421 : i32 to index
            %swap3A_522 = arith.constant 80 : index
            %swap3A_523 = tpu.vector_load %arg31[%swap3A_521, %swap3A_522] {strides = array<i32>} : memref<64x128xf32, #tpu.memory_space<vmem>>, vector<16xf32>,
            tpu.vector_store %arg31[%swap3A_521, %swap3A_522], %max3A_520 {strides = array<i32>} : memref<64x128xf32, #tpu.memory_space<vmem>>, vector<16xf32>,
            %get3A_524 = arith.index_cast %add3A_421 : i32 to index
            %get3A_525 = arith.constant 96 : index
            %get3A_526 = tpu.vector_load %arg28[%get3A_524, %get3A_525] {strides = array<i32>} : memref<64x128xf32, #tpu.memory_space<vmem>>, vector<16xf32>,
            %get3A_527 = arith.index_cast %add3A_421 : i32 to index
            %get3A_528 = arith.constant 96 : index
            %get3A_529 = tpu.vector_load %arg29[%get3A_527, %get3A_528] {strides = array<i32>} : memref<64x128xf32, #tpu.memory_space<vmem>>, vector<16xf32>,
            %add3A_530 = arith.addf %get3A_526, %get3A_529 : vector<16xf32>
            %get3A_531 = arith.index_cast %add3A_421 : i32 to index
            %get3A_532 = arith.constant 96 : index
            %get3A_533 = tpu.vector_load %arg30[%get3A_531, %get3A_532] {strides = array<i32>} : memref<64x128xf32, #tpu.memory_space<vmem>>, vector<16xf32>,
            %add3A_534 = arith.addf %add3A_530, %get3A_533 : vector<16xf32>
            %max3A_535 = arith.constant 0.000000e+00 : f32
            %max3A_536 = vector.broadcast %max3A_535 : f32 to vector<16xf32>
            %max3A_537 = arith.maximumf %add3A_534, %max3A_536 : vector<16xf32>
            %swap3A_538 = arith.index_cast %add3A_421 : i32 to index
            %swap3A_539 = arith.constant 96 : index
            %swap3A_540 = tpu.vector_load %arg31[%swap3A_538, %swap3A_539] {strides = array<i32>} : memref<64x128xf32, #tpu.memory_space<vmem>>, vector<16xf32>,
            tpu.vector_store %arg31[%swap3A_538, %swap3A_539], %max3A_537 {strides = array<i32>} : memref<64x128xf32, #tpu.memory_space<vmem>>, vector<16xf32>,
            %get3A_541 = arith.index_cast %add3A_421 : i32 to index
            %get3A_542 = arith.constant 112 : index
            %get3A_543 = tpu.vector_load %arg28[%get3A_541, %get3A_542] {strides = array<i32>} : memref<64x128xf32, #tpu.memory_space<vmem>>, vector<16xf32>,
            %get3A_544 = arith.index_cast %add3A_421 : i32 to index
            %get3A_545 = arith.constant 112 : index
            %get3A_546 = tpu.vector_load %arg29[%get3A_544, %get3A_545] {strides = array<i32>} : memref<64x128xf32, #tpu.memory_space<vmem>>, vector<16xf32>,
            %add3A_547 = arith.addf %get3A_543, %get3A_546 : vector<16xf32>
            %get3A_548 = arith.index_cast %add3A_421 : i32 to index
            %get3A_549 = arith.constant 112 : index
            %get3A_550 = tpu.vector_load %arg30[%get3A_548, %get3A_549] {strides = array<i32>} : memref<64x128xf32, #tpu.memory_space<vmem>>, vector<16xf32>,
            %add3A_551 = arith.addf %add3A_547, %get3A_550 : vector<16xf32>
            %max3A_552 = arith.constant 0.000000e+00 : f32
            %max3A_553 = vector.broadcast %max3A_552 : f32 to vector<16xf32>
            %max3A_554 = arith.maximumf %add3A_551, %max3A_553 : vector<16xf32>
            %swap3A_555 = arith.index_cast %add3A_421 : i32 to index
            %swap3A_556 = arith.constant 112 : index
            %swap3A_557 = tpu.vector_load %arg31[%swap3A_555, %swap3A_556] {strides = array<i32>} : memref<64x128xf32, #tpu.memory_space<vmem>>, vector<16xf32>,
            tpu.vector_store %arg31[%swap3A_555, %swap3A_556], %max3A_554 {strides = array<i32>} : memref<64x128xf32, #tpu.memory_space<vmem>>, vector<16xf32>,
            %mul3A_558 = arith.constant 4 : i32
            %mul3A_559 = arith.muli %scan3A_278, %mul3A_558 : i32
            %add3A_560 = arith.constant 2 : i32
            %add3A_561 = arith.addi %mul3A_559, %add3A_560 : i32
            %get3A_562 = arith.index_cast %add3A_561 : i32 to index
            %get3A_563 = arith.constant 0 : index
            %get3A_564 = tpu.vector_load %arg28[%get3A_562, %get3A_563] {strides = array<i32>} : memref<64x128xf32, #tpu.memory_space<vmem>>, vector<16xf32>,
            %get3A_565 = arith.index_cast %add3A_561 : i32 to index
            %get3A_566 = arith.constant 0 : index
            %get3A_567 = tpu.vector_load %arg29[%get3A_565, %get3A_566] {strides = array<i32>} : memref<64x128xf32, #tpu.memory_space<vmem>>, vector<16xf32>,
            %add3A_568 = arith.addf %get3A_564, %get3A_567 : vector<16xf32>
            %get3A_569 = arith.index_cast %add3A_561 : i32 to index
            %get3A_570 = arith.constant 0 : index
            %get3A_571 = tpu.vector_load %arg30[%get3A_569, %get3A_570] {strides = array<i32>} : memref<64x128xf32, #tpu.memory_space<vmem>>, vector<16xf32>,
            %add3A_572 = arith.addf %add3A_568, %get3A_571 : vector<16xf32>
            %max3A_573 = arith.constant 0.000000e+00 : f32
            %max3A_574 = vector.broadcast %max3A_573 : f32 to vector<16xf32>
            %max3A_575 = arith.maximumf %add3A_572, %max3A_574 : vector<16xf32>
            %swap3A_576 = arith.index_cast %add3A_561 : i32 to index
            %swap3A_577 = arith.constant 0 : index
            %swap3A_578 = tpu.vector_load %arg31[%swap3A_576, %swap3A_577] {strides = array<i32>} : memref<64x128xf32, #tpu.memory_space<vmem>>, vector<16xf32>,
            tpu.vector_store %arg31[%swap3A_576, %swap3A_577], %max3A_575 {strides = array<i32>} : memref<64x128xf32, #tpu.memory_space<vmem>>, vector<16xf32>,
            %get3A_579 = arith.index_cast %add3A_561 : i32 to index
            %get3A_580 = arith.constant 16 : index
            %get3A_581 = tpu.vector_load %arg28[%get3A_579, %get3A_580] {strides = array<i32>} : memref<64x128xf32, #tpu.memory_space<vmem>>, vector<16xf32>,
            %get3A_582 = arith.index_cast %add3A_561 : i32 to index
            %get3A_583 = arith.constant 16 : index
            %get3A_584 = tpu.vector_load %arg29[%get3A_582, %get3A_583] {strides = array<i32>} : memref<64x128xf32, #tpu.memory_space<vmem>>, vector<16xf32>,
            %add3A_585 = arith.addf %get3A_581, %get3A_584 : vector<16xf32>
            %get3A_586 = arith.index_cast %add3A_561 : i32 to index
            %get3A_587 = arith.constant 16 : index
            %get3A_588 = tpu.vector_load %arg30[%get3A_586, %get3A_587] {strides = array<i32>} : memref<64x128xf32, #tpu.memory_space<vmem>>, vector<16xf32>,
            %add3A_589 = arith.addf %add3A_585, %get3A_588 : vector<16xf32>
            %max3A_590 = arith.constant 0.000000e+00 : f32
            %max3A_591 = vector.broadcast %max3A_590 : f32 to vector<16xf32>
            %max3A_592 = arith.maximumf %add3A_589, %max3A_591 : vector<16xf32>
            %swap3A_593 = arith.index_cast %add3A_561 : i32 to index
            %swap3A_594 = arith.constant 16 : index
            %swap3A_595 = tpu.vector_load %arg31[%swap3A_593, %swap3A_594] {strides = array<i32>} : memref<64x128xf32, #tpu.memory_space<vmem>>, vector<16xf32>,
            tpu.vector_store %arg31[%swap3A_593, %swap3A_594], %max3A_592 {strides = array<i32>} : memref<64x128xf32, #tpu.memory_space<vmem>>, vector<16xf32>,
            %get3A_596 = arith.index_cast %add3A_561 : i32 to index
            %get3A_597 = arith.constant 32 : index
            %get3A_598 = tpu.vector_load %arg28[%get3A_596, %get3A_597] {strides = array<i32>} : memref<64x128xf32, #tpu.memory_space<vmem>>, vector<16xf32>,
            %get3A_599 = arith.index_cast %add3A_561 : i32 to index
            %get3A_600 = arith.constant 32 : index
            %get3A_601 = tpu.vector_load %arg29[%get3A_599, %get3A_600] {strides = array<i32>} : memref<64x128xf32, #tpu.memory_space<vmem>>, vector<16xf32>,
            %add3A_602 = arith.addf %get3A_598, %get3A_601 : vector<16xf32>
            %get3A_603 = arith.index_cast %add3A_561 : i32 to index
            %get3A_604 = arith.constant 32 : index
            %get3A_605 = tpu.vector_load %arg30[%get3A_603, %get3A_604] {strides = array<i32>} : memref<64x128xf32, #tpu.memory_space<vmem>>, vector<16xf32>,
            %add3A_606 = arith.addf %add3A_602, %get3A_605 : vector<16xf32>
            %max3A_607 = arith.constant 0.000000e+00 : f32
            %max3A_608 = vector.broadcast %max3A_607 : f32 to vector<16xf32>
            %max3A_609 = arith.maximumf %add3A_606, %max3A_608 : vector<16xf32>
            %swap3A_610 = arith.index_cast %add3A_561 : i32 to index
            %swap3A_611 = arith.constant 32 : index
            %swap3A_612 = tpu.vector_load %arg31[%swap3A_610, %swap3A_611] {strides = array<i32>} : memref<64x128xf32, #tpu.memory_space<vmem>>, vector<16xf32>,
            tpu.vector_store %arg31[%swap3A_610, %swap3A_611], %max3A_609 {strides = array<i32>} : memref<64x128xf32, #tpu.memory_space<vmem>>, vector<16xf32>,
            %get3A_613 = arith.index_cast %add3A_561 : i32 to index
            %get3A_614 = arith.constant 48 : index
            %get3A_615 = tpu.vector_load %arg28[%get3A_613, %get3A_614] {strides = array<i32>} : memref<64x128xf32, #tpu.memory_space<vmem>>, vector<16xf32>,
            %get3A_616 = arith.index_cast %add3A_561 : i32 to index
            %get3A_617 = arith.constant 48 : index
            %get3A_618 = tpu.vector_load %arg29[%get3A_616, %get3A_617] {strides = array<i32>} : memref<64x128xf32, #tpu.memory_space<vmem>>, vector<16xf32>,
            %add3A_619 = arith.addf %get3A_615, %get3A_618 : vector<16xf32>
            %get3A_620 = arith.index_cast %add3A_561 : i32 to index
            %get3A_621 = arith.constant 48 : index
            %get3A_622 = tpu.vector_load %arg30[%get3A_620, %get3A_621] {strides = array<i32>} : memref<64x128xf32, #tpu.memory_space<vmem>>, vector<16xf32>,
            %add3A_623 = arith.addf %add3A_619, %get3A_622 : vector<16xf32>
            %max3A_624 = arith.constant 0.000000e+00 : f32
            %max3A_625 = vector.broadcast %max3A_624 : f32 to vector<16xf32>
            %max3A_626 = arith.maximumf %add3A_623, %max3A_625 : vector<16xf32>
            %swap3A_627 = arith.index_cast %add3A_561 : i32 to index
            %swap3A_628 = arith.constant 48 : index
            %swap3A_629 = tpu.vector_load %arg31[%swap3A_627, %swap3A_628] {strides = array<i32>} : memref<64x128xf32, #tpu.memory_space<vmem>>, vector<16xf32>,
            tpu.vector_store %arg31[%swap3A_627, %swap3A_628], %max3A_626 {strides = array<i32>} : memref<64x128xf32, #tpu.memory_space<vmem>>, vector<16xf32>,
            %get3A_630 = arith.index_cast %add3A_561 : i32 to index
            %get3A_631 = arith.constant 64 : index
            %get3A_632 = tpu.vector_load %arg28[%get3A_630, %get3A_631] {strides = array<i32>} : memref<64x128xf32, #tpu.memory_space<vmem>>, vector<16xf32>,
            %get3A_633 = arith.index_cast %add3A_561 : i32 to index
            %get3A_634 = arith.constant 64 : index
            %get3A_635 = tpu.vector_load %arg29[%get3A_633, %get3A_634] {strides = array<i32>} : memref<64x128xf32, #tpu.memory_space<vmem>>, vector<16xf32>,
            %add3A_636 = arith.addf %get3A_632, %get3A_635 : vector<16xf32>
            %get3A_637 = arith.index_cast %add3A_561 : i32 to index
            %get3A_638 = arith.constant 64 : index
            %get3A_639 = tpu.vector_load %arg30[%get3A_637, %get3A_638] {strides = array<i32>} : memref<64x128xf32, #tpu.memory_space<vmem>>, vector<16xf32>,
            %add3A_640 = arith.addf %add3A_636, %get3A_639 : vector<16xf32>
            %max3A_641 = arith.constant 0.000000e+00 : f32
            %max3A_642 = vector.broadcast %max3A_641 : f32 to vector<16xf32>
            %max3A_643 = arith.maximumf %add3A_640, %max3A_642 : vector<16xf32>
            %swap3A_644 = arith.index_cast %add3A_561 : i32 to index
            %swap3A_645 = arith.constant 64 : index
            %swap3A_646 = tpu.vector_load %arg31[%swap3A_644, %swap3A_645] {strides = array<i32>} : memref<64x128xf32, #tpu.memory_space<vmem>>, vector<16xf32>,
            tpu.vector_store %arg31[%swap3A_644, %swap3A_645], %max3A_643 {strides = array<i32>} : memref<64x128xf32, #tpu.memory_space<vmem>>, vector<16xf32>,
            %get3A_647 = arith.index_cast %add3A_561 : i32 to index
            %get3A_648 = arith.constant 80 : index
            %get3A_649 = tpu.vector_load %arg28[%get3A_647, %get3A_648] {strides = array<i32>} : memref<64x128xf32, #tpu.memory_space<vmem>>, vector<16xf32>,
            %get3A_650 = arith.index_cast %add3A_561 : i32 to index
            %get3A_651 = arith.constant 80 : index
            %get3A_652 = tpu.vector_load %arg29[%get3A_650, %get3A_651] {strides = array<i32>} : memref<64x128xf32, #tpu.memory_space<vmem>>, vector<16xf32>,
            %add3A_653 = arith.addf %get3A_649, %get3A_652 : vector<16xf32>
            %get3A_654 = arith.index_cast %add3A_561 : i32 to index
            %get3A_655 = arith.constant 80 : index
            %get3A_656 = tpu.vector_load %arg30[%get3A_654, %get3A_655] {strides = array<i32>} : memref<64x128xf32, #tpu.memory_space<vmem>>, vector<16xf32>,
            %add3A_657 = arith.addf %add3A_653, %get3A_656 : vector<16xf32>
            %max3A_658 = arith.constant 0.000000e+00 : f32
            %max3A_659 = vector.broadcast %max3A_658 : f32 to vector<16xf32>
            %max3A_660 = arith.maximumf %add3A_657, %max3A_659 : vector<16xf32>
            %swap3A_661 = arith.index_cast %add3A_561 : i32 to index
            %swap3A_662 = arith.constant 80 : index
            %swap3A_663 = tpu.vector_load %arg31[%swap3A_661, %swap3A_662] {strides = array<i32>} : memref<64x128xf32, #tpu.memory_space<vmem>>, vector<16xf32>,
            tpu.vector_store %arg31[%swap3A_661, %swap3A_662], %max3A_660 {strides = array<i32>} : memref<64x128xf32, #tpu.memory_space<vmem>>, vector<16xf32>,
            %get3A_664 = arith.index_cast %add3A_561 : i32 to index
            %get3A_665 = arith.constant 96 : index
            %get3A_666 = tpu.vector_load %arg28[%get3A_664, %get3A_665] {strides = array<i32>} : memref<64x128xf32, #tpu.memory_space<vmem>>, vector<16xf32>,
            %get3A_667 = arith.index_cast %add3A_561 : i32 to index
            %get3A_668 = arith.constant 96 : index
            %get3A_669 = tpu.vector_load %arg29[%get3A_667, %get3A_668] {strides = array<i32>} : memref<64x128xf32, #tpu.memory_space<vmem>>, vector<16xf32>,
            %add3A_670 = arith.addf %get3A_666, %get3A_669 : vector<16xf32>
            %get3A_671 = arith.index_cast %add3A_561 : i32 to index
            %get3A_672 = arith.constant 96 : index
            %get3A_673 = tpu.vector_load %arg30[%get3A_671, %get3A_672] {strides = array<i32>} : memref<64x128xf32, #tpu.memory_space<vmem>>, vector<16xf32>,
            %add3A_674 = arith.addf %add3A_670, %get3A_673 : vector<16xf32>
            %max3A_675 = arith.constant 0.000000e+00 : f32
            %max3A_676 = vector.broadcast %max3A_675 : f32 to vector<16xf32>
            %max3A_677 = arith.maximumf %add3A_674, %max3A_676 : vector<16xf32>
            %swap3A_678 = arith.index_cast %add3A_561 : i32 to index
            %swap3A_679 = arith.constant 96 : index
            %swap3A_680 = tpu.vector_load %arg31[%swap3A_678, %swap3A_679] {strides = array<i32>} : memref<64x128xf32, #tpu.memory_space<vmem>>, vector<16xf32>,
            tpu.vector_store %arg31[%swap3A_678, %swap3A_679], %max3A_677 {strides = array<i32>} : memref<64x128xf32, #tpu.memory_space<vmem>>, vector<16xf32>,
            %get3A_681 = arith.index_cast %add3A_561 : i32 to index
            %get3A_682 = arith.constant 112 : index
            %get3A_683 = tpu.vector_load %arg28[%get3A_681, %get3A_682] {strides = array<i32>} : memref<64x128xf32, #tpu.memory_space<vmem>>, vector<16xf32>,
            %get3A_684 = arith.index_cast %add3A_561 : i32 to index
            %get3A_685 = arith.constant 112 : index
            %get3A_686 = tpu.vector_load %arg29[%get3A_684, %get3A_685] {strides = array<i32>} : memref<64x128xf32, #tpu.memory_space<vmem>>, vector<16xf32>,
            %add3A_687 = arith.addf %get3A_683, %get3A_686 : vector<16xf32>
            %get3A_688 = arith.index_cast %add3A_561 : i32 to index
            %get3A_689 = arith.constant 112 : index
            %get3A_690 = tpu.vector_load %arg30[%get3A_688, %get3A_689] {strides = array<i32>} : memref<64x128xf32, #tpu.memory_space<vmem>>, vector<16xf32>,
            %add3A_691 = arith.addf %add3A_687, %get3A_690 : vector<16xf32>
            %max3A_692 = arith.constant 0.000000e+00 : f32
            %max3A_693 = vector.broadcast %max3A_692 : f32 to vector<16xf32>
            %max3A_694 = arith.maximumf %add3A_691, %max3A_693 : vector<16xf32>
            %swap3A_695 = arith.index_cast %add3A_561 : i32 to index
            %swap3A_696 = arith.constant 112 : index
            %swap3A_697 = tpu.vector_load %arg31[%swap3A_695, %swap3A_696] {strides = array<i32>} : memref<64x128xf32, #tpu.memory_space<vmem>>, vector<16xf32>,
            tpu.vector_store %arg31[%swap3A_695, %swap3A_696], %max3A_694 {strides = array<i32>} : memref<64x128xf32, #tpu.memory_space<vmem>>, vector<16xf32>,
            %mul3A_698 = arith.constant 4 : i32
            %mul3A_699 = arith.muli %scan3A_278, %mul3A_698 : i32
            %add3A_700 = arith.constant 3 : i32
            %add3A_701 = arith.addi %mul3A_699, %add3A_700 : i32
            %get3A_702 = arith.index_cast %add3A_701 : i32 to index
            %get3A_703 = arith.constant 0 : index
            %get3A_704 = tpu.vector_load %arg28[%get3A_702, %get3A_703] {strides = array<i32>} : memref<64x128xf32, #tpu.memory_space<vmem>>, vector<16xf32>,
            %get3A_705 = arith.index_cast %add3A_701 : i32 to index
            %get3A_706 = arith.constant 0 : index
            %get3A_707 = tpu.vector_load %arg29[%get3A_705, %get3A_706] {strides = array<i32>} : memref<64x128xf32, #tpu.memory_space<vmem>>, vector<16xf32>,
            %add3A_708 = arith.addf %get3A_704, %get3A_707 : vector<16xf32>
            %get3A_709 = arith.index_cast %add3A_701 : i32 to index
            %get3A_710 = arith.constant 0 : index
            %get3A_711 = tpu.vector_load %arg30[%get3A_709, %get3A_710] {strides = array<i32>} : memref<64x128xf32, #tpu.memory_space<vmem>>, vector<16xf32>,
            %add3A_712 = arith.addf %add3A_708, %get3A_711 : vector<16xf32>
            %max3A_713 = arith.constant 0.000000e+00 : f32
            %max3A_714 = vector.broadcast %max3A_713 : f32 to vector<16xf32>
            %max3A_715 = arith.maximumf %add3A_712, %max3A_714 : vector<16xf32>
            %swap3A_716 = arith.index_cast %add3A_701 : i32 to index
            %swap3A_717 = arith.constant 0 : index
            %swap3A_718 = tpu.vector_load %arg31[%swap3A_716, %swap3A_717] {strides = array<i32>} : memref<64x128xf32, #tpu.memory_space<vmem>>, vector<16xf32>,
            tpu.vector_store %arg31[%swap3A_716, %swap3A_717], %max3A_715 {strides = array<i32>} : memref<64x128xf32, #tpu.memory_space<vmem>>, vector<16xf32>,
            %get3A_719 = arith.index_cast %add3A_701 : i32 to index
            %get3A_720 = arith.constant 16 : index
            %get3A_721 = tpu.vector_load %arg28[%get3A_719, %get3A_720] {strides = array<i32>} : memref<64x128xf32, #tpu.memory_space<vmem>>, vector<16xf32>,
            %get3A_722 = arith.index_cast %add3A_701 : i32 to index
            %get3A_723 = arith.constant 16 : index
            %get3A_724 = tpu.vector_load %arg29[%get3A_722, %get3A_723] {strides = array<i32>} : memref<64x128xf32, #tpu.memory_space<vmem>>, vector<16xf32>,
            %add3A_725 = arith.addf %get3A_721, %get3A_724 : vector<16xf32>
            %get3A_726 = arith.index_cast %add3A_701 : i32 to index
            %get3A_727 = arith.constant 16 : index
            %get3A_728 = tpu.vector_load %arg30[%get3A_726, %get3A_727] {strides = array<i32>} : memref<64x128xf32, #tpu.memory_space<vmem>>, vector<16xf32>,
            %add3A_729 = arith.addf %add3A_725, %get3A_728 : vector<16xf32>
            %max3A_730 = arith.constant 0.000000e+00 : f32
            %max3A_731 = vector.broadcast %max3A_730 : f32 to vector<16xf32>
            %max3A_732 = arith.maximumf %add3A_729, %max3A_731 : vector<16xf32>
            %swap3A_733 = arith.index_cast %add3A_701 : i32 to index
            %swap3A_734 = arith.constant 16 : index
            %swap3A_735 = tpu.vector_load %arg31[%swap3A_733, %swap3A_734] {strides = array<i32>} : memref<64x128xf32, #tpu.memory_space<vmem>>, vector<16xf32>,
            tpu.vector_store %arg31[%swap3A_733, %swap3A_734], %max3A_732 {strides = array<i32>} : memref<64x128xf32, #tpu.memory_space<vmem>>, vector<16xf32>,
            %get3A_736 = arith.index_cast %add3A_701 : i32 to index
            %get3A_737 = arith.constant 32 : index
            %get3A_738 = tpu.vector_load %arg28[%get3A_736, %get3A_737] {strides = array<i32>} : memref<64x128xf32, #tpu.memory_space<vmem>>, vector<16xf32>,
            %get3A_739 = arith.index_cast %add3A_701 : i32 to index
            %get3A_740 = arith.constant 32 : index
            %get3A_741 = tpu.vector_load %arg29[%get3A_739, %get3A_740] {strides = array<i32>} : memref<64x128xf32, #tpu.memory_space<vmem>>, vector<16xf32>,
            %add3A_742 = arith.addf %get3A_738, %get3A_741 : vector<16xf32>
            %get3A_743 = arith.index_cast %add3A_701 : i32 to index
            %get3A_744 = arith.constant 32 : index
            %get3A_745 = tpu.vector_load %arg30[%get3A_743, %get3A_744] {strides = array<i32>} : memref<64x128xf32, #tpu.memory_space<vmem>>, vector<16xf32>,
            %add3A_746 = arith.addf %add3A_742, %get3A_745 : vector<16xf32>
            %max3A_747 = arith.constant 0.000000e+00 : f32
            %max3A_748 = vector.broadcast %max3A_747 : f32 to vector<16xf32>
            %max3A_749 = arith.maximumf %add3A_746, %max3A_748 : vector<16xf32>
            %swap3A_750 = arith.index_cast %add3A_701 : i32 to index
            %swap3A_751 = arith.constant 32 : index
            %swap3A_752 = tpu.vector_load %arg31[%swap3A_750, %swap3A_751] {strides = array<i32>} : memref<64x128xf32, #tpu.memory_space<vmem>>, vector<16xf32>,
            tpu.vector_store %arg31[%swap3A_750, %swap3A_751], %max3A_749 {strides = array<i32>} : memref<64x128xf32, #tpu.memory_space<vmem>>, vector<16xf32>,
            %get3A_753 = arith.index_cast %add3A_701 : i32 to index
            %get3A_754 = arith.constant 48 : index
            %get3A_755 = tpu.vector_load %arg28[%get3A_753, %get3A_754] {strides = array<i32>} : memref<64x128xf32, #tpu.memory_space<vmem>>, vector<16xf32>,
            %get3A_756 = arith.index_cast %add3A_701 : i32 to index
            %get3A_757 = arith.constant 48 : index
            %get3A_758 = tpu.vector_load %arg29[%get3A_756, %get3A_757] {strides = array<i32>} : memref<64x128xf32, #tpu.memory_space<vmem>>, vector<16xf32>,
            %add3A_759 = arith.addf %get3A_755, %get3A_758 : vector<16xf32>
            %get3A_760 = arith.index_cast %add3A_701 : i32 to index
            %get3A_761 = arith.constant 48 : index
            %get3A_762 = tpu.vector_load %arg30[%get3A_760, %get3A_761] {strides = array<i32>} : memref<64x128xf32, #tpu.memory_space<vmem>>, vector<16xf32>,
            %add3A_763 = arith.addf %add3A_759, %get3A_762 : vector<16xf32>
            %max3A_764 = arith.constant 0.000000e+00 : f32
            %max3A_765 = vector.broadcast %max3A_764 : f32 to vector<16xf32>
            %max3A_766 = arith.maximumf %add3A_763, %max3A_765 : vector<16xf32>
            %swap3A_767 = arith.index_cast %add3A_701 : i32 to index
            %swap3A_768 = arith.constant 48 : index
            %swap3A_769 = tpu.vector_load %arg31[%swap3A_767, %swap3A_768] {strides = array<i32>} : memref<64x128xf32, #tpu.memory_space<vmem>>, vector<16xf32>,
            tpu.vector_store %arg31[%swap3A_767, %swap3A_768], %max3A_766 {strides = array<i32>} : memref<64x128xf32, #tpu.memory_space<vmem>>, vector<16xf32>,
            %get3A_770 = arith.index_cast %add3A_701 : i32 to index
            %get3A_771 = arith.constant 64 : index
            %get3A_772 = tpu.vector_load %arg28[%get3A_770, %get3A_771] {strides = array<i32>} : memref<64x128xf32, #tpu.memory_space<vmem>>, vector<16xf32>,
            %get3A_773 = arith.index_cast %add3A_701 : i32 to index
            %get3A_774 = arith.constant 64 : index
            %get3A_775 = tpu.vector_load %arg29[%get3A_773, %get3A_774] {strides = array<i32>} : memref<64x128xf32, #tpu.memory_space<vmem>>, vector<16xf32>,
            %add3A_776 = arith.addf %get3A_772, %get3A_775 : vector<16xf32>
            %get3A_777 = arith.index_cast %add3A_701 : i32 to index
            %get3A_778 = arith.constant 64 : index
            %get3A_779 = tpu.vector_load %arg30[%get3A_777, %get3A_778] {strides = array<i32>} : memref<64x128xf32, #tpu.memory_space<vmem>>, vector<16xf32>,
            %add3A_780 = arith.addf %add3A_776, %get3A_779 : vector<16xf32>
            %max3A_781 = arith.constant 0.000000e+00 : f32
            %max3A_782 = vector.broadcast %max3A_781 : f32 to vector<16xf32>
            %max3A_783 = arith.maximumf %add3A_780, %max3A_782 : vector<16xf32>
            %swap3A_784 = arith.index_cast %add3A_701 : i32 to index
            %swap3A_785 = arith.constant 64 : index
            %swap3A_786 = tpu.vector_load %arg31[%swap3A_784, %swap3A_785] {strides = array<i32>} : memref<64x128xf32, #tpu.memory_space<vmem>>, vector<16xf32>,
            tpu.vector_store %arg31[%swap3A_784, %swap3A_785], %max3A_783 {strides = array<i32>} : memref<64x128xf32, #tpu.memory_space<vmem>>, vector<16xf32>,
            %get3A_787 = arith.index_cast %add3A_701 : i32 to index
            %get3A_788 = arith.constant 80 : index
            %get3A_789 = tpu.vector_load %arg28[%get3A_787, %get3A_788] {strides = array<i32>} : memref<64x128xf32, #tpu.memory_space<vmem>>, vector<16xf32>,
            %get3A_790 = arith.index_cast %add3A_701 : i32 to index
            %get3A_791 = arith.constant 80 : index
            %get3A_792 = tpu.vector_load %arg29[%get3A_790, %get3A_791] {strides = array<i32>} : memref<64x128xf32, #tpu.memory_space<vmem>>, vector<16xf32>,
            %add3A_793 = arith.addf %get3A_789, %get3A_792 : vector<16xf32>
            %get3A_794 = arith.index_cast %add3A_701 : i32 to index
            %get3A_795 = arith.constant 80 : index
            %get3A_796 = tpu.vector_load %arg30[%get3A_794, %get3A_795] {strides = array<i32>} : memref<64x128xf32, #tpu.memory_space<vmem>>, vector<16xf32>,
            %add3A_797 = arith.addf %add3A_793, %get3A_796 : vector<16xf32>
            %max3A_798 = arith.constant 0.000000e+00 : f32
            %max3A_799 = vector.broadcast %max3A_798 : f32 to vector<16xf32>
            %max3A_800 = arith.maximumf %add3A_797, %max3A_799 : vector<16xf32>
            %swap3A_801 = arith.index_cast %add3A_701 : i32 to index
            %swap3A_802 = arith.constant 80 : index
            %swap3A_803 = tpu.vector_load %arg31[%swap3A_801, %swap3A_802] {strides = array<i32>} : memref<64x128xf32, #tpu.memory_space<vmem>>, vector<16xf32>,
            tpu.vector_store %arg31[%swap3A_801, %swap3A_802], %max3A_800 {strides = array<i32>} : memref<64x128xf32, #tpu.memory_space<vmem>>, vector<16xf32>,
            %get3A_804 = arith.index_cast %add3A_701 : i32 to index
            %get3A_805 = arith.constant 96 : index
            %get3A_806 = tpu.vector_load %arg28[%get3A_804, %get3A_805] {strides = array<i32>} : memref<64x128xf32, #tpu.memory_space<vmem>>, vector<16xf32>,
            %get3A_807 = arith.index_cast %add3A_701 : i32 to index
            %get3A_808 = arith.constant 96 : index
            %get3A_809 = tpu.vector_load %arg29[%get3A_807, %get3A_808] {strides = array<i32>} : memref<64x128xf32, #tpu.memory_space<vmem>>, vector<16xf32>,
            %add3A_810 = arith.addf %get3A_806, %get3A_809 : vector<16xf32>
            %get3A_811 = arith.index_cast %add3A_701 : i32 to index
            %get3A_812 = arith.constant 96 : index
            %get3A_813 = tpu.vector_load %arg30[%get3A_811, %get3A_812] {strides = array<i32>} : memref<64x128xf32, #tpu.memory_space<vmem>>, vector<16xf32>,
            %add3A_814 = arith.addf %add3A_810, %get3A_813 : vector<16xf32>
            %max3A_815 = arith.constant 0.000000e+00 : f32
            %max3A_816 = vector.broadcast %max3A_815 : f32 to vector<16xf32>
            %max3A_817 = arith.maximumf %add3A_814, %max3A_816 : vector<16xf32>
            %swap3A_818 = arith.index_cast %add3A_701 : i32 to index
            %swap3A_819 = arith.constant 96 : index
            %swap3A_820 = tpu.vector_load %arg31[%swap3A_818, %swap3A_819] {strides = array<i32>} : memref<64x128xf32, #tpu.memory_space<vmem>>, vector<16xf32>,
            tpu.vector_store %arg31[%swap3A_818, %swap3A_819], %max3A_817 {strides = array<i32>} : memref<64x128xf32, #tpu.memory_space<vmem>>, vector<16xf32>,
            %get3A_821 = arith.index_cast %add3A_701 : i32 to index
            %get3A_822 = arith.constant 112 : index
            %get3A_823 = tpu.vector_load %arg28[%get3A_821, %get3A_822] {strides = array<i32>} : memref<64x128xf32, #tpu.memory_space<vmem>>, vector<16xf32>,
            %get3A_824 = arith.index_cast %add3A_701 : i32 to index
            %get3A_825 = arith.constant 112 : index
            %get3A_826 = tpu.vector_load %arg29[%get3A_824, %get3A_825] {strides = array<i32>} : memref<64x128xf32, #tpu.memory_space<vmem>>, vector<16xf32>,
            %add3A_827 = arith.addf %get3A_823, %get3A_826 : vector<16xf32>
            %get3A_828 = arith.index_cast %add3A_701 : i32 to index
            %get3A_829 = arith.constant 112 : index
            %get3A_830 = tpu.vector_load %arg30[%get3A_828, %get3A_829] {strides = array<i32>} : memref<64x128xf32, #tpu.memory_space<vmem>>, vector<16xf32>,
            %add3A_831 = arith.addf %add3A_827, %get3A_830 : vector<16xf32>
            %max3A_832 = arith.constant 0.000000e+00 : f32
            %max3A_833 = vector.broadcast %max3A_832 : f32 to vector<16xf32>
            %max3A_834 = arith.maximumf %add3A_831, %max3A_833 : vector<16xf32>
            %swap3A_835 = arith.index_cast %add3A_701 : i32 to index
            %swap3A_836 = arith.constant 112 : index
            %swap3A_837 = tpu.vector_load %arg31[%swap3A_835, %swap3A_836] {strides = array<i32>} : memref<64x128xf32, #tpu.memory_space<vmem>>, vector<16xf32>,
            tpu.vector_store %arg31[%swap3A_835, %swap3A_836], %max3A_834 {strides = array<i32>} : memref<64x128xf32, #tpu.memory_space<vmem>>, vector<16xf32>,
          }
          %scan3A_261 = arith.constant 16 : i32
          %get3A = arith.constant 0 : index
          %get3A_262 = tpu.vector_load %arg25[%get3A] {strides = array<i32>} : memref<64xi32, #tpu.memory_space<vmem>>, vector<16xi32>,
          %swap3A = arith.constant 0 : index
          %swap3A_263 = tpu.vector_load %arg26[%swap3A] {strides = array<i32>} : memref<64xi32, #tpu.memory_space<vmem>>, vector<16xi32>,
          tpu.vector_store %arg26[%swap3A], %get3A_262 {strides = array<i32>} : memref<64xi32, #tpu.memory_space<vmem>>, vector<16xi32>,
          %get3A_264 = arith.constant 16 : index
          %get3A_265 = tpu.vector_load %arg25[%get3A_264] {strides = array<i32>} : memref<64xi32, #tpu.memory_space<vmem>>, vector<16xi32>,
          %swap3A_266 = arith.constant 16 : index
          %swap3A_267 = tpu.vector_load %arg26[%swap3A_266] {strides = array<i32>} : memref<64xi32, #tpu.memory_space<vmem>>, vector<16xi32>,
          tpu.vector_store %arg26[%swap3A_266], %get3A_265 {strides = array<i32>} : memref<64xi32, #tpu.memory_space<vmem>>, vector<16xi32>,
          %get3A_268 = arith.constant 32 : index
          %get3A_269 = tpu.vector_load %arg25[%get3A_268] {strides = array<i32>} : memref<64xi32, #tpu.memory_space<vmem>>, vector<16xi32>,
          %swap3A_270 = arith.constant 32 : index
          %swap3A_271 = tpu.vector_load %arg26[%swap3A_270] {strides = array<i32>} : memref<64xi32, #tpu.memory_space<vmem>>, vector<16xi32>,
          tpu.vector_store %arg26[%swap3A_270], %get3A_269 {strides = array<i32>} : memref<64xi32, #tpu.memory_space<vmem>>, vector<16xi32>,
          %get3A_272 = arith.constant 48 : index
          %get3A_273 = tpu.vector_load %arg25[%get3A_272] {strides = array<i32>} : memref<64xi32, #tpu.memory_space<vmem>>, vector<16xi32>,
          %swap3A_274 = arith.constant 48 : index
          %swap3A_275 = tpu.vector_load %arg26[%swap3A_274] {strides = array<i32>} : memref<64xi32, #tpu.memory_space<vmem>>, vector<16xi32>,
          tpu.vector_store %arg26[%swap3A_274], %get3A_273 {strides = array<i32>} : memref<64xi32, #tpu.memory_space<vmem>>, vector<16xi32>,
          %dma_start3A = arith.constant 0 : i32
          %dma_start3A_276 = arith.constant 0 : i32
          %dma_start3A_277 = tpu.memref_slice %arg32[%dma_start3A, %dma_start3A_276] : memref<5120x128xf32, #tpu.memory_space<vmem_shared>> -> memref<5120x128xf32, #tpu.memory_space<vmem_shared>>
          tpu.enqueue_indirect_dma source(%arg31 : memref<64x128xf32, #tpu.memory_space<vmem>>) target(%dma_start3A_277 : memref<5120x128xf32, #tpu.memory_space<vmem_shared>>) offsets(%arg26 : memref<64xi32, #tpu.memory_space<vmem>>) semaphore(%arg40 : memref<!tpu.dma_semaphore, #tpu.memory_space<semaphore_mem>>) {add = true}
        } else {
        }
        %add3A_201 = arith.constant 2 : i32
        %add3A_202 = arith.addi %add3A_182, %add3A_201 : i32
        %mul3A_203 = arith.constant 64 : i32
        %mul3A_204 = arith.muli %add3A_202, %mul3A_203 : i32
        %broadcast_in_dim3A_205 = vector.broadcast %mul3A_204 : i32 to vector<16xi32>
        %lt3A_206 = arith.cmpi slt, %broadcast_in_dim3A_205, %scan3A_28 : vector<16xi32>
        %reduce_or3A_207 = arith.constant 1.000000e+00 : f32
        %reduce_or3A_208 = arith.constant 0.000000e+00 : f32
        %reduce_or3A_209 = vector.broadcast %reduce_or3A_207 : f32 to vector<16xf32>
        %reduce_or3A_210 = vector.broadcast %reduce_or3A_208 : f32 to vector<16xf32>
        %reduce_or3A_211 = arith.select %lt3A_206, %reduce_or3A_209, %reduce_or3A_210 : vector<16xi1>, vector<16xf32>
        %reduce_or3A_212 = arith.constant true
        %reduce_or3A_213 = vector.broadcast %reduce_or3A_212 : i1 to vector<16xi1>
        %reduce_or3A_214 = tpu.scan <max>, %reduce_or3A_211 masked %reduce_or3A_213 : vector<16xf32>, vector<16xi1> -> vector<16xf32>
        %reduce_or3A_215 = vector.extract %reduce_or3A_214[15] : f32 from vector<16xf32>
        %reduce_or3A_216 = arith.constant 0.000000e+00 : f32
        %reduce_or3A_217 = arith.cmpf ogt, %reduce_or3A_215, %reduce_or3A_216 : f32
        %add3A_218 = arith.constant 2 : i32
        %add3A_219 = arith.addi %add3A_182, %add3A_218 : i32
        %convert_element_type3A_220 = arith.extui %reduce_or3A_217 : i1 to i32
        %cond3A_221 = arith.constant 0 : i32
        %cond3A_222 = arith.cmpi ne, %convert_element_type3A_220, %cond3A_221 : i32
        scf.if %cond3A_222 {
          %mul3A_225 = arith.constant 64 : i32
          %mul3A_226 = arith.muli %add3A_219, %mul3A_225 : i32
          %add3A_227 = arith.constant 0 : i32
          %add3A_228 = arith.addi %mul3A_226, %add3A_227 : i32
          %get3A = arith.index_cast %add3A_228 : i32 to index
          %get3A_229 = tpu.vector_load %arg11[%get3A] {strides = array<i32>} : memref<2064xi32, #tpu.memory_space<vmem>>, vector<16xi32>,
          %swap3A = arith.constant 0 : index
          %swap3A_230 = tpu.vector_load %arg23[%swap3A] {strides = array<i32>} : memref<64xi32, #tpu.memory_space<vmem>>, vector<16xi32>,
          tpu.vector_store %arg23[%swap3A], %get3A_229 {strides = array<i32>} : memref<64xi32, #tpu.memory_space<vmem>>, vector<16xi32>,
          %get3A_231 = arith.index_cast %add3A_228 : i32 to index
          %get3A_232 = tpu.vector_load %arg12[%get3A_231] {strides = array<i32>} : memref<2064xi32, #tpu.memory_space<vmem>>, vector<16xi32>,
          %swap3A_233 = arith.constant 0 : index
          %swap3A_234 = tpu.vector_load %arg25[%swap3A_233] {strides = array<i32>} : memref<64xi32, #tpu.memory_space<vmem>>, vector<16xi32>,
          tpu.vector_store %arg25[%swap3A_233], %get3A_232 {strides = array<i32>} : memref<64xi32, #tpu.memory_space<vmem>>, vector<16xi32>,
          %min3A = arith.constant 4999 : i32
          %min3A_235 = vector.broadcast %min3A : i32 to vector<16xi32>
          %min3A_236 = arith.minsi %get3A_232, %min3A_235 : vector<16xi32>
          %add3A_237 = arith.addi %min3A_236, %broadcast_in_dim3A : vector<16xi32>
          %swap3A_238 = arith.constant 0 : index
          %swap3A_239 = tpu.vector_load %arg24[%swap3A_238] {strides = array<i32>} : memref<64xi32, #tpu.memory_space<vmem>>, vector<16xi32>,
          tpu.vector_store %arg24[%swap3A_238], %add3A_237 {strides = array<i32>} : memref<64xi32, #tpu.memory_space<vmem>>, vector<16xi32>,
          %get3A_240 = arith.index_cast %add3A_228 : i32 to index
          %get3A_241 = tpu.vector_load %arg13[%get3A_240] {strides = array<i32>} : memref<2064xi32, #tpu.memory_space<vmem>>, vector<16xi32>,
          %swap3A_242 = arith.constant 0 : index
          %swap3A_243 = tpu.vector_load %arg27[%swap3A_242] {strides = array<i32>} : memref<64xi32, #tpu.memory_space<vmem>>, vector<16xi32>,
          tpu.vector_store %arg27[%swap3A_242], %get3A_241 {strides = array<i32>} : memref<64xi32, #tpu.memory_space<vmem>>, vector<16xi32>,
          %mul3A_244 = arith.constant 64 : i32
          %mul3A_245 = arith.muli %add3A_219, %mul3A_244 : i32
          %add3A_246 = arith.constant 16 : i32
          %add3A_247 = arith.addi %mul3A_245, %add3A_246 : i32
          %get3A_248 = arith.index_cast %add3A_247 : i32 to index
          %get3A_249 = tpu.vector_load %arg11[%get3A_248] {strides = array<i32>} : memref<2064xi32, #tpu.memory_space<vmem>>, vector<16xi32>,
          %swap3A_250 = arith.constant 16 : index
          %swap3A_251 = tpu.vector_load %arg23[%swap3A_250] {strides = array<i32>} : memref<64xi32, #tpu.memory_space<vmem>>, vector<16xi32>,
          tpu.vector_store %arg23[%swap3A_250], %get3A_249 {strides = array<i32>} : memref<64xi32, #tpu.memory_space<vmem>>, vector<16xi32>,
          %get3A_252 = arith.index_cast %add3A_247 : i32 to index
          %get3A_253 = tpu.vector_load %arg12[%get3A_252] {strides = array<i32>} : memref<2064xi32, #tpu.memory_space<vmem>>, vector<16xi32>,
          %swap3A_254 = arith.constant 16 : index
          %swap3A_255 = tpu.vector_load %arg25[%swap3A_254] {strides = array<i32>} : memref<64xi32, #tpu.memory_space<vmem>>, vector<16xi32>,
          tpu.vector_store %arg25[%swap3A_254], %get3A_253 {strides = array<i32>} : memref<64xi32, #tpu.memory_space<vmem>>, vector<16xi32>,
          %min3A_256 = arith.constant 4999 : i32
          %min3A_257 = vector.broadcast %min3A_256 : i32 to vector<16xi32>
          %min3A_258 = arith.minsi %get3A_253, %min3A_257 : vector<16xi32>
          %add3A_259 = arith.addi %min3A_258, %broadcast_in_dim3A : vector<16xi32>
          %swap3A_260 = arith.constant 16 : index
          %swap3A_261 = tpu.vector_load %arg24[%swap3A_260] {strides = array<i32>} : memref<64xi32, #tpu.memory_space<vmem>>, vector<16xi32>,
          tpu.vector_store %arg24[%swap3A_260], %add3A_259 {strides = array<i32>} : memref<64xi32, #tpu.memory_space<vmem>>, vector<16xi32>,
          %get3A_262 = arith.index_cast %add3A_247 : i32 to index
          %get3A_263 = tpu.vector_load %arg13[%get3A_262] {strides = array<i32>} : memref<2064xi32, #tpu.memory_space<vmem>>, vector<16xi32>,
          %swap3A_264 = arith.constant 16 : index
          %swap3A_265 = tpu.vector_load %arg27[%swap3A_264] {strides = array<i32>} : memref<64xi32, #tpu.memory_space<vmem>>, vector<16xi32>,
          tpu.vector_store %arg27[%swap3A_264], %get3A_263 {strides = array<i32>} : memref<64xi32, #tpu.memory_space<vmem>>, vector<16xi32>,
          %mul3A_266 = arith.constant 64 : i32
          %mul3A_267 = arith.muli %add3A_219, %mul3A_266 : i32
          %add3A_268 = arith.constant 32 : i32
          %add3A_269 = arith.addi %mul3A_267, %add3A_268 : i32
          %get3A_270 = arith.index_cast %add3A_269 : i32 to index
          %get3A_271 = tpu.vector_load %arg11[%get3A_270] {strides = array<i32>} : memref<2064xi32, #tpu.memory_space<vmem>>, vector<16xi32>,
          %swap3A_272 = arith.constant 32 : index
          %swap3A_273 = tpu.vector_load %arg23[%swap3A_272] {strides = array<i32>} : memref<64xi32, #tpu.memory_space<vmem>>, vector<16xi32>,
          tpu.vector_store %arg23[%swap3A_272], %get3A_271 {strides = array<i32>} : memref<64xi32, #tpu.memory_space<vmem>>, vector<16xi32>,
          %get3A_274 = arith.index_cast %add3A_269 : i32 to index
          %get3A_275 = tpu.vector_load %arg12[%get3A_274] {strides = array<i32>} : memref<2064xi32, #tpu.memory_space<vmem>>, vector<16xi32>,
          %swap3A_276 = arith.constant 32 : index
          %swap3A_277 = tpu.vector_load %arg25[%swap3A_276] {strides = array<i32>} : memref<64xi32, #tpu.memory_space<vmem>>, vector<16xi32>,
          tpu.vector_store %arg25[%swap3A_276], %get3A_275 {strides = array<i32>} : memref<64xi32, #tpu.memory_space<vmem>>, vector<16xi32>,
          %min3A_278 = arith.constant 4999 : i32
          %min3A_279 = vector.broadcast %min3A_278 : i32 to vector<16xi32>
          %min3A_280 = arith.minsi %get3A_275, %min3A_279 : vector<16xi32>
          %add3A_281 = arith.addi %min3A_280, %broadcast_in_dim3A : vector<16xi32>
          %swap3A_282 = arith.constant 32 : index
          %swap3A_283 = tpu.vector_load %arg24[%swap3A_282] {strides = array<i32>} : memref<64xi32, #tpu.memory_space<vmem>>, vector<16xi32>,
          tpu.vector_store %arg24[%swap3A_282], %add3A_281 {strides = array<i32>} : memref<64xi32, #tpu.memory_space<vmem>>, vector<16xi32>,
          %get3A_284 = arith.index_cast %add3A_269 : i32 to index
          %get3A_285 = tpu.vector_load %arg13[%get3A_284] {strides = array<i32>} : memref<2064xi32, #tpu.memory_space<vmem>>, vector<16xi32>,
          %swap3A_286 = arith.constant 32 : index
          %swap3A_287 = tpu.vector_load %arg27[%swap3A_286] {strides = array<i32>} : memref<64xi32, #tpu.memory_space<vmem>>, vector<16xi32>,
          tpu.vector_store %arg27[%swap3A_286], %get3A_285 {strides = array<i32>} : memref<64xi32, #tpu.memory_space<vmem>>, vector<16xi32>,
          %mul3A_288 = arith.constant 64 : i32
          %mul3A_289 = arith.muli %add3A_219, %mul3A_288 : i32
          %add3A_290 = arith.constant 48 : i32
          %add3A_291 = arith.addi %mul3A_289, %add3A_290 : i32
          %get3A_292 = arith.index_cast %add3A_291 : i32 to index
          %get3A_293 = tpu.vector_load %arg11[%get3A_292] {strides = array<i32>} : memref<2064xi32, #tpu.memory_space<vmem>>, vector<16xi32>,
          %swap3A_294 = arith.constant 48 : index
          %swap3A_295 = tpu.vector_load %arg23[%swap3A_294] {strides = array<i32>} : memref<64xi32, #tpu.memory_space<vmem>>, vector<16xi32>,
          tpu.vector_store %arg23[%swap3A_294], %get3A_293 {strides = array<i32>} : memref<64xi32, #tpu.memory_space<vmem>>, vector<16xi32>,
          %get3A_296 = arith.index_cast %add3A_291 : i32 to index
          %get3A_297 = tpu.vector_load %arg12[%get3A_296] {strides = array<i32>} : memref<2064xi32, #tpu.memory_space<vmem>>, vector<16xi32>,
          %swap3A_298 = arith.constant 48 : index
          %swap3A_299 = tpu.vector_load %arg25[%swap3A_298] {strides = array<i32>} : memref<64xi32, #tpu.memory_space<vmem>>, vector<16xi32>,
          tpu.vector_store %arg25[%swap3A_298], %get3A_297 {strides = array<i32>} : memref<64xi32, #tpu.memory_space<vmem>>, vector<16xi32>,
          %min3A_300 = arith.constant 4999 : i32
          %min3A_301 = vector.broadcast %min3A_300 : i32 to vector<16xi32>
          %min3A_302 = arith.minsi %get3A_297, %min3A_301 : vector<16xi32>
          %add3A_303 = arith.addi %min3A_302, %broadcast_in_dim3A : vector<16xi32>
          %swap3A_304 = arith.constant 48 : index
          %swap3A_305 = tpu.vector_load %arg24[%swap3A_304] {strides = array<i32>} : memref<64xi32, #tpu.memory_space<vmem>>, vector<16xi32>,
          tpu.vector_store %arg24[%swap3A_304], %add3A_303 {strides = array<i32>} : memref<64xi32, #tpu.memory_space<vmem>>, vector<16xi32>,
          %get3A_306 = arith.index_cast %add3A_291 : i32 to index
          %get3A_307 = tpu.vector_load %arg13[%get3A_306] {strides = array<i32>} : memref<2064xi32, #tpu.memory_space<vmem>>, vector<16xi32>,
          %swap3A_308 = arith.constant 48 : index
          %swap3A_309 = tpu.vector_load %arg27[%swap3A_308] {strides = array<i32>} : memref<64xi32, #tpu.memory_space<vmem>>, vector<16xi32>,
          tpu.vector_store %arg27[%swap3A_308], %get3A_307 {strides = array<i32>} : memref<64xi32, #tpu.memory_space<vmem>>, vector<16xi32>,
          %dma_start3A = arith.constant 0 : i32
          %dma_start3A_310 = arith.constant 0 : i32
          %dma_start3A_311 = tpu.memref_slice %arg2[%dma_start3A, %dma_start3A_310] : memref<10000x128xf32, #tpu.memory_space<hbm>> -> memref<10000x128xf32, #tpu.memory_space<hbm>>
          tpu.enqueue_indirect_dma source(%dma_start3A_311 : memref<10000x128xf32, #tpu.memory_space<hbm>>) target(%arg28 : memref<64x128xf32, #tpu.memory_space<vmem>>) offsets(%arg23 : memref<64xi32, #tpu.memory_space<vmem>>) semaphore(%arg37 : memref<!tpu.dma_semaphore, #tpu.memory_space<semaphore_mem>>)
          %dma_start3A_312 = arith.constant 0 : i32
          %dma_start3A_313 = arith.constant 0 : i32
          %dma_start3A_314 = tpu.memref_slice %arg3[%dma_start3A_312, %dma_start3A_313] : memref<10000x128xf32, #tpu.memory_space<hbm>> -> memref<10000x128xf32, #tpu.memory_space<hbm>>
          tpu.enqueue_indirect_dma source(%dma_start3A_314 : memref<10000x128xf32, #tpu.memory_space<hbm>>) target(%arg29 : memref<64x128xf32, #tpu.memory_space<vmem>>) offsets(%arg24 : memref<64xi32, #tpu.memory_space<vmem>>) semaphore(%arg38 : memref<!tpu.dma_semaphore, #tpu.memory_space<semaphore_mem>>)
          %dma_start3A_315 = arith.constant 0 : i32
          %dma_start3A_316 = arith.constant 0 : i32
          %dma_start3A_317 = tpu.memref_slice %arg4[%dma_start3A_315, %dma_start3A_316] : memref<320000x128xf32, #tpu.memory_space<hbm>> -> memref<320000x128xf32, #tpu.memory_space<hbm>>
          tpu.enqueue_indirect_dma source(%dma_start3A_317 : memref<320000x128xf32, #tpu.memory_space<hbm>>) target(%arg30 : memref<64x128xf32, #tpu.memory_space<vmem>>) offsets(%arg27 : memref<64xi32, #tpu.memory_space<vmem>>) semaphore(%arg39 : memref<!tpu.dma_semaphore, #tpu.memory_space<semaphore_mem>>)
        } else {
        }
        %add3A_223 = arith.constant 1 : i32
        %add3A_224 = arith.addi %while3A_136, %add3A_223 : i32
        scf.yield %add3A_224 : i32
      }
      %gt3A = arith.constant 0 : i32
      %gt3A_85 = arith.cmpi sgt, %while3A_84, %gt3A : i32
      %sub3A = arith.constant 1 : i32
      %sub3A_86 = arith.subi %while3A_84, %sub3A : i32
      %mul3A_87 = arith.constant 2 : i32
      %mul3A_88 = arith.muli %sub3A_86, %mul3A_87 : i32
      %add3A_89 = arith.constant 0 : i32
      %add3A_90 = arith.addi %mul3A_88, %add3A_89 : i32
      %mul3A_91 = arith.constant 64 : i32
      %mul3A_92 = arith.muli %add3A_90, %mul3A_91 : i32
      %broadcast_in_dim3A_93 = vector.broadcast %mul3A_92 : i32 to vector<16xi32>
      %lt3A_94 = arith.cmpi slt, %broadcast_in_dim3A_93, %scan3A_28 : vector<16xi32>
      %reduce_or3A_95 = arith.constant 1.000000e+00 : f32
      %reduce_or3A_96 = arith.constant 0.000000e+00 : f32
      %reduce_or3A_97 = vector.broadcast %reduce_or3A_95 : f32 to vector<16xf32>
      %reduce_or3A_98 = vector.broadcast %reduce_or3A_96 : f32 to vector<16xf32>
      %reduce_or3A_99 = arith.select %lt3A_94, %reduce_or3A_97, %reduce_or3A_98 : vector<16xi1>, vector<16xf32>
      %reduce_or3A_100 = arith.constant true
      %reduce_or3A_101 = vector.broadcast %reduce_or3A_100 : i1 to vector<16xi1>
      %reduce_or3A_102 = tpu.scan <max>, %reduce_or3A_99 masked %reduce_or3A_101 : vector<16xf32>, vector<16xi1> -> vector<16xf32>
      %reduce_or3A_103 = vector.extract %reduce_or3A_102[15] : f32 from vector<16xf32>
      %reduce_or3A_104 = arith.constant 0.000000e+00 : f32
      %reduce_or3A_105 = arith.cmpf ogt, %reduce_or3A_103, %reduce_or3A_104 : f32
      %and3A = arith.andi %gt3A_85, %reduce_or3A_105 : i1
      %convert_element_type3A_106 = arith.extui %and3A : i1 to i32
      %cond3A_107 = arith.constant 0 : i32
      %cond3A_108 = arith.cmpi ne, %convert_element_type3A_106, %cond3A_107 : i32
      scf.if %cond3A_108 {
        %dma_wait3A = arith.constant 0 : i32
        %dma_wait3A_136 = arith.constant 0 : i32
        %dma_wait3A_137 = tpu.memref_slice %arg32[%dma_wait3A, %dma_wait3A_136] : memref<5120x128xf32, #tpu.memory_space<vmem_shared>> -> memref<5120x128xf32, #tpu.memory_space<vmem_shared>>
        tpu.wait_indirect_dma semaphore(%arg36 : memref<!tpu.dma_semaphore, #tpu.memory_space<semaphore_mem>>) src(%arg22 : memref<64x128xf32, #tpu.memory_space<vmem>>) dst(%dma_wait3A_137 : memref<5120x128xf32, #tpu.memory_space<vmem_shared>>)
      } else {
      }
      %gt3A_109 = arith.constant 0 : i32
      %gt3A_110 = arith.cmpi sgt, %while3A_84, %gt3A_109 : i32
      %sub3A_111 = arith.constant 1 : i32
      %sub3A_112 = arith.subi %while3A_84, %sub3A_111 : i32
      %mul3A_113 = arith.constant 2 : i32
      %mul3A_114 = arith.muli %sub3A_112, %mul3A_113 : i32
      %add3A_115 = arith.constant 1 : i32
      %add3A_116 = arith.addi %mul3A_114, %add3A_115 : i32
      %mul3A_117 = arith.constant 64 : i32
      %mul3A_118 = arith.muli %add3A_116, %mul3A_117 : i32
      %broadcast_in_dim3A_119 = vector.broadcast %mul3A_118 : i32 to vector<16xi32>
      %lt3A_120 = arith.cmpi slt, %broadcast_in_dim3A_119, %scan3A_28 : vector<16xi32>
      %reduce_or3A_121 = arith.constant 1.000000e+00 : f32
      %reduce_or3A_122 = arith.constant 0.000000e+00 : f32
      %reduce_or3A_123 = vector.broadcast %reduce_or3A_121 : f32 to vector<16xf32>
      %reduce_or3A_124 = vector.broadcast %reduce_or3A_122 : f32 to vector<16xf32>
      %reduce_or3A_125 = arith.select %lt3A_120, %reduce_or3A_123, %reduce_or3A_124 : vector<16xi1>, vector<16xf32>
      %reduce_or3A_126 = arith.constant true
      %reduce_or3A_127 = vector.broadcast %reduce_or3A_126 : i1 to vector<16xi1>
      %reduce_or3A_128 = tpu.scan <max>, %reduce_or3A_125 masked %reduce_or3A_127 : vector<16xf32>, vector<16xi1> -> vector<16xf32>
      %reduce_or3A_129 = vector.extract %reduce_or3A_128[15] : f32 from vector<16xf32>
      %reduce_or3A_130 = arith.constant 0.000000e+00 : f32
      %reduce_or3A_131 = arith.cmpf ogt, %reduce_or3A_129, %reduce_or3A_130 : f32
      %and3A_132 = arith.andi %gt3A_110, %reduce_or3A_131 : i1
      %convert_element_type3A_133 = arith.extui %and3A_132 : i1 to i32
      %cond3A_134 = arith.constant 0 : i32
      %cond3A_135 = arith.cmpi ne, %convert_element_type3A_133, %cond3A_134 : i32
      scf.if %cond3A_135 {
        %dma_wait3A = arith.constant 0 : i32
        %dma_wait3A_136 = arith.constant 0 : i32
        %dma_wait3A_137 = tpu.memref_slice %arg32[%dma_wait3A, %dma_wait3A_136] : memref<5120x128xf32, #tpu.memory_space<vmem_shared>> -> memref<5120x128xf32, #tpu.memory_space<vmem_shared>>
        tpu.wait_indirect_dma semaphore(%arg40 : memref<!tpu.dma_semaphore, #tpu.memory_space<semaphore_mem>>) src(%arg31 : memref<64x128xf32, #tpu.memory_space<vmem>>) dst(%dma_wait3A_137 : memref<5120x128xf32, #tpu.memory_space<vmem_shared>>)
      } else {
      }
    }
    %scan3A_13 = arith.constant 10 : i32
    %barrier3A_14 = arith.constant 0 : index
    tpu.barrier barrier_id(%barrier3A_14)
    %mul3A_15 = arith.constant 320 : i32
    %mul3A_16 = arith.muli %arg1, %mul3A_15 : i32
    %mul3A_17 = arith.constant 320 : i32
    %mul3A_18 = arith.muli %arg1, %mul3A_17 : i32
    "tpu.region"() ({
      %run_scoped3A = tpu.sem_alloc : memref<!tpu.dma_semaphore, #tpu.memory_space<semaphore_mem>>
      %dma_start3A = arith.constant 0 : i32
      %dma_start3A_19 = tpu.memref_slice %arg8[%arg0, %mul3A_18, %dma_start3A] : memref<2x5120x128xf32, #tpu.memory_space<hbm>> -> memref<1x320x128xf32, #tpu.memory_space<hbm>>
      %dma_start3A_20 = tpu.memref_squeeze %dma_start3A_19 : memref<1x320x128xf32, #tpu.memory_space<hbm>> -> memref<320x128xf32, #tpu.memory_space<hbm>>
      %dma_start3A_21 = arith.constant 0 : i32
      %dma_start3A_22 = tpu.memref_slice %arg32[%mul3A_16, %dma_start3A_21] : memref<5120x128xf32, #tpu.memory_space<vmem_shared>> -> memref<320x128xf32, #tpu.memory_space<vmem_shared>>
      tpu.enqueue_dma source(%dma_start3A_22 : memref<320x128xf32, #tpu.memory_space<vmem_shared>>) target(%dma_start3A_20 : memref<320x128xf32, #tpu.memory_space<hbm>>) target_semaphore(%run_scoped3A : memref<!tpu.dma_semaphore, #tpu.memory_space<semaphore_mem>>)
      %dma_wait3A = arith.constant 0 : i32
      %dma_wait3A_23 = tpu.memref_slice %arg8[%arg0, %mul3A_18, %dma_wait3A] : memref<2x5120x128xf32, #tpu.memory_space<hbm>> -> memref<1x320x128xf32, #tpu.memory_space<hbm>>
      %dma_wait3A_24 = tpu.memref_squeeze %dma_wait3A_23 : memref<1x320x128xf32, #tpu.memory_space<hbm>> -> memref<320x128xf32, #tpu.memory_space<hbm>>
      %dma_wait3A_25 = arith.constant 0 : i32
      %dma_wait3A_26 = tpu.memref_slice %arg32[%mul3A_16, %dma_wait3A_25] : memref<5120x128xf32, #tpu.memory_space<vmem_shared>> -> memref<320x128xf32, #tpu.memory_space<vmem_shared>>
      tpu.wait_dma2 semaphore(%run_scoped3A : memref<!tpu.dma_semaphore, #tpu.memory_space<semaphore_mem>>) src(%dma_wait3A_26 : memref<320x128xf32, #tpu.memory_space<vmem_shared>>) dst(%dma_wait3A_24 : memref<320x128xf32, #tpu.memory_space<hbm>>)
      tpu.yield
    }) : () -> ()
    return
  }
}

module attributes {stable_mosaic.version = 14 : i64} {
  func.func @_prep_body(%arg0: memref<10000x64xf32, #tpu.memory_space<vmem>>, %arg1: memref<10000x64xf32, #tpu.memory_space<vmem>>, %arg2: memref<64x128xf32, #tpu.memory_space<vmem>>, %arg3: memref<64x128xf32, #tpu.memory_space<vmem>>, %arg4: memref<1x128xf32, #tpu.memory_space<vmem>>, %arg5: memref<128x128xf32, #tpu.memory_space<vmem>>, %arg6: memref<128x128xf32, #tpu.memory_space<vmem>>, %arg7: memref<128x128xf32, #tpu.memory_space<vmem>>, %arg8: memref<16x128xf32, #tpu.memory_space<vmem>>, %arg9: memref<1x128xf32, #tpu.memory_space<vmem>>, %arg10: memref<1x128xf32, #tpu.memory_space<vmem>>, %arg11: memref<10000x128xf32, #tpu.memory_space<vmem>>, %arg12: memref<10000x128xf32, #tpu.memory_space<vmem>>, %arg13: memref<10000x128xf32, #tpu.memory_space<vmem>>, %arg14: memref<16x128xf32, #tpu.memory_space<vmem>>) attributes {dimension_semantics = [], scalar_prefetch = 0 : i64, scratch_operands = 0 : i64, tpu.core_type = #tpu.core_type<tc>} {
    %get3A = arith.constant 0 : index
    %get3A_0 = arith.constant 0 : index
    %get3A_1 = vector.load %arg0[%get3A, %get3A_0] : memref<10000x64xf32, #tpu.memory_space<vmem>>, vector<10000x64xf32>
    %get3A_2 = arith.constant 0 : index
    %get3A_3 = arith.constant 0 : index
    %get3A_4 = vector.load %arg2[%get3A_2, %get3A_3] : memref<64x128xf32, #tpu.memory_space<vmem>>, vector<64x128xf32>
    %dot_general3A = arith.constant dense<0.000000e+00> : vector<10000x128xf32>
    %dot_general3A_5 = tpu.matmul %get3A_1, %get3A_4, %dot_general3A {dimension_numbers = #tpu.dot_dimension_numbers<[1], [0], [0], [1], [0, 0, 1, 1], [], []>, transpose_lhs_hint = false} : vector<10000x64xf32>, vector<64x128xf32>, vector<10000x128xf32> -> vector<10000x128xf32>
    %get3A_6 = arith.constant 0 : index
    %get3A_7 = arith.constant 0 : index
    %get3A_8 = vector.load %arg1[%get3A_6, %get3A_7] : memref<10000x64xf32, #tpu.memory_space<vmem>>, vector<10000x64xf32>
    %get3A_9 = arith.constant 0 : index
    %get3A_10 = arith.constant 0 : index
    %get3A_11 = vector.load %arg3[%get3A_9, %get3A_10] : memref<64x128xf32, #tpu.memory_space<vmem>>, vector<64x128xf32>
    %dot_general3A_12 = arith.constant dense<0.000000e+00> : vector<10000x128xf32>
    %dot_general3A_13 = tpu.matmul %get3A_8, %get3A_11, %dot_general3A_12 {dimension_numbers = #tpu.dot_dimension_numbers<[1], [0], [0], [1], [0, 0, 1, 1], [], []>, transpose_lhs_hint = false} : vector<10000x64xf32>, vector<64x128xf32>, vector<10000x128xf32> -> vector<10000x128xf32>
    %add3A = arith.addf %dot_general3A_5, %dot_general3A_13 : vector<10000x128xf32>
    %get3A_14 = arith.constant 0 : index
    %get3A_15 = arith.constant 0 : index
    %get3A_16 = vector.load %arg4[%get3A_14, %get3A_15] : memref<1x128xf32, #tpu.memory_space<vmem>>, vector<1x128xf32>
    %add3A_17 = vector.broadcast %get3A_16 : vector<1x128xf32> to vector<10000x128xf32>
    %add3A_18 = arith.addf %add3A, %add3A_17 : vector<10000x128xf32>
    %swap3A = arith.constant 0 : index
    %swap3A_19 = arith.constant 0 : index
    %swap3A_20 = vector.load %arg11[%swap3A, %swap3A_19] : memref<10000x128xf32, #tpu.memory_space<vmem>>, vector<10000x128xf32>
    tpu.vector_store %arg11[%swap3A, %swap3A_19], %add3A_18 {strides = array<i32>} : memref<10000x128xf32, #tpu.memory_space<vmem>>, vector<10000x128xf32>,
    %get3A_21 = arith.constant 0 : index
    %get3A_22 = arith.constant 0 : index
    %get3A_23 = vector.load %arg5[%get3A_21, %get3A_22] : memref<128x128xf32, #tpu.memory_space<vmem>>, vector<128x128xf32>
    %dot_general3A_24 = arith.constant dense<0.000000e+00> : vector<10000x128xf32>
    %dot_general3A_25 = tpu.matmul %add3A_18, %get3A_23, %dot_general3A_24 {dimension_numbers = #tpu.dot_dimension_numbers<[1], [0], [0], [1], [0, 0, 1, 1], [], []>, transpose_lhs_hint = false} : vector<10000x128xf32>, vector<128x128xf32>, vector<10000x128xf32> -> vector<10000x128xf32>
    %swap3A_26 = arith.constant 0 : index
    %swap3A_27 = arith.constant 0 : index
    %swap3A_28 = vector.load %arg12[%swap3A_26, %swap3A_27] : memref<10000x128xf32, #tpu.memory_space<vmem>>, vector<10000x128xf32>
    tpu.vector_store %arg12[%swap3A_26, %swap3A_27], %dot_general3A_25 {strides = array<i32>} : memref<10000x128xf32, #tpu.memory_space<vmem>>, vector<10000x128xf32>,
    %get3A_29 = arith.constant 0 : index
    %get3A_30 = arith.constant 0 : index
    %get3A_31 = vector.load %arg9[%get3A_29, %get3A_30] : memref<1x128xf32, #tpu.memory_space<vmem>>, vector<1x128xf32>
    %get3A_32 = arith.constant 0 : index
    %get3A_33 = arith.constant 0 : index
    %get3A_34 = vector.load %arg7[%get3A_32, %get3A_33] : memref<128x128xf32, #tpu.memory_space<vmem>>, vector<128x128xf32>
    %dot_general3A_35 = arith.constant dense<0.000000e+00> : vector<1x128xf32>
    %dot_general3A_36 = tpu.matmul %get3A_31, %get3A_34, %dot_general3A_35 {dimension_numbers = #tpu.dot_dimension_numbers<[1], [0], [0], [1], [0, 0, 1, 1], [], []>, transpose_lhs_hint = false} : vector<1x128xf32>, vector<128x128xf32>, vector<1x128xf32> -> vector<1x128xf32>
    %get3A_37 = arith.constant 0 : index
    %get3A_38 = arith.constant 0 : index
    %get3A_39 = vector.load %arg10[%get3A_37, %get3A_38] : memref<1x128xf32, #tpu.memory_space<vmem>>, vector<1x128xf32>
    %add3A_40 = arith.addf %dot_general3A_36, %get3A_39 : vector<1x128xf32>
    %get3A_41 = arith.constant 0 : index
    %get3A_42 = arith.constant 0 : index
    %get3A_43 = vector.load %arg6[%get3A_41, %get3A_42] : memref<128x128xf32, #tpu.memory_space<vmem>>, vector<128x128xf32>
    %dot_general3A_44 = arith.constant dense<0.000000e+00> : vector<10000x128xf32>
    %dot_general3A_45 = tpu.matmul %add3A_18, %get3A_43, %dot_general3A_44 {dimension_numbers = #tpu.dot_dimension_numbers<[1], [0], [0], [1], [0, 0, 1, 1], [], []>, transpose_lhs_hint = false} : vector<10000x128xf32>, vector<128x128xf32>, vector<10000x128xf32> -> vector<10000x128xf32>
    %add3A_46 = vector.broadcast %add3A_40 : vector<1x128xf32> to vector<10000x128xf32>
    %add3A_47 = arith.addf %dot_general3A_45, %add3A_46 : vector<10000x128xf32>
    %swap3A_48 = arith.constant 0 : index
    %swap3A_49 = arith.constant 0 : index
    %swap3A_50 = vector.load %arg13[%swap3A_48, %swap3A_49] : memref<10000x128xf32, #tpu.memory_space<vmem>>, vector<10000x128xf32>
    tpu.vector_store %arg13[%swap3A_48, %swap3A_49], %add3A_47 {strides = array<i32>} : memref<10000x128xf32, #tpu.memory_space<vmem>>, vector<10000x128xf32>,
    %get3A_51 = arith.constant 0 : index
    %get3A_52 = arith.constant 0 : index
    %get3A_53 = vector.load %arg8[%get3A_51, %get3A_52] : memref<16x128xf32, #tpu.memory_space<vmem>>, vector<16x128xf32>
    %get3A_54 = arith.constant 0 : index
    %get3A_55 = arith.constant 0 : index
    %get3A_56 = vector.load %arg7[%get3A_54, %get3A_55] : memref<128x128xf32, #tpu.memory_space<vmem>>, vector<128x128xf32>
    %dot_general3A_57 = arith.constant dense<0.000000e+00> : vector<16x128xf32>
    %dot_general3A_58 = tpu.matmul %get3A_53, %get3A_56, %dot_general3A_57 {dimension_numbers = #tpu.dot_dimension_numbers<[1], [0], [0], [1], [0, 0, 1, 1], [], []>, transpose_lhs_hint = false} : vector<16x128xf32>, vector<128x128xf32>, vector<16x128xf32> -> vector<16x128xf32>
    %swap3A_59 = arith.constant 0 : index
    %swap3A_60 = arith.constant 0 : index
    %swap3A_61 = vector.load %arg14[%swap3A_59, %swap3A_60] : memref<16x128xf32, #tpu.memory_space<vmem>>, vector<16x128xf32>
    tpu.vector_store %arg14[%swap3A_59, %swap3A_60], %dot_general3A_58 {strides = array<i32>} : memref<16x128xf32, #tpu.memory_space<vmem>>, vector<16x128xf32>,
    return
  }
}

module attributes {stable_mosaic.version = 14 : i64} {
  func.func @_edgec_body(%arg0: i32, %arg1: memref<8000x9xf32, #tpu.memory_space<vmem>>, %arg2: memref<16x128xf32, #tpu.memory_space<vmem>>, %arg3: memref<8000x128xf32, #tpu.memory_space<vmem>>) attributes {dimension_semantics = [#tpu.dimension_semantics<arbitrary>], iteration_bounds = array<i64: 40>, scalar_prefetch = 0 : i64, scratch_operands = 0 : i64, tpu.core_type = #tpu.core_type<tc>, window_params = [{transform_indices = @transform_0, window_bounds = array<i64: 8000, 9>}, {pipeline_mode = #tpu.pipeline_mode<synchronous>, transform_indices = @transform_1, window_bounds = array<i64: 16, 128>}, {transform_indices = @transform_2, window_bounds = array<i64: 8000, 128>}]} {
    %get3A = arith.constant 0 : index
    %get3A_0 = arith.constant 0 : index
    %get3A_1 = vector.load %arg1[%get3A, %get3A_0] : memref<8000x9xf32, #tpu.memory_space<vmem>>, vector<8000x9xf32>
    %get3A_2 = arith.constant 0 : index
    %get3A_3 = arith.constant 0 : index
    %get3A_4 = vector.load %arg2[%get3A_2, %get3A_3] : memref<16x128xf32, #tpu.memory_space<vmem>>, vector<9x128xf32>
    %dot_general3A = arith.constant dense<0.000000e+00> : vector<8000x128xf32>
    %dot_general3A_5 = tpu.matmul %get3A_1, %get3A_4, %dot_general3A {dimension_numbers = #tpu.dot_dimension_numbers<[1], [0], [0], [1], [0, 0, 1, 1], [], []>, transpose_lhs_hint = false} : vector<8000x9xf32>, vector<9x128xf32>, vector<8000x128xf32> -> vector<8000x128xf32>
    %swap3A = arith.constant 0 : index
    %swap3A_6 = arith.constant 0 : index
    %swap3A_7 = vector.load %arg3[%swap3A, %swap3A_6] : memref<8000x128xf32, #tpu.memory_space<vmem>>, vector<8000x128xf32>
    tpu.vector_store %arg3[%swap3A, %swap3A_6], %dot_general3A_5 {strides = array<i32>} : memref<8000x128xf32, #tpu.memory_space<vmem>>, vector<8000x128xf32>,
    return
  }
  func.func @transform_0(%arg0: i32) -> (i32, i32) {
    %c0_i32 = arith.constant 0 : i32
    %c0_i32_0 = arith.constant 0 : i32
    return %arg0, %c0_i32 : i32, i32
  }
  func.func @transform_1(%arg0: i32) -> (i32, i32) {
    %c0_i32 = arith.constant 0 : i32
    %c0_i32_0 = arith.constant 0 : i32
    %c0_i32_1 = arith.constant 0 : i32
    return %c0_i32, %c0_i32_0 : i32, i32
  }
  func.func @transform_2(%arg0: i32) -> (i32, i32) {
    %c0_i32 = arith.constant 0 : i32
    %c0_i32_0 = arith.constant 0 : i32
    return %arg0, %c0_i32 : i32, i32
  }
}

module attributes {stable_mosaic.version = 14 : i64} {
  func.func @_final_body(%arg0: memref<10000x128xf32, #tpu.memory_space<vmem>>, %arg1: memref<2x5120x128xf32, #tpu.memory_space<vmem>>, %arg2: memref<128x128xf32, #tpu.memory_space<vmem>>, %arg3: memref<128x128xf32, #tpu.memory_space<vmem>>, %arg4: memref<1x128xf32, #tpu.memory_space<vmem>>, %arg5: memref<10000x128xf32, #tpu.memory_space<vmem>>) attributes {dimension_semantics = [], scalar_prefetch = 0 : i64, scratch_operands = 0 : i64, tpu.core_type = #tpu.core_type<tc>} {
    %get3A = arith.constant 0 : index
    %get3A_0 = arith.constant 0 : index
    %get3A_1 = arith.constant 0 : index
    %get3A_2 = vector.load %arg1[%get3A, %get3A_0, %get3A_1] : memref<2x5120x128xf32, #tpu.memory_space<vmem>>, vector<1x5000x128xf32>
    %get3A_3 = vector.shape_cast %get3A_2 : vector<1x5000x128xf32> to vector<5000x128xf32>
    %get3A_4 = arith.constant 1 : index
    %get3A_5 = arith.constant 0 : index
    %get3A_6 = arith.constant 0 : index
    %get3A_7 = vector.load %arg1[%get3A_4, %get3A_5, %get3A_6] : memref<2x5120x128xf32, #tpu.memory_space<vmem>>, vector<1x5000x128xf32>
    %get3A_8 = vector.shape_cast %get3A_7 : vector<1x5000x128xf32> to vector<5000x128xf32>
    %concatenate3A = tpu.concatenate %get3A_3, %get3A_8 in 0 : vector<5000x128xf32>, vector<5000x128xf32> -> vector<10000x128xf32>
    %get3A_9 = arith.constant 0 : index
    %get3A_10 = arith.constant 0 : index
    %get3A_11 = vector.load %arg0[%get3A_9, %get3A_10] : memref<10000x128xf32, #tpu.memory_space<vmem>>, vector<10000x128xf32>
    %get3A_12 = arith.constant 0 : index
    %get3A_13 = arith.constant 0 : index
    %get3A_14 = vector.load %arg2[%get3A_12, %get3A_13] : memref<128x128xf32, #tpu.memory_space<vmem>>, vector<128x128xf32>
    %dot_general3A = arith.constant dense<0.000000e+00> : vector<10000x128xf32>
    %dot_general3A_15 = tpu.matmul %get3A_11, %get3A_14, %dot_general3A {dimension_numbers = #tpu.dot_dimension_numbers<[1], [0], [0], [1], [0, 0, 1, 1], [], []>, transpose_lhs_hint = false} : vector<10000x128xf32>, vector<128x128xf32>, vector<10000x128xf32> -> vector<10000x128xf32>
    %get3A_16 = arith.constant 0 : index
    %get3A_17 = arith.constant 0 : index
    %get3A_18 = vector.load %arg3[%get3A_16, %get3A_17] : memref<128x128xf32, #tpu.memory_space<vmem>>, vector<128x128xf32>
    %dot_general3A_19 = arith.constant dense<0.000000e+00> : vector<10000x128xf32>
    %dot_general3A_20 = tpu.matmul %concatenate3A, %get3A_18, %dot_general3A_19 {dimension_numbers = #tpu.dot_dimension_numbers<[1], [0], [0], [1], [0, 0, 1, 1], [], []>, transpose_lhs_hint = false} : vector<10000x128xf32>, vector<128x128xf32>, vector<10000x128xf32> -> vector<10000x128xf32>
    %add3A = arith.addf %dot_general3A_15, %dot_general3A_20 : vector<10000x128xf32>
    %get3A_21 = arith.constant 0 : index
    %get3A_22 = arith.constant 0 : index
    %get3A_23 = vector.load %arg4[%get3A_21, %get3A_22] : memref<1x128xf32, #tpu.memory_space<vmem>>, vector<1x128xf32>
    %add3A_24 = vector.broadcast %get3A_23 : vector<1x128xf32> to vector<10000x128xf32>
    %add3A_25 = arith.addf %add3A, %add3A_24 : vector<10000x128xf32>
    %swap3A = arith.constant 0 : index
    %swap3A_26 = arith.constant 0 : index
    %swap3A_27 = vector.load %arg5[%swap3A, %swap3A_26] : memref<10000x128xf32, #tpu.memory_space<vmem>>, vector<10000x128xf32>
    tpu.vector_store %arg5[%swap3A, %swap3A_26], %add3A_25 {strides = array<i32>} : memref<10000x128xf32, #tpu.memory_space<vmem>>, vector<10000x128xf32>,
    return
  }
}

</mosaic_0001>

<sc_bundles>
// kernel: kernel.6.cloned.1.call-start
scs
__scs_entry_jumppad:
0x0: {  	(pc) =	sbr.rel $0x88, $3  }
0x1: {  	(tag) =	ssettag $0x0;
	lr =	simm.s32 $0x1  }
0x2: {  	[smem:$0x3F95] =	sst lr;
	_ =	strace $0xD0000000  }
0x3: {  	_ = 	snop  }
0x4: {  	_ = 	snop  }
0x5: {  	_ = 	snop  }
0x6: {  	_ = 	snop  }
0x7: {  	_ = 	snop  }
__scs_overlays_trampoline_lowered:
0x8: {  	[smem:$0x3FA4] =	sst s0  }
0x9: {  	[smem:$0x3FA5] =	sst s1  }
0xa: {  	[smem:$0x3FA6] =	sst s2  }
0xb: {  	[smem:$0x3FA7] =	sst s3  }
0xc: {  	[smem:$0x3FA8] =	sst s4  }
0xd: {  	[smem:$0x3FA9] =	sst s5  }
0xe: {  	[smem:$0x3FAA] =	sst s6  }
0xf: {  	[smem:$0x3FAB] =	sst s7  }
0x10: {  	[smem:$0x3FAC] =	sst s8  }
0x11: {  	[smem:$0x3FAD] =	sst s9;
	s0 =	simm.s32 @!p0 $0x0  }
0x12: {  	s1 =	sld [smem:$0x3F93];
	s0 =	simm.s32 @p0 $0x1  }
0x13: {  	[smem:$0x3FAE] =	sst s0;
	s0 =	simm.s32 @!p1 $0x0  }
0x14: {  	s2 =	sld [smem:$0x3F92];
	s0 =	simm.s32 @p1 $0x1  }
0x15: {  	[smem:$0x3FAF] =	sst s0;
	s0 =	simm.s32 @!p2 $0x0  }
0x16: {  	s3 =	sld [smem:$0x3FDB];
	s0 =	simm.s32 @p2 $0x1  }
0x17: {  	s4 =	simm.s32 $0x1BF5;
	[smem:$0x3FB1] =	sst s0  }
0x18: {  	s0 =	sld [smem:$0x3F94];
	_ =	swait.ge [sflag:s4], $0x0  }
0x19: {  	s7 =	sld [smem:$0x3F95]  }
0x1a: {  	s8 =	sadd.s32 $0xFFFFE003, lr  }
0x1b: {  	s9 =	sadd.s32 $0xFFFFFEF7, lr;
	s5 =	simm.s32 $0xFFFFFFFF;
	p2 =	slt.u32 s8, $0xFFFFF086  }
0x1c: {  	p1 =	slt.u32 s9, $0xF7A;
	s5 =	simm.s32 @!p2 $0x0  }
0x1d: {  	s5 =	simm.s32 @p1 $0x1;
	p0 =	seq.s32 s7, s2  }
0x1e: {  	s7 =	smul.u32 @!p0 $0xF7A, s2;
	p2 =	seq.s32 @!p0 s5, $0x0  }
0x1f: {  	s9 =	smul.u32 $0xF7A, s1;
	s8 =	simm.s32 @!p0 $0x1BF5;
	p2 =	por !p2, p0  }
0x20: {  	[sflag:s8] =	ssyncset.s32 @!p0 $0xFFFFF086;
	s6 =	sadd.s32 @!p0 s3, s7;
	s7 =	simm.s32 @!p0 $0x108  }
0x21: {  	s3 =	sadd.s32 s3, s9;
	s6 =	sadd.s32 @!p0 $0x88, s6;
	s7 =	simm.s32 @p2 $0x1082  }
0x22: {  	[simem:s7], [sflag:s8] =	dma.local @!p0 [hbm:s6], $0xF7A  }
0x23: {  	s9 =	sor.u32 $0xD0000000, s2;
	s6 =	simm.s32 $0x108;
	_ =	swait.ge @!p0 [sflag:s8], $0x0  }
0x24: {  	s3 =	sadd.s32 $0x88, s3;
	s6 =	simm.s32 @!p1 $0x1082;
	[sflag:s4] =	ssyncset.s32 $0xFFFFF086  }
0x25: {  	[simem:s6], [sflag:s4] =	dma.local [hbm:s3], $0xF7A  }
0x26: {  	[smem:$0x3F95] =	sst s1;
	(tag) =	ssettag s2;
	_ =	strace s9  }
0x27: {  	s1 =	sld [smem:$0x3FA5]  }
0x28: {  	s2 =	sld [smem:$0x3FA6]  }
0x29: {  	s4 =	sld [smem:$0x3FA8]  }
0x2a: {  	p0 =	seq.s32 s5, $0x0;
	s5 =	sld [smem:$0x3FA9]  }
0x2b: {  	s6 =	sld [smem:$0x3FAA]  }
0x2c: {  	s7 =	sld [smem:$0x3FAB]  }
0x2d: {  	s3 =	simm.s32 $0x108;
	s8 =	sld [smem:$0x3FAC]  }
0x2e: {  	s3 =	simm.s32 @!p0 $0x1082;
	s9 =	sld [smem:$0x3FAD]  }
0x2f: {  	lr =	sadd.s32 s0, s3;
	s0 =	sld [smem:$0x3FA4]  }
0x30: {  	s3 =	sld [smem:$0x3FA7]  }
0x31: {  	[smem:$0x3FB0] =	sst s10  }
0x32: {  	s10 =	sld [smem:$0x3FAE];
	_ =	sdelay $0x3  }
0x33: {  	p0 =	seq.s32 s10, $0x1;
	s10 =	sld [smem:$0x3FB0];
	_ =	sdelay $0x3  }
0x34: {  	[smem:$0x3FB0] =	sst s10  }
0x35: {  	s10 =	sld [smem:$0x3FAF];
	_ =	sdelay $0x3  }
0x36: {  	p1 =	seq.s32 s10, $0x1;
	s10 =	sld [smem:$0x3FB0];
	_ =	sdelay $0x3  }
0x37: {  	[smem:$0x3FB0] =	sst s10  }
0x38: {  	s10 =	sld [smem:$0x3FB1]  }
0x39: {  	_ = 	snop;
	(pc) =	sbr.ind lr, $3  }
0x3a: {  	_ = 	snop  }
0x3b: {  	_ = 	snop  }
0x3c: {  	p2 =	seq.s32 s10, $0x1;
	s10 =	sld [smem:$0x3FB0]  }
0x3d: {  	_ =	shalt  }
0x3e: {  	_ =	shalt  }
0x3f: {  	_ =	shalt  }
0x40: {  	_ =	shalt  }
0x41: {  	_ =	shalt  }
0x42: {  	_ =	shalt  }
0x43: {  	_ =	shalt  }
0x44: {  	_ =	shalt  }
0x45: {  	_ =	shalt  }
0x46: {  	_ =	shalt  }
0x47: {  	_ =	shalt  }
0x48: {  	_ =	shalt  }
0x49: {  	_ =	shalt  }
0x4a: {  	_ =	shalt  }
0x4b: {  	_ =	shalt  }
0x4c: {  	_ =	shalt  }
0x4d: {  	_ =	shalt  }
0x4e: {  	_ =	shalt  }
0x4f: {  	_ =	shalt  }
0x50: {  	_ =	shalt  }
0x51: {  	_ =	shalt  }
0x52: {  	_ =	shalt  }
0x53: {  	_ =	shalt  }
0x54: {  	_ =	shalt  }
0x55: {  	_ =	shalt  }
0x56: {  	_ =	shalt  }
0x57: {  	_ =	shalt  }
0x58: {  	_ =	shalt  }
0x59: {  	_ =	shalt  }
0x5a: {  	_ =	shalt  }
0x5b: {  	_ =	shalt  }
0x5c: {  	_ =	shalt  }
0x5d: {  	_ =	shalt  }
0x5e: {  	_ =	shalt  }
0x5f: {  	_ =	shalt  }
0x60: {  	_ =	shalt  }
0x61: {  	_ =	shalt  }
0x62: {  	_ =	shalt  }
0x63: {  	_ =	shalt  }
0x64: {  	_ =	shalt  }
0x65: {  	_ =	shalt  }
0x66: {  	_ =	shalt  }
0x67: {  	_ =	shalt  }
0x68: {  	_ =	shalt  }
0x69: {  	_ =	shalt  }
0x6a: {  	_ =	shalt  }
0x6b: {  	_ =	shalt  }
0x6c: {  	_ =	shalt  }
0x6d: {  	_ =	shalt  }
0x6e: {  	_ =	shalt  }
0x6f: {  	_ =	shalt  }
0x70: {  	_ =	shalt  }
0x71: {  	_ =	shalt  }
0x72: {  	_ =	shalt  }
0x73: {  	_ =	shalt  }
0x74: {  	_ =	shalt  }
0x75: {  	_ =	shalt  }
0x76: {  	_ =	shalt  }
0x77: {  	_ =	shalt  }
0x78: {  	_ =	shalt  }
0x79: {  	_ =	shalt  }
0x7a: {  	_ =	shalt  }
0x7b: {  	_ =	shalt  }
0x7c: {  	_ =	shalt  }
0x7d: {  	_ =	shalt  }
0x7e: {  	_ =	shalt  }
0x7f: {  	_ =	shalt  }
0x80: {  	_ =	shalt  }
0x81: {  	_ =	shalt  }
0x82: {  	_ =	shalt  }
0x83: {  	_ =	shalt  }
0x84: {  	_ =	shalt  }
0x85: {  	_ =	shalt  }
0x86: {  	_ =	shalt  }
0x87: {  	_ =	shalt  }
.Lfunc_end0:
.L_simem_size_0:
called_computation_lowered:
.L_overlay_start_0:
0x88: {  	s2 =	sld [smem:$0x3FD9]  }
0x89: {  	s3 =	sld [smem:$0x3FFE];
	_ =	sdelay $0x1  }
0x8a: {  	s1 =	srdreg.scid  }
0x8b: {  	s0 =	sand.u32 $0x1, s1  }
0x8c: {  	s16 =	sshll.u32 s0, $0xA;
	s2 =	sadd.s32 s3, s2  }
0x8d: {  	s2 =	sadd.s32 s2, s16  }
0x8e: {  	[smem:$0x3FBC] =	sst s2  }
0x8f: {  	_ = 	snop  }
0x90: {  	(tm) =	ssettm $0x1  }
0x91: {  	s17 =	sld [smem:$0x3FFB];
	_ =	sdelay $0x3  }
0x92: {  	_ =	strace s17  }
0x93: {  	s2 =	sld [smem:$0x3FFC];
	_ =	sdelay $0x3  }
0x94: {  	_ =	strace s2  }
0x95: {  	s2 =	sld [smem:$0x3FFD];
	_ =	sdelay $0x3  }
0x96: {  	_ =	strace s2  }
0x97: {  	_ =	strace $0x8FFFFFFF  }
0x98: {  	s18 =	sld [smem:$0x3FDB];
	_ =	sdelay $0x1  }
0x99: {  	s19 =	simm.s32 $_scs_section_size  }
0x9a: {  	s4 =	simm.s32 $_size__tile_overlayer_lowered;
	s5 =	simm.s32 $_tile_overlayer_lowered  }
0x9b: {  	s22 =	simm.s32 $0x1BFF;
	s21 =	sshll.u32 s5, $0x1;
	s2 =	sadd.s32 s19, s18  }
0x9c: {  	s6 =	simm.s32 $0x0;
	s20 =	sshll.u32 s4, $0x1;
	s4 =	sadd.s32 s21, s2  }
0x9d: {  	[timem:s6], [sflag:s22] =	dma.local [hbm:s4], s20  }
0x9e: {  	_ =	swait.ge [sflag:s22], s20  }
0x9f: {  	s3 =	ssub.s32 $0x0, s20;
	[sflag:s22] =	ssyncset.done $0x0  }
0xa0: {  	[sflag:s22] =	ssyncadd.s32 s3;
	_ =	sdelay $0x1  }
0xa1: {  	s23 =	simm.s32 $0x1B8B  }
0xa2: {  	_ =	swait.ge [sflag:s23], $0x1  }
0xa3: {  	[sflag:s23] =	ssyncset.done $0x0  }
0xa4: {  	s25 =	simm.s32 $0x1B8E;
	s24 =	sld [smem:$0x3FFE];
	[sflag:s23] =	ssyncadd.s32 $0xFFFFFFFF  }
0xa5: {  	s26 =	simm.s32 $execute0_lowered;
	[smem:$0x3FD2] =	sst s25  }
0xa6: {  	s4 =	sshll.u32 s26, $0x1;
	_ =	strace $0x80000046;
	[dreg:$0x1] =	wrdreg $0xFFFFFFFF  }
0xa7: {  	s28 =	simm.s32 $_size_execute0_lowered;
	s2 =	sadd.s32 s2, s4;
	[dreg:$0x0] =	wrdreg $0x0  }
0xa8: {  	s4 =	sshll.u32 s28, $0x1;
	[dreg:$0x2] =	wrdreg s2  }
0xa9: {  	[dreg:$0x3] =	wrdreg s4  }
0xaa: {  	[dreg:$0x4] =	wrdreg $0xC0  }
0xab: {  	_ =	task [dreg:s6], $0x5FFFF  }
0xac: {  	[dreg:$0x1] =	wrdreg $0xFFFFFFFF  }
0xad: {  	[dreg:$0x0] =	wrdreg $0x60  }
0xae: {  	[dreg:$0x2] =	wrdreg s24  }
0xaf: {  	[dreg:$0x3] =	wrdreg $0x12E800  }
0xb0: {  	[dreg:$0x4] =	wrdreg $0x9  }
0xb1: {  	_ =	task.clear_ibuf [dreg:s6], $0x5FFFF;
	_ =	strace $0x90000046  }
0xb2: {  	s29 =	simm.s32 $0x9;
	_ =	strace $0x80000048  }
0xb3: {  	_ =	swait.ge [sflag:s29], $0x1  }
0xb4: {  	[sflag:s29] =	ssyncadd.s32 $0xFFFFFFFF  }
0xb5: {  	_ =	strace $0x90000048  }
0xb6: {  	_ =	sfence  }
0xb7: {  	s30 =	sld [smem:$0x0];
	_ =	sdelay $0x2  }
0xb8: {  	s31 =	sshll.u32 s1, $0xD;
	s1 =	sshrl.u32 s1, $0x2  }
0xb9: {  	s3 =	sand.u32 $0x4000, s31;
	s1 =	sadd.s32 s1, s30  }
0xba: {  	s0 =	sor.u32 s3, s0;
	s1 =	sshll.u32 s1, $0x11  }
0xbb: {  	s0 =	sor.u32 s1, s0  }
0xbc: {  	s0 =	sadd.s32 $0x8F2B, s0  }
0xbd: {  	[sflag:s0] =	ssyncadd.remote.s32 $0x1  }
0xbe: {  	_ =	sfence.sel $0xFFFF  }
0xbf: {  	[dreg:$0x0] =	wrdreg $0xFFFFFFFF;
	(pc) =	sbr.abs _section_cstart, $3  }
0xc0: {  	[dreg:$0x1] =	wrdreg $0xFFFFFFFF  }
0xc1: {  	_ =	task.clear_ibuf [dreg:s6], $0x2FFFF;
	_ =	strace $0x9FFFFFFF  }
0xc2: {  	(tm) =	ssettm $0x7FFFFFFF  }
0xc3: {  	_ =	shalt  }
tec
execute0_lowered:
.L_overlay_start_1:
0x0: {  	(tag) =	ssettag $0x1  }
0x1: {  	s0 =	rddreg [dreg:$0x0]  }
0x2: {  	s1 =	rddreg [dreg:$0x1]  }
0x3: {  	s3 =	simm.s32 $0x0;
	s14 =	stileid.u32;
	s2 =	srdreg.scid  }
0x4: {  	s15 =	simm.s32 $0x9;
	s16 =	simm.s32 $0x800;
	s17 =	simm.s32 $0x1000  }
0x5: {  	s18 =	simm.s32 $0x1880;
	s19 =	simm.s32 $0x2100;
	s20 =	simm.s32 $0x1  }
0x6: {  	s21 =	simm.s32 $0x2;
	s22 =	simm.s32 $0x3;
	s28 =	simm.s32 $0x6  }
0x7: {  	s29 =	simm.s32 $0x7;
	s30 =	simm.s32 $0xAD80;
	s31 =	simm.s32 $0x10E80  }
0x8: {  	[smem:$0x7FF] =	sst s3;
	s4 =	sadd.s32 $0x4F7E00, s0;
	s5 =	sadd.s32 $0x51F000, s0  }
0x9: {  	s9 =	smul.u32 $0xA000, s14;
	s2 =	sand.u32 $0x1, s2;
	s6 =	sadd.s32 $0x546200, s0  }
0xa: {  	s7 =	sadd.s32 $0x4EE000, s0;
	s8 =	sadd.s32 $0x4E4200, s0;
	s12 =	smul.u32 $0x28000, s14  }
0xb: {  	s25 =	sshll.u32 s14, $0x6;
	_ =	strace $0x80000047;
	s10 =	smul.u32 $0xA0000, s2  }
0xc: {  	s23 =	ssub.s32 $0x2, s2;
	s2 =	smul.u32 $0x1388, s2;
	s11 =	sshrl.u32 s9, $0x3  }
0xd: {  	s13 =	sshrl.u32 s23, $0x1;
	s12 =	sshrl.u32 s12, $0x2;
	s11 =	sadd.s32 s11, s0  }
0xe: {  	s9 =	sadd.s32 s9, s10;
	s10 =	ssub.s32 s23, s13;
	s12 =	sadd.s32 s12, s1  }
0xf: {  	s23 =	simm.s32 $0x40;
	s9 =	sshrl.u32 s9, $0x3;
	s24 =	sadd.s32 $0x2200, s11  }
.Ltmp0:
0x10: {  	v0 =	vlaneseq.u32;
	s26 =	smax.u32 s10, $0x1;
	[dreg:$0x3] =	wrdreg s24;
	(pc) =	sbr.rel .LBB2_1-.Ltmp0, $4  }
0x11: {  	v2 =	vor.u32 $0x10, v0;
	s11 =	sor.u32 $0x1C09, s25;
	s9 =	sadd.s32 s9, s0;
	[dreg:$0x6] =	wrdreg s26  }
0x12: {  	[tilespmem:$0x1FFD0] =	vst v2;
	v2 =	vor.u32 $0x20, v0;
	s25 =	simm.s32 $0x8C00;
	[dreg:$0x4] =	wrdreg s11;
	s9 =	sadd.s32 $0x16200, s9  }
0x13: {  	[tilespmem:$0x1FFE0] =	vst v2;
	v2 =	vor.u32 $0x30, v0;
	s0 =	smul.u32 $0x4E20, s14;
	[dreg:$0x5] =	wrdreg s9;
	s9 =	sshrl.u32 s12, $0x3  }
0x14: {  	v1 =	vimm.s32 $0x0;
	v27 =	vimm.f32 $0.0e+00;
	v59 =	vmov s2;
	[tilespmem:$0x1FFF0] =	vst v2;
	s24 =	simm.s32 $0x2B00;
	s26 =	simm.s32 $0x5;
	[dreg:$0x7] =	wrdreg s9  }
.LBB2_14:
0x15: {  	[bflag:$0x0] =	sbarrier.arrive $0xFFFF  }
0x16: {  	s11 =	rddreg [dreg:$0x4]  }
0x17: {  	s2 =	rddreg [dreg:$0x5]  }
0x18: {  	s9 =	rddreg [dreg:$0x7]  }
0x19: {  	[hbm:s2], [sflag:s11] =	dma.local [spmem:s9], $0x1400  }
0x1a: {  	_ =	swait.ge [sflag:s15], $0x1400  }
0x1b: {  	s3 =	sadd.s32 $0x1, s3;
	s14 =	rddreg [dreg:$0x6]  }
0x1c: {  	p0 =	sne.s32 s3, s14  }
.Ltmp1:
0x1d: {  	_ = 	snop;
	(pc) =	sbr.rel @!p0 .LBB2_15-.Ltmp1, $3  }
0x1e: {  	_ =	sdelay $0x1  }
0x1f: {  	[sflag:s15] =	ssyncset.done $0x0  }
0x20: {  	[sflag:s15] =	ssyncadd.s32 $0xFFFFEC00  }
.LBB2_1:
0x21: {  	s2 =	rddreg [dreg:$0x3]  }
0x22: {  	[spmem:s9], [sflag:s11] =	dma.local [hbm:s2], $0x1400  }
.Ltmp2:
0x23: {  	_ =	swait.ge [sflag:s15], $0x1400;
	(pc) =	sbr.rel .LBB2_2-.Ltmp2, $4  }
0x24: {  	[sflag:s15] =	ssyncset.done $0x0  }
0x25: {  	[sflag:s15] =	ssyncadd.s32 $0xFFFFEC00  }
0x26: {  	[bflag:$0x0] =	sbarrier.arrive $0xFFFF  }
0x27: {  	s11 =	smov.u32 s0;
	s2 =	simm.s32 $0x0  }
.LBB2_13:
0x28: {  	s10 =	sadd.s32 $0xFFFFFF80, s12  }
0x29: {  	v0 =	vmov s10  }
0x2a: {  	vm0 =	vlt.s32 v0, v28  }
0x2b: {  	v0 =	vsel vm0, $0x3F800000, v27  }
0x2c: {  	(xrf0) =	vmax.scan.msk.f32 $0xffff, v0;
	_ =	sdelay $0x5  }
0x2d: {  	v0, _, _ =	vpop (xrf0)  }
0x2e: {  	(v2sf) =	vpush v0, $0xF;
	_ =	sdelay $0xe  }
0x2f: {  	p0 =	slt.s32 s9, $0x1;
	s9 =	spop (v2sf)  }
0x30: {  	p1 =	sgt.f32 @!p0 s9, $0.0e+00  }
0x31: {  	s14 =	sor.u32 $0x40, s10  }
0x32: {  	v0 =	vmov s14;
	p1 =	por !p1, p0  }
0x33: {  	vm15 =	vlt.s32 v0, v28;
	s9 =	simm.s32 @!p1 $0x4  }
0x34: {  	v0 =	vsel vm15, $0x3F800000, v27;
	_ =	swait.ge @!p1 [sflag:s9], $0x2000  }
0x35: {  	(xrf0) =	vmax.scan.msk.f32 $0xffff, v0;
	_ =	sdelay $0x5  }
0x36: {  	v0, _, _ =	vpop (xrf0)  }
0x37: {  	(v2sf) =	vpush v0, $0xF;
	_ =	sdelay $0xe  }
0x38: {  	s10 =	spop (v2sf)  }
0x39: {  	s2 =	sadd.s32 $0x1, s2;
	[sflag:s9] =	ssyncset.done @!p1 $0x0;
	p2 =	sgt.f32 @!p0 s10, $0.0e+00  }
0x3a: {  	[sflag:s9] =	ssyncadd.s32 @!p1 $0xFFFFE000;
	p1 =	sne.s32 s2, $0xA  }
.Ltmp3:
0x3b: {  	p0 =	por !p2, p0;
	(pc) =	sbr.rel @!p1 .LBB2_14-.Ltmp3, $4  }
0x3c: {  	s9 =	simm.s32 @!p0 $0x8  }
0x3d: {  	_ =	swait.ge @!p0 [sflag:s9], $0x2000  }
0x3e: {  	[sflag:s9] =	ssyncset.done @!p0 $0x0  }
0x3f: {  	s11 =	sadd.s32 $0x7D0, s11;
	v1 =	vimm.s32 $0x0;
	v0 =	vlaneseq.u32;
	[sflag:s9] =	ssyncadd.s32 @!p0 $0xFFFFE000  }
.LBB2_2:
0x40: {  	s9 =	smul.u32 $0x7D0, s2;
	_ =	sdelay $0x1  }
0x41: {  	s9 =	sadd.s32 s0, s9  }
0x42: {  	s9 =	sshrl.u32 s9, $0x3  }
0x43: {  	s12 =	simm.s32 $0x0;
	s10 =	sadd.s32 s7, s9  }
0x44: {  	[tilespmem:s12], [sflag:$0x9] =	stream.linear.gather [hbm4b:s10+s12], $0x7D0, $0x38;
	[tilespmem:$0x1CE80] =	vst v63  }
0x45: {  	_ =	swait.ge [sflag:s15], $0x7D0  }
0x46: {  	[sflag:s15] =	ssyncset.done $0x0  }
0x47: {  	s9 =	sadd.s32 s8, s9;
	[sflag:s15] =	ssyncadd.s32 $0xFFFFF830  }
0x48: {  	[tilespmem:s16], [sflag:$0x9] =	stream.linear.gather [hbm4b:s9+s12], $0x7D0, $0x38;
	[tilespmem:$0x1CE80] =	vst v63  }
0x49: {  	_ =	swait.ge [sflag:s15], $0x7D0  }
0x4a: {  	[sflag:s15] =	ssyncset.done $0x0  }
0x4b: {  	s13 =	simm.s32 $0x0;
	[sflag:s15] =	ssyncadd.s32 $0xFFFFF830  }
0x4c: {  	v8 =	vld [tilespmem:s13+$0x800];
	_ =	sdelay $0x4  }
0x4d: {  	v8 =	vsub.s32 v8, v59  }
0x4e: {  	vm0 =	vlt.u32 v8, $0x1388  }
0x4f: {  	v9 =	vsel vm0, $0x1, v1  }
0x50: {  	(xrf0) =	vadd.scan.msk.s32 $0xffff, v9;
	_ =	sdelay $0x5  }
0x51: {  	v10, _, _ =	vpop (xrf0)  }
0x52: {  	v11 =	vimm.s32 $0x0;
	v9 =	vsub.s32 v10, v9  }
0x53: {  	v10 =	vld [tilespmem:s13+$0x0];
	v9 =	vadd.s32 v11, v9;
	_ =	sdelay $0x4  }
0x54: {  	[tilespmem:v9+s17+$0x0] =	vst.idx.msk vm0, v10  }
0x55: {  	v10 =	vmpcnt.ones.xlane vm0;
	[tilespmem:v9+s18+$0x0] =	vst.idx.msk vm0, v8;
	v8 =	vor.u32 s11, v0  }
0x56: {  	s14 =	simm.s32 $0x10;
	[tilespmem:v9+s19+$0x0] =	vst.idx.msk vm0, v8  }
0x57: {  	v8 =	vadd.s32 v11, v10;
	v11 =	vld [tilespmem:s14+$0x800]  }
0x58: {  	s10 =	simm.s32 $0x80;
	s9 =	smov.u32 s11;
	v10 =	vld [tilespmem:s14+$0x0];
	v9 =	vmov v8  }
.LBB2_3:
0x59: {  	p0 =	sne.s32 s10, $0x1F00;
	_ =	sdelay $0x2  }
0x5a: {  	v11 =	vsub.s32 v11, v59  }
0x5b: {  	vm0 =	vlt.u32 v11, $0x1388  }
0x5c: {  	v12 =	vsel vm0, $0x1, v1;
	v13 =	vmpcnt.ones.xlane vm0  }
0x5d: {  	(xrf0) =	vadd.scan.msk.s32 $0xffff, v12  }
0x5e: {  	v8 =	vadd.s32 v8, v13;
	_ =	sdelay $0x4  }
0x5f: {  	v13, _, _ =	vpop (xrf0)  }
0x60: {  	v12 =	vsub.s32 v13, v12  }
0x61: {  	v12 =	vadd.s32 v9, v12;
	v9 =	vmov v8;
	_ =	sdelay $0x4  }
.Ltmp4:
0x62: {  	s9 =	sadd.s32 $0x10, s9;
	[tilespmem:v12+s17+$0x0] =	vst.idx.msk vm0, v10;
	(pc) =	sbr.rel @p0 .LBB2_3-.Ltmp4, $4  }
0x63: {  	v10 =	vor.u32 s9, v0;
	[tilespmem:v12+s18+$0x0] =	vst.idx.msk vm0, v11  }
0x64: {  	s12 =	sshra.s32 s10, $0x2;
	[tilespmem:v12+s19+$0x0] =	vst.idx.msk vm0, v10  }
0x65: {  	v11 =	vld [tilespmem:s12+$0x800]  }
0x66: {  	s10 =	sadd.s32 $0x40, s10;
	v10 =	vld [tilespmem:s12+$0x0]  }
0x67: {  	_ =	sdelay $0x2  }
0x68: {  	v11 =	vsub.s32 v11, v59  }
0x69: {  	vm0 =	vlt.u32 v11, $0x1388  }
0x6a: {  	v12 =	vmpcnt.ones.xlane vm0  }
0x6b: {  	v13 =	vsel vm0, $0x1, v1  }
0x6c: {  	(xrf0) =	vadd.scan.msk.s32 $0xffff, v13;
	v28 =	vadd.s32 v8, v12  }
0x6d: {  	vm1 =	vgt.s32 v28, $0x0  }
0x6e: {  	v51 =	vsel vm1, $0x3F800000, v27  }
0x6f: {  	(xrf0) =	vmax.scan.msk.f32 $0xffff, v51;
	_ =	sdelay $0x2  }
0x70: {  	v52, _, _ =	vpop (xrf0)  }
0x71: {  	v12 =	vsub.s32 v52, v13  }
0x72: {  	v9 =	vadd.s32 v9, v12  }
0x73: {  	v56 =	vld [tilespmem:$0x1FFD0];
	v53, _, _ =	vpop (xrf0)  }
0x74: {  	(v2sf) =	vpush v53, $0xF  }
0x75: {  	v54 =	vadd.s32 v0, v28  }
0x76: {  	v2 =	vld [tilespmem:$0x1FFE0]  }
0x77: {  	s9 =	sadd.s32 $0x10, s9;
	[tilespmem:v9+s17+$0x0] =	vst.idx.msk vm0, v10  }
0x78: {  	v55 =	vor.u32 s9, v0;
	v57 =	vadd.s32 v56, v28;
	[tilespmem:v9+s18+$0x0] =	vst.idx.msk vm0, v11  }
0x79: {  	v61 =	vld [tilespmem:$0x1FFF0];
	[tilespmem:v9+s19+$0x0] =	vst.idx.msk vm0, v55  }
0x7a: {  	v58 =	vimm.s32 $0x13FF;
	[tilespmem:v54+s17+$0x0] =	vst.idx.msk $0xffff, v1  }
0x7b: {  	v60 =	vadd.s32 v2, v28;
	[tilespmem:v54+s18+$0x0] =	vst.idx.msk $0xffff, v58  }
0x7c: {  	[tilespmem:v54+s19+$0x0] =	vst.idx.msk $0xffff, v1  }
0x7d: {  	[tilespmem:v57+s17+$0x0] =	vst.idx.msk $0xffff, v1  }
0x7e: {  	v62 =	vadd.s32 v61, v28;
	[tilespmem:v57+s18+$0x0] =	vst.idx.msk $0xffff, v58  }
0x7f: {  	[tilespmem:v57+s19+$0x0] =	vst.idx.msk $0xffff, v1  }
0x80: {  	[tilespmem:v60+s17+$0x0] =	vst.idx.msk $0xffff, v1  }
0x81: {  	[tilespmem:v60+s18+$0x0] =	vst.idx.msk $0xffff, v58  }
0x82: {  	[tilespmem:v60+s19+$0x0] =	vst.idx.msk $0xffff, v1  }
0x83: {  	[tilespmem:v62+s17+$0x0] =	vst.idx.msk $0xffff, v1;
	s13 =	spop (v2sf)  }
0x84: {  	[tilespmem:v62+s18+$0x0] =	vst.idx.msk $0xffff, v58;
	p0 =	sgt.f32 s13, $0.0e+00  }
0x85: {  	vm15 =	vgt.s32 v28, $0x40;
	[tilespmem:v62+s19+$0x0] =	vst.idx.msk $0xffff, v1  }
0x86: {  	v63 =	vsel vm15, $0x3F800000, v27;
	v9 =	vld @p0 [tilespmem:$0x1880]  }
0x87: {  	(xrf0) =	vmax.scan.msk.f32 $0xffff, v63;
	v10 =	vld @p0 [tilespmem:$0x1000];
	_ =	sdelay $0x1  }
0x88: {  	v12 =	vld @p0 [tilespmem:$0x2100]  }
0x89: {  	v11 =	vld @p0 [tilespmem:$0x1890]  }
0x8a: {  	v13 =	vld @p0 [tilespmem:$0x1010];
	vm0 =	vlt.s32 @p0 v9, $0x1387  }
0x8b: {  	[tilespmem:$0x2980] =	vst @p0 v10;
	v10 =	vnsel @p0 vm0, $0x1387, v9  }
0x8c: {  	v14, _, _ =	vpop (xrf0);
	[tilespmem:$0x2A80] =	vst @p0 v9;
	v9 =	vadd.s32 @p0 v59, v10;
	v10 =	vld @p0 [tilespmem:$0x2110]  }
0x8d: {  	(v2sf) =	vpush v14, $0xF;
	[tilespmem:$0x2A00] =	vst @p0 v9;
	v9 =	vld @p0 [tilespmem:$0x18A0]  }
0x8e: {  	[tilespmem:$0x2B80] =	vst @p0 v12;
	v12 =	vld @p0 [tilespmem:$0x1020];
	vm0 =	vlt.s32 @p0 v11, $0x1387  }
0x8f: {  	[tilespmem:$0x2990] =	vst @p0 v13;
	v13 =	vnsel @p0 vm0, $0x1387, v11  }
0x90: {  	[tilespmem:$0x2A90] =	vst @p0 v11;
	v11 =	vadd.s32 @p0 v59, v13;
	v13 =	vld @p0 [tilespmem:$0x2120]  }
0x91: {  	[tilespmem:$0x2A10] =	vst @p0 v11;
	v11 =	vld @p0 [tilespmem:$0x18B0]  }
0x92: {  	[tilespmem:$0x2B90] =	vst @p0 v10;
	v10 =	vld @p0 [tilespmem:$0x1030];
	vm0 =	vlt.s32 @p0 v9, $0x1387  }
0x93: {  	[tilespmem:$0x29A0] =	vst @p0 v12;
	v12 =	vnsel @p0 vm0, $0x1387, v9  }
0x94: {  	[tilespmem:$0x2AA0] =	vst @p0 v9;
	v9 =	vadd.s32 @p0 v59, v12  }
0x95: {  	[tilespmem:$0x2A20] =	vst @p0 v9;
	v9 =	vld @p0 [tilespmem:$0x2130]  }
0x96: {  	[tilespmem:$0x2BA0] =	vst @p0 v13;
	vm0 =	vlt.s32 @p0 v11, $0x1387  }
0x97: {  	[tilespmem:$0x29B0] =	vst @p0 v10;
	v10 =	vnsel @p0 vm0, $0x1387, v11  }
0x98: {  	[tilespmem:$0x2AB0] =	vst @p0 v11;
	v10 =	vadd.s32 @p0 v59, v10  }
0x99: {  	[tilespmem:$0x2A30] =	vst @p0 v10  }
0x9a: {  	s9 =	simm.s32 @p0 $0x40;
	s10 =	simm.s32 @p0 $0x2980;
	s12 =	simm.s32 @p0 $0x2C00;
	[tilespmem:$0x2BB0] =	vst @p0 v9  }
0x9b: {  	[tilespmem:s12], [sflag:$0x1] =	stream.indirect.gather @p0 [hbm4b:s4+s9], $0x80, s10, s9, $0xb8;
	[tilespmem:$0x1CE80] =	vst v63  }
0x9c: {  	s14 =	spop (v2sf);
	s10 =	simm.s32 @p0 $0x2A00;
	s12 =	simm.s32 @p0 $0x4C00  }
0x9d: {  	[tilespmem:s12], [sflag:$0x2] =	stream.indirect.gather @p0 [hbm4b:s5+s9], $0x80, s10, s9, $0xb8;
	[tilespmem:$0x1CE80] =	vst v63  }
0x9e: {  	p1 =	sgt.f32 s14, $0.0e+00;
	s12 =	simm.s32 @p0 $0x2B80;
	s10 =	simm.s32 @p0 $0x6C00  }
0x9f: {  	[tilespmem:s10], [sflag:$0x3] =	stream.indirect.gather @p0 [hbm4b:s6+s9], $0x80, s12, s9, $0xb8;
	[tilespmem:$0x1CE80] =	vst v63  }
0xa0: {  	v9 =	vld @p1 [tilespmem:$0x18C0]  }
0xa1: {  	v10 =	vld @p1 [tilespmem:$0x1040];
	_ =	sdelay $0x1  }
0xa2: {  	v11 =	vld @p1 [tilespmem:$0x2140]  }
0xa3: {  	v12 =	vld @p1 [tilespmem:$0x18D0]  }
0xa4: {  	v13 =	vld @p1 [tilespmem:$0x1050];
	vm0 =	vlt.s32 @p1 v9, $0x1387  }
0xa5: {  	[tilespmem:$0xAC00] =	vst @p1 v10;
	v10 =	vnsel @p1 vm0, $0x1387, v9  }
0xa6: {  	[tilespmem:$0xAD00] =	vst @p1 v9;
	v9 =	vadd.s32 @p1 v59, v10;
	v10 =	vld @p1 [tilespmem:$0x2150]  }
0xa7: {  	[tilespmem:$0xAC80] =	vst @p1 v9;
	v9 =	vld @p1 [tilespmem:$0x18E0]  }
0xa8: {  	[tilespmem:$0xAE00] =	vst @p1 v11;
	v11 =	vld @p1 [tilespmem:$0x1060];
	vm0 =	vlt.s32 @p1 v12, $0x1387  }
0xa9: {  	[tilespmem:$0xAC10] =	vst @p1 v13;
	v13 =	vnsel @p1 vm0, $0x1387, v12  }
0xaa: {  	[tilespmem:$0xAD10] =	vst @p1 v12;
	v12 =	vadd.s32 @p1 v59, v13;
	v13 =	vld @p1 [tilespmem:$0x2160]  }
0xab: {  	[tilespmem:$0xAC90] =	vst @p1 v12;
	v12 =	vld @p1 [tilespmem:$0x18F0]  }
0xac: {  	[tilespmem:$0xAE10] =	vst @p1 v10;
	v10 =	vld @p1 [tilespmem:$0x1070];
	vm0 =	vlt.s32 @p1 v9, $0x1387  }
0xad: {  	[tilespmem:$0xAC20] =	vst @p1 v11;
	v11 =	vnsel @p1 vm0, $0x1387, v9  }
0xae: {  	[tilespmem:$0xAD20] =	vst @p1 v9;
	v9 =	vadd.s32 @p1 v59, v11  }
0xaf: {  	[tilespmem:$0xACA0] =	vst @p1 v9;
	v9 =	vld @p1 [tilespmem:$0x2170]  }
0xb0: {  	[tilespmem:$0xAE20] =	vst @p1 v13;
	vm0 =	vlt.s32 @p1 v12, $0x1387  }
0xb1: {  	[tilespmem:$0xAC30] =	vst @p1 v10;
	v10 =	vnsel @p1 vm0, $0x1387, v12  }
0xb2: {  	[tilespmem:$0xAD30] =	vst @p1 v12;
	v10 =	vadd.s32 @p1 v59, v10  }
0xb3: {  	[tilespmem:$0xACB0] =	vst @p1 v10  }
0xb4: {  	s9 =	simm.s32 @p1 $0x40;
	s10 =	simm.s32 @p1 $0xAC00;
	s12 =	simm.s32 @p1 $0xAE80;
	[tilespmem:$0xAE30] =	vst @p1 v9  }
0xb5: {  	[tilespmem:s12], [sflag:$0x5] =	stream.indirect.gather @p1 [hbm4b:s4+s9], $0x80, s10, s9, $0xb8;
	[tilespmem:$0x1CE80] =	vst v63  }
.Ltmp5:
0xb6: {  	s10 =	simm.s32 @p1 $0xAC80;
	s12 =	simm.s32 @p1 $0xCE80;
	(pc) =	sbr.rel .LBB2_5-.Ltmp5, $4  }
0xb7: {  	[tilespmem:s12], [sflag:$0x6] =	stream.indirect.gather @p1 [hbm4b:s5+s9], $0x80, s10, s9, $0xb8;
	[tilespmem:$0x1CE80] =	vst v63  }
0xb8: {  	s10 =	simm.s32 @p1 $0xAE00;
	s12 =	simm.s32 @p1 $0xEE80  }
0xb9: {  	[tilespmem:s12], [sflag:$0x7] =	stream.indirect.gather @p1 [hbm4b:s6+s9], $0x80, s10, s9, $0xb8;
	[tilespmem:$0x1CE80] =	vst v63  }
0xba: {  	[tilespmem:$0x1FFC0] =	vst v28;
	s9 =	simm.s32 $0x0  }
.LBB2_12:
0xbb: {  	s10 =	sadd.s32 $0xC0, s12  }
0xbc: {  	v0 =	vmov s10  }
0xbd: {  	vm0 =	vlt.s32 v0, v28  }
0xbe: {  	v0 =	vsel vm0, $0x3F800000, v27  }
0xbf: {  	(xrf0) =	vmax.scan.msk.f32 $0xffff, v0;
	_ =	sdelay $0x5  }
0xc0: {  	v0, _, _ =	vpop (xrf0)  }
0xc1: {  	(v2sf) =	vpush v0, $0xF;
	_ =	sdelay $0xe  }
0xc2: {  	s13 =	spop (v2sf)  }
0xc3: {  	p0 =	sgt.f32 s13, $0.0e+00;
	_ =	sdelay $0x1  }
0xc4: {  	v0 =	vld @p0 [tilespmem:s10+$0x1000];
	_ =	sdelay $0x4  }
0xc5: {  	[tilespmem:$0xAC00] =	vst @p0 v0  }
0xc6: {  	v0 =	vld @p0 [tilespmem:s10+$0x1880];
	_ =	sdelay $0x4  }
0xc7: {  	vm0 =	vlt.s32 @p0 v0, $0x1387  }
0xc8: {  	v1 =	vnsel @p0 vm0, $0x1387, v0  }
0xc9: {  	[tilespmem:$0xAD00] =	vst @p0 v0;
	v0 =	vadd.s32 @p0 v59, v1  }
0xca: {  	[tilespmem:$0xAC80] =	vst @p0 v0  }
0xcb: {  	v0 =	vld @p0 [tilespmem:s10+$0x2100];
	_ =	sdelay $0x4  }
0xcc: {  	[tilespmem:$0xAE00] =	vst @p0 v0  }
0xcd: {  	v0 =	vld @p0 [tilespmem:s12+$0x10D0];
	_ =	sdelay $0x4  }
0xce: {  	[tilespmem:$0xAC10] =	vst @p0 v0  }
0xcf: {  	v0 =	vld @p0 [tilespmem:s12+$0x1950];
	_ =	sdelay $0x4  }
0xd0: {  	vm0 =	vlt.s32 @p0 v0, $0x1387  }
0xd1: {  	v1 =	vnsel @p0 vm0, $0x1387, v0  }
0xd2: {  	[tilespmem:$0xAD10] =	vst @p0 v0;
	v0 =	vadd.s32 @p0 v59, v1  }
0xd3: {  	[tilespmem:$0xAC90] =	vst @p0 v0  }
0xd4: {  	v0 =	vld @p0 [tilespmem:s12+$0x21D0];
	_ =	sdelay $0x4  }
0xd5: {  	[tilespmem:$0xAE10] =	vst @p0 v0  }
0xd6: {  	v0 =	vld @p0 [tilespmem:s12+$0x10E0];
	_ =	sdelay $0x4  }
0xd7: {  	[tilespmem:$0xAC20] =	vst @p0 v0  }
0xd8: {  	v0 =	vld @p0 [tilespmem:s12+$0x1960];
	_ =	sdelay $0x4  }
0xd9: {  	vm0 =	vlt.s32 @p0 v0, $0x1387  }
0xda: {  	v1 =	vnsel @p0 vm0, $0x1387, v0  }
0xdb: {  	[tilespmem:$0xAD20] =	vst @p0 v0;
	v0 =	vadd.s32 @p0 v59, v1  }
0xdc: {  	[tilespmem:$0xACA0] =	vst @p0 v0  }
0xdd: {  	v0 =	vld @p0 [tilespmem:s12+$0x21E0];
	_ =	sdelay $0x4  }
0xde: {  	[tilespmem:$0xAE20] =	vst @p0 v0  }
0xdf: {  	v0 =	vld @p0 [tilespmem:s12+$0x10F0];
	_ =	sdelay $0x4  }
0xe0: {  	[tilespmem:$0xAC30] =	vst @p0 v0  }
0xe1: {  	v0 =	vld @p0 [tilespmem:s12+$0x1970];
	_ =	sdelay $0x4  }
0xe2: {  	vm0 =	vlt.s32 @p0 v0, $0x1387  }
0xe3: {  	v1 =	vnsel @p0 vm0, $0x1387, v0  }
0xe4: {  	[tilespmem:$0xAD30] =	vst @p0 v0;
	v0 =	vadd.s32 @p0 v59, v1  }
0xe5: {  	[tilespmem:$0xACB0] =	vst @p0 v0  }
0xe6: {  	v0 =	vld @p0 [tilespmem:s12+$0x21F0];
	_ =	sdelay $0x4  }
0xe7: {  	s13 =	simm.s32 @p0 $0xAE80;
	s10 =	simm.s32 @p0 $0x40;
	s12 =	simm.s32 @p0 $0xAC00;
	[tilespmem:$0xAE30] =	vst @p0 v0  }
0xe8: {  	[tilespmem:s13], [sflag:$0x5] =	stream.indirect.gather @p0 [hbm4b:s4+s10], $0x80, s12, s10, $0xb8;
	[tilespmem:$0x1CE80] =	vst v63  }
0xe9: {  	s12 =	simm.s32 @p0 $0xAC80;
	s13 =	simm.s32 @p0 $0xCE80  }
0xea: {  	[tilespmem:s13], [sflag:$0x6] =	stream.indirect.gather @p0 [hbm4b:s5+s10], $0x80, s12, s10, $0xb8;
	[tilespmem:$0x1CE80] =	vst v63  }
0xeb: {  	s9 =	sadd.s32 $0x1, s9;
	s12 =	simm.s32 @p0 $0xAE00;
	s13 =	simm.s32 @p0 $0xEE80  }
0xec: {  	[tilespmem:s13], [sflag:$0x7] =	stream.indirect.gather @p0 [hbm4b:s6+s10], $0x80, s12, s10, $0xb8;
	[tilespmem:$0x1CE80] =	vst v63  }
.LBB2_5:
0xed: {  	s12 =	sshll.u32 s9, $0x7  }
0xee: {  	v9 =	vmov s12  }
0xef: {  	vm0 =	vlt.s32 v9, v28  }
0xf0: {  	v9 =	vsel vm0, $0x3F800000, v27  }
0xf1: {  	(xrf0) =	vmax.scan.msk.f32 $0xffff, v9;
	_ =	sdelay $0x5  }
0xf2: {  	v9, _, _ =	vpop (xrf0)  }
0xf3: {  	(v2sf) =	vpush v9, $0xF;
	_ =	sdelay $0xe  }
0xf4: {  	s10 =	spop (v2sf)  }
0xf5: {  	p0 =	sgt.f32 s10, $0.0e+00  }
.Ltmp6:
0xf6: {  	_ = 	snop;
	(pc) =	sbr.rel @!p0 .LBB2_13-.Ltmp6, $1  }
0xf7: {  	_ =	sdelay $0x3  }
0xf8: {  	_ =	swait.ge [sflag:s20], $0x2000  }
0xf9: {  	[sflag:s20] =	ssyncset.done $0x0  }
0xfa: {  	[sflag:s20] =	ssyncadd.s32 $0xFFFFE000  }
0xfb: {  	s10 =	sadd.s32 $0xFFFFFF80, s12;
	_ =	swait.ge [sflag:s21], $0x2000  }
0xfc: {  	v9 =	vmov s10;
	[sflag:s21] =	ssyncset.done $0x0  }
0xfd: {  	vm0 =	vlt.s32 v9, v28;
	[sflag:s21] =	ssyncadd.s32 $0xFFFFE000  }
0xfe: {  	v9 =	vsel vm0, $0x3F800000, v27;
	_ =	swait.ge [sflag:s22], $0x2000  }
0xff: {  	(xrf0) =	vmax.scan.msk.f32 $0xffff, v9;
	_ =	sdelay $0x5  }
0x100: {  	v9, _, _ =	vpop (xrf0)  }
0x101: {  	(v2sf) =	vpush v9, $0xF;
	_ =	sdelay $0xe  }
0x102: {  	p0 =	slt.s32 s9, $0x1;
	s10 =	spop (v2sf)  }
0x103: {  	p1 =	sgt.f32 @!p0 s10, $0.0e+00;
	_ =	sdelay $0x1  }
0x104: {  	[sflag:s22] =	ssyncset.done $0x0;
	p1 =	por !p1, p0  }
0x105: {  	[sflag:s22] =	ssyncadd.s32 $0xFFFFE000;
	s10 =	simm.s32 @!p1 $0x4  }
0x106: {  	_ =	swait.ge @!p1 [sflag:s10], $0x2000  }
0x107: {  	[sflag:s10] =	ssyncset.done @!p1 $0x0  }
0x108: {  	s13 =	simm.s32 $0x0;
	[sflag:s10] =	ssyncadd.s32 @!p1 $0xFFFFE000  }
0x109: {  	v9 =	vld [tilespmem:s13+$0x2DF0]  }
0x10a: {  	v10 =	vld [tilespmem:s13+$0x4DF0]  }
0x10b: {  	v25 =	vld [tilespmem:s13+$0x2C00]  }
0x10c: {  	v11 =	vld [tilespmem:s13+$0x6DF0]  }
0x10d: {  	v26 =	vld [tilespmem:s13+$0x4C00]  }
0x10e: {  	v27 =	vld [tilespmem:s13+$0x2C10]  }
0x10f: {  	v28 =	vld [tilespmem:s13+$0x4C10]  }
0x110: {  	v29 =	vld [tilespmem:s13+$0x2C20]  }
0x111: {  	v30 =	vld [tilespmem:s13+$0x4C20]  }
0x112: {  	v31 =	vld [tilespmem:s13+$0x2C30]  }
0x113: {  	v32 =	vld [tilespmem:s13+$0x4C30]  }
0x114: {  	v33 =	vld [tilespmem:s13+$0x2C40]  }
0x115: {  	v34 =	vld [tilespmem:s13+$0x4C40]  }
0x116: {  	v35 =	vld [tilespmem:s13+$0x2C50]  }
0x117: {  	v36 =	vld [tilespmem:s13+$0x4C50]  }
0x118: {  	v37 =	vld [tilespmem:s13+$0x2C60]  }
0x119: {  	v38 =	vld [tilespmem:s13+$0x4C60]  }
0x11a: {  	v39 =	vld [tilespmem:s13+$0x2C70]  }
0x11b: {  	v40 =	vld [tilespmem:s13+$0x4C70]  }
0x11c: {  	v41 =	vld [tilespmem:s13+$0x2C80]  }
0x11d: {  	v42 =	vld [tilespmem:s13+$0x4C80]  }
0x11e: {  	v43 =	vld [tilespmem:s13+$0x2C90]  }
0x11f: {  	v44 =	vld [tilespmem:s13+$0x4C90]  }
0x120: {  	v45 =	vld [tilespmem:s13+$0x2CA0]  }
0x121: {  	v46 =	vld [tilespmem:s13+$0x4CA0]  }
0x122: {  	v47 =	vld [tilespmem:s13+$0x2CB0]  }
0x123: {  	v48 =	vld [tilespmem:s13+$0x4CB0]  }
0x124: {  	v49 =	vld [tilespmem:s13+$0x2CC0]  }
0x125: {  	v50 =	vld [tilespmem:s13+$0x4CC0]  }
0x126: {  	v51 =	vld [tilespmem:s13+$0x2CD0]  }
0x127: {  	v52 =	vld [tilespmem:s13+$0x4CD0]  }
0x128: {  	v53 =	vld [tilespmem:s13+$0x2CE0]  }
0x129: {  	v54 =	vld [tilespmem:s13+$0x4CE0]  }
0x12a: {  	v55 =	vld [tilespmem:s13+$0x2CF0]  }
0x12b: {  	v56 =	vld [tilespmem:s13+$0x4CF0]  }
0x12c: {  	v57 =	vld [tilespmem:s13+$0x2D00]  }
0x12d: {  	v58 =	vld [tilespmem:s13+$0x4D00]  }
0x12e: {  	v62 =	vld [tilespmem:s13+$0x2D10]  }
0x12f: {  	v60 =	vld [tilespmem:s13+$0x4D10]  }
0x130: {  	v7 =	vld [tilespmem:s13+$0x2D20]  }
0x131: {  	v61 =	vld [tilespmem:s13+$0x4D20]  }
0x132: {  	v63 =	vld [tilespmem:s13+$0x2D30]  }
0x133: {  	v4 =	vld [tilespmem:s13+$0x4D30]  }
0x134: {  	v5 =	vld [tilespmem:s13+$0x2D40]  }
0x135: {  	v6 =	vld [tilespmem:s13+$0x4D40]  }
0x136: {  	v8 =	vld [tilespmem:s13+$0x4D50]  }
0x137: {  	v12 =	vld [tilespmem:s13+$0x2D70]  }
0x138: {  	v15 =	vld [tilespmem:s13+$0x4D70]  }
0x139: {  	v16 =	vld [tilespmem:s13+$0x2D80]  }
0x13a: {  	v20 =	vld [tilespmem:s13+$0x4D80]  }
0x13b: {  	v17 =	vld [tilespmem:s13+$0x2D90]  }
0x13c: {  	v21 =	vld [tilespmem:s13+$0x4D90]  }
0x13d: {  	v22 =	vld [tilespmem:s13+$0x2DA0]  }
0x13e: {  	v24 =	vld [tilespmem:s13+$0x4DA0]  }
0x13f: {  	v0 =	vld [tilespmem:s13+$0x2DD0]  }
0x140: {  	v18 =	vld [tilespmem:s13+$0x2DB0]  }
0x141: {  	v23 =	vld [tilespmem:s13+$0x4DB0]  }
0x142: {  	v13 =	vld [tilespmem:s13+$0x2DC0]  }
0x143: {  	v19 =	vld [tilespmem:s13+$0x4DC0]  }
0x144: {  	[tilespmem:$0x1FF90] =	vst v0;
	v0 =	vld [tilespmem:s13+$0x4DD0]  }
0x145: {  	v14 =	vld [tilespmem:s13+$0x4DE0]  }
0x146: {  	v2 =	vld [tilespmem:s13+$0x6C00]  }
0x147: {  	v1 =	vld [tilespmem:s13+$0x6C20]  }
0x148: {  	v3 =	vld [tilespmem:s13+$0x6C40]  }
0x149: {  	[tilespmem:$0x1FFA0] =	vst v0;
	v0 =	vld [tilespmem:s13+$0x2DE0]  }
0x14a: {  	v9 =	vadd.f32 v10, v9;
	v10 =	vld [tilespmem:s13+$0x4D60]  }
0x14b: {  	v25 =	vadd.f32 v26, v25;
	v26 =	vld [tilespmem:s13+$0x6C30]  }
0x14c: {  	v27 =	vadd.f32 v28, v27;
	v28 =	vld [tilespmem:s13+$0x6C60]  }
0x14d: {  	v35 =	vadd.f32 v36, v35;
	v36 =	vld [tilespmem:s13+$0x6CA0]  }
0x14e: {  	[tilespmem:$0x1FFB0] =	vst v0;
	v0 =	vld [tilespmem:s13+$0x6C10]  }
0x14f: {  	v29 =	vadd.f32 v30, v29;
	v39 =	vadd.f32 v40, v39;
	v40 =	vld [tilespmem:s13+$0x6CC0]  }
0x150: {  	v32 =	vadd.f32 v32, v31;
	v34 =	vadd.f32 v34, v33;
	v33 =	vld [tilespmem:s13+$0x6CE0]  }
0x151: {  	v31 =	vadd.f32 v42, v41;
	v42 =	vld [tilespmem:s13+$0x6D40];
	v9 =	vadd.f32 v11, v9  }
0x152: {  	v38 =	vadd.f32 v38, v37;
	v2 =	vadd.f32 v2, v25;
	v25 =	vld [tilespmem:s13+$0x6C50]  }
0x153: {  	v37 =	vadd.f32 v50, v49;
	v49 =	vld [tilespmem:s13+$0x6D80];
	v9 =	vmax.f32 v9, $0.0e+00;
	v0 =	vadd.f32 v0, v27  }
0x154: {  	v1 =	vadd.f32 v1, v29;
	v2 =	vmax.f32 v2, $0.0e+00;
	[tilespmem:s13+$0x8DF0] =	vst v9;
	v27 =	vld [tilespmem:s13+$0x6C70]  }
0x155: {  	v29 =	vld [tilespmem:s13+$0x6C80];
	[tilespmem:s13+$0x8C00] =	vst v2;
	v2 =	vadd.f32 v26, v32;
	v0 =	vmax.f32 v0, $0.0e+00  }
0x156: {  	v1 =	vmax.f32 v1, $0.0e+00;
	v26 =	vld [tilespmem:s13+$0x6C90];
	[tilespmem:s13+$0x8C10] =	vst v0;
	v0 =	vadd.f32 v3, v34  }
0x157: {  	v11 =	vld [tilespmem:s13+$0x2D60];
	[tilespmem:s13+$0x8C20] =	vst v1;
	v2 =	vmax.f32 v2, $0.0e+00;
	v1 =	vadd.f32 v25, v35  }
0x158: {  	v32 =	vadd.f32 v44, v43;
	v25 =	vld [tilespmem:s13+$0x6CB0];
	[tilespmem:s13+$0x8C30] =	vst v2;
	v2 =	vadd.f32 v28, v38;
	v0 =	vmax.f32 v0, $0.0e+00  }
0x159: {  	v9 =	vld [tilespmem:s13+$0x2D50];
	v44 =	vadd.f32 v60, v62;
	v1 =	vmax.f32 v1, $0.0e+00;
	[tilespmem:s13+$0x8C40] =	vst v0;
	v0 =	vadd.f32 v27, v39  }
0x15a: {  	[tilespmem:s13+$0x8C50] =	vst v1;
	v2 =	vmax.f32 v2, $0.0e+00;
	v1 =	vadd.f32 v29, v31;
	v34 =	vadd.f32 v46, v45;
	v27 =	vld [tilespmem:s13+$0x6CD0]  }
0x15b: {  	v62 =	vld [tilespmem:$0x1FFA0];
	v35 =	vadd.f32 v48, v47;
	[tilespmem:s13+$0x8C60] =	vst v2;
	v2 =	vadd.f32 v26, v32;
	v0 =	vmax.f32 v0, $0.0e+00  }
0x15c: {  	v41 =	vadd.f32 v56, v55;
	v26 =	vld [tilespmem:s13+$0x6CF0];
	v1 =	vmax.f32 v1, $0.0e+00;
	[tilespmem:s13+$0x8C70] =	vst v0;
	v0 =	vadd.f32 v36, v34  }
0x15d: {  	v38 =	vadd.f32 v52, v51;
	[tilespmem:s13+$0x8C80] =	vst v1;
	v2 =	vmax.f32 v2, $0.0e+00;
	v1 =	vadd.f32 v25, v35;
	v36 =	vld [tilespmem:s13+$0x6D00]  }
0x15e: {  	v25 =	vld [tilespmem:s13+$0x6D10];
	[tilespmem:s13+$0x8C90] =	vst v2;
	v2 =	vadd.f32 v40, v37;
	v40 =	vadd.f32 v54, v53;
	v0 =	vmax.f32 v0, $0.0e+00  }
0x15f: {  	v50 =	vadd.f32 v6, v5;
	v1 =	vmax.f32 v1, $0.0e+00;
	v39 =	vld [tilespmem:s13+$0x6D20];
	[tilespmem:s13+$0x8CA0] =	vst v0;
	v0 =	vadd.f32 v27, v38  }
0x160: {  	v43 =	vadd.f32 v58, v57;
	[tilespmem:s13+$0x8CB0] =	vst v1;
	v2 =	vmax.f32 v2, $0.0e+00;
	v1 =	vadd.f32 v33, v40;
	v27 =	vld [tilespmem:s13+$0x6D30]  }
0x161: {  	v56 =	vadd.f32 v15, v12;
	v47 =	vld [tilespmem:s13+$0x6D70];
	[tilespmem:s13+$0x8CC0] =	vst v2;
	v2 =	vadd.f32 v26, v41;
	v0 =	vmax.f32 v0, $0.0e+00  }
0x162: {  	v26 =	vld [tilespmem:s13+$0x6D50];
	v1 =	vmax.f32 v1, $0.0e+00;
	v46 =	vadd.f32 v61, v7;
	[tilespmem:s13+$0x8CD0] =	vst v0;
	v0 =	vadd.f32 v36, v43  }
0x163: {  	v48 =	vadd.f32 v4, v63;
	v45 =	vld [tilespmem:s13+$0x6D60];
	[tilespmem:s13+$0x8CE0] =	vst v1;
	v2 =	vmax.f32 v2, $0.0e+00;
	v1 =	vadd.f32 v25, v44  }
0x164: {  	v57 =	vadd.f32 v20, v16;
	v51 =	vld [tilespmem:s13+$0x6D90];
	[tilespmem:s13+$0x8CF0] =	vst v2;
	v2 =	vadd.f32 v39, v46;
	v0 =	vmax.f32 v0, $0.0e+00  }
0x165: {  	v52 =	vadd.f32 v8, v9;
	v63 =	vld [tilespmem:$0x1FFB0];
	v1 =	vmax.f32 v1, $0.0e+00;
	[tilespmem:s13+$0x8D00] =	vst v0;
	v0 =	vadd.f32 v27, v48  }
0x166: {  	v53 =	vld [tilespmem:s13+$0x6DA0];
	v54 =	vadd.f32 v10, v11;
	[tilespmem:s13+$0x8D10] =	vst v1;
	v1 =	vadd.f32 v42, v50;
	v2 =	vmax.f32 v2, $0.0e+00  }
0x167: {  	v58 =	vadd.f32 v21, v17;
	v61 =	vld [tilespmem:$0x1FF90];
	[tilespmem:s13+$0x8D20] =	vst v2;
	v2 =	vadd.f32 v26, v52;
	v0 =	vmax.f32 v0, $0.0e+00  }
0x168: {  	v60 =	vadd.f32 v49, v57;
	v25 =	vld [tilespmem:s13+$0x6DB0];
	v1 =	vmax.f32 v1, $0.0e+00;
	[tilespmem:s13+$0x8D30] =	vst v0;
	v0 =	vadd.f32 v45, v54  }
0x169: {  	v8 =	vadd.f32 v24, v22;
	[tilespmem:s13+$0x8D40] =	vst v1;
	v26 =	vld [tilespmem:s13+$0x6DC0];
	v55 =	vmax.f32 v2, $0.0e+00;
	v2 =	vadd.f32 v47, v56  }
0x16a: {  	v15 =	vld [tilespmem:s13+$0x6DD0];
	v17 =	vadd.f32 v51, v58;
	v10 =	vadd.f32 v23, v18;
	[tilespmem:s13+$0x8D50] =	vst v55;
	v0 =	vmax.f32 v0, $0.0e+00  }
0x16b: {  	s14 =	simm.s32 $0x200;
	v16 =	vld [tilespmem:s13+$0x6DE0];
	v11 =	vadd.f32 v19, v13;
	v9 =	vadd.f32 v14, v63;
	v2 =	vmax.f32 v2, $0.0e+00;
	[tilespmem:s13+$0x8D60] =	vst v0  }
0x16c: {  	s10 =	simm.s32 $0x1000;
	v18 =	vmax.f32 v60, $0.0e+00;
	v14 =	vadd.f32 v53, v8;
	v12 =	vadd.f32 v62, v61;
	v13 =	vld [tilespmem:s14+$0x2DF0];
	[tilespmem:s13+$0x8D70] =	vst v2  }
.LBB2_7:
0x16d: {  	p1 =	sne.s32 s10, $0x7800;
	v0 =	vld [tilespmem:s14+$0x4DF0];
	[tilespmem:s13+$0x8D80] =	vst v18;
	v1 =	vmax.f32 v17, $0.0e+00;
	v2 =	vadd.f32 v25, v10  }
0x16e: {  	v3 =	vld [tilespmem:s14+$0x2C00];
	[tilespmem:s13+$0x8D90] =	vst v1;
	v1 =	vmax.f32 v14, $0.0e+00;
	v4 =	vadd.f32 v26, v11  }
0x16f: {  	v5 =	vld [tilespmem:s14+$0x6DF0];
	[tilespmem:s13+$0x8DA0] =	vst v1;
	v1 =	vmax.f32 v2, $0.0e+00;
	v2 =	vadd.f32 v15, v12  }
0x170: {  	v6 =	vld [tilespmem:s14+$0x4C00];
	[tilespmem:s13+$0x8DB0] =	vst v1;
	v1 =	vmax.f32 v4, $0.0e+00;
	v4 =	vadd.f32 v16, v9  }
0x171: {  	v8 =	vld [tilespmem:s14+$0x2C10];
	[tilespmem:s13+$0x8DC0] =	vst v1;
	v1 =	vmax.f32 v2, $0.0e+00  }
0x172: {  	v2 =	vld [tilespmem:s14+$0x4C10];
	v0 =	vadd.f32 v0, v13;
	[tilespmem:s13+$0x8DD0] =	vst v1;
	v1 =	vmax.f32 v4, $0.0e+00  }
0x173: {  	v4 =	vld [tilespmem:s14+$0x2C20];
	[tilespmem:s13+$0x8DE0] =	vst v1;
	s13 =	smov.u32 s14  }
0x174: {  	v1 =	vld [tilespmem:s13+$0x4C20];
	v0 =	vadd.f32 v5, v0  }
0x175: {  	v13 =	vadd.f32 v6, v3;
	v3 =	vld [tilespmem:s13+$0x2C30]  }
0x176: {  	v5 =	vld [tilespmem:s13+$0x4C30];
	v0 =	vmax.f32 v0, $0.0e+00  }
0x177: {  	v15 =	vadd.f32 v2, v8;
	v2 =	vld [tilespmem:s13+$0x2C40];
	[tilespmem:s13+$0x8DF0] =	vst v0  }
0x178: {  	v0 =	vld [tilespmem:s13+$0x4C40]  }
0x179: {  	v17 =	vadd.f32 v1, v4;
	v1 =	vld [tilespmem:s13+$0x2C50]  }
0x17a: {  	v4 =	vld [tilespmem:s13+$0x4C50]  }
0x17b: {  	v18 =	vadd.f32 v5, v3;
	v3 =	vld [tilespmem:s13+$0x2C60]  }
0x17c: {  	v5 =	vld [tilespmem:s13+$0x4C60]  }
0x17d: {  	v19 =	vadd.f32 v0, v2;
	v0 =	vld [tilespmem:s13+$0x2C70]  }
0x17e: {  	v2 =	vld [tilespmem:s13+$0x4C70]  }
0x17f: {  	v20 =	vadd.f32 v4, v1;
	v1 =	vld [tilespmem:s13+$0x2C80]  }
0x180: {  	v4 =	vld [tilespmem:s13+$0x4C80]  }
0x181: {  	v21 =	vadd.f32 v5, v3;
	v3 =	vld [tilespmem:s13+$0x2C90]  }
0x182: {  	v5 =	vld [tilespmem:s13+$0x4C90]  }
0x183: {  	v22 =	vadd.f32 v2, v0;
	v0 =	vld [tilespmem:s13+$0x2CA0]  }
0x184: {  	v2 =	vld [tilespmem:s13+$0x4CA0]  }
0x185: {  	v23 =	vadd.f32 v4, v1;
	v1 =	vld [tilespmem:s13+$0x2CB0]  }
0x186: {  	v4 =	vld [tilespmem:s13+$0x4CB0]  }
0x187: {  	v24 =	vadd.f32 v5, v3;
	v3 =	vld [tilespmem:s13+$0x2CC0]  }
0x188: {  	v5 =	vld [tilespmem:s13+$0x4CC0]  }
0x189: {  	v25 =	vadd.f32 v2, v0;
	v0 =	vld [tilespmem:s13+$0x2CD0]  }
0x18a: {  	v2 =	vld [tilespmem:s13+$0x4CD0]  }
0x18b: {  	v26 =	vadd.f32 v4, v1;
	v1 =	vld [tilespmem:s13+$0x2CE0]  }
0x18c: {  	v4 =	vld [tilespmem:s13+$0x4CE0]  }
0x18d: {  	v27 =	vadd.f32 v5, v3;
	v3 =	vld [tilespmem:s13+$0x2CF0]  }
0x18e: {  	v5 =	vld [tilespmem:s13+$0x4CF0]  }
0x18f: {  	v28 =	vadd.f32 v2, v0;
	v0 =	vld [tilespmem:s13+$0x2D00]  }
0x190: {  	v2 =	vld [tilespmem:s13+$0x4D00]  }
0x191: {  	v29 =	vadd.f32 v4, v1;
	v1 =	vld [tilespmem:s13+$0x2D10]  }
0x192: {  	v4 =	vld [tilespmem:s13+$0x4D10]  }
0x193: {  	v30 =	vadd.f32 v5, v3;
	v3 =	vld [tilespmem:s13+$0x2D20]  }
0x194: {  	v5 =	vld [tilespmem:s13+$0x4D20]  }
0x195: {  	v31 =	vadd.f32 v2, v0;
	v0 =	vld [tilespmem:s13+$0x2D30]  }
0x196: {  	v2 =	vld [tilespmem:s13+$0x4D30]  }
0x197: {  	v32 =	vadd.f32 v4, v1;
	v1 =	vld [tilespmem:s13+$0x2D40]  }
0x198: {  	v4 =	vld [tilespmem:s13+$0x4D40]  }
0x199: {  	v33 =	vadd.f32 v5, v3;
	v3 =	vld [tilespmem:s13+$0x2D50]  }
0x19a: {  	v5 =	vld [tilespmem:s13+$0x4D50]  }
0x19b: {  	v34 =	vadd.f32 v2, v0;
	v0 =	vld [tilespmem:s13+$0x2D60]  }
0x19c: {  	v2 =	vld [tilespmem:s13+$0x4D60]  }
0x19d: {  	v35 =	vadd.f32 v4, v1;
	v1 =	vld [tilespmem:s13+$0x2D70]  }
0x19e: {  	v4 =	vld [tilespmem:s13+$0x4D70]  }
0x19f: {  	v36 =	vadd.f32 v5, v3;
	v3 =	vld [tilespmem:s13+$0x2D80]  }
0x1a0: {  	v5 =	vld [tilespmem:s13+$0x4D80]  }
0x1a1: {  	v37 =	vadd.f32 v2, v0;
	v0 =	vld [tilespmem:s13+$0x2D90]  }
0x1a2: {  	v2 =	vld [tilespmem:s13+$0x4D90]  }
0x1a3: {  	v38 =	vadd.f32 v4, v1;
	v1 =	vld [tilespmem:s13+$0x2DA0]  }
0x1a4: {  	v4 =	vld [tilespmem:s13+$0x4DA0]  }
0x1a5: {  	v39 =	vadd.f32 v5, v3;
	v3 =	vld [tilespmem:s13+$0x2DB0]  }
0x1a6: {  	v5 =	vld [tilespmem:s13+$0x4DB0]  }
0x1a7: {  	v16 =	vadd.f32 v2, v0;
	v0 =	vld [tilespmem:s13+$0x2DC0]  }
0x1a8: {  	v2 =	vld [tilespmem:s13+$0x4DC0]  }
0x1a9: {  	v14 =	vadd.f32 v4, v1;
	v1 =	vld [tilespmem:s13+$0x2DD0]  }
0x1aa: {  	v4 =	vld [tilespmem:s13+$0x4DD0]  }
0x1ab: {  	v10 =	vadd.f32 v5, v3;
	v3 =	vld [tilespmem:s13+$0x2DE0]  }
0x1ac: {  	v5 =	vld [tilespmem:s13+$0x4DE0]  }
0x1ad: {  	v6 =	vld [tilespmem:s13+$0x6C00];
	v11 =	vadd.f32 v2, v0  }
0x1ae: {  	v0 =	vld [tilespmem:s13+$0x6C10]  }
0x1af: {  	v2 =	vld [tilespmem:s13+$0x6C20];
	v12 =	vadd.f32 v4, v1  }
0x1b0: {  	v1 =	vld [tilespmem:s13+$0x6C30]  }
0x1b1: {  	v4 =	vld [tilespmem:s13+$0x6C40];
	v9 =	vadd.f32 v5, v3  }
0x1b2: {  	v3 =	vadd.f32 v6, v13;
	v5 =	vld [tilespmem:s13+$0x6C50]  }
0x1b3: {  	v0 =	vadd.f32 v0, v15;
	v6 =	vld [tilespmem:s13+$0x6C60]  }
0x1b4: {  	v3 =	vmax.f32 v3, $0.0e+00;
	v2 =	vadd.f32 v2, v17;
	v8 =	vld [tilespmem:s13+$0x6C70]  }
0x1b5: {  	[tilespmem:s13+$0x8C00] =	vst v3;
	v0 =	vmax.f32 v0, $0.0e+00;
	v1 =	vadd.f32 v1, v18;
	v3 =	vld [tilespmem:s13+$0x6C80]  }
0x1b6: {  	[tilespmem:s13+$0x8C10] =	vst v0;
	v0 =	vmax.f32 v2, $0.0e+00;
	v2 =	vadd.f32 v4, v19;
	v4 =	vld [tilespmem:s13+$0x6C90]  }
0x1b7: {  	[tilespmem:s13+$0x8C20] =	vst v0;
	v0 =	vmax.f32 v1, $0.0e+00;
	v1 =	vadd.f32 v5, v20;
	v5 =	vld [tilespmem:s13+$0x6CA0]  }
0x1b8: {  	[tilespmem:s13+$0x8C30] =	vst v0;
	v0 =	vmax.f32 v2, $0.0e+00;
	v2 =	vadd.f32 v6, v21;
	v6 =	vld [tilespmem:s13+$0x6CB0]  }
0x1b9: {  	[tilespmem:s13+$0x8C40] =	vst v0;
	v0 =	vmax.f32 v1, $0.0e+00;
	v1 =	vadd.f32 v8, v22;
	v8 =	vld [tilespmem:s13+$0x6CC0]  }
0x1ba: {  	[tilespmem:s13+$0x8C50] =	vst v0;
	v0 =	vmax.f32 v2, $0.0e+00;
	v2 =	vadd.f32 v3, v23;
	v3 =	vld [tilespmem:s13+$0x6CD0]  }
0x1bb: {  	[tilespmem:s13+$0x8C60] =	vst v0;
	v0 =	vmax.f32 v1, $0.0e+00;
	v1 =	vadd.f32 v4, v24;
	v4 =	vld [tilespmem:s13+$0x6CE0]  }
0x1bc: {  	[tilespmem:s13+$0x8C70] =	vst v0;
	v0 =	vmax.f32 v2, $0.0e+00;
	v2 =	vadd.f32 v5, v25;
	v5 =	vld [tilespmem:s13+$0x6CF0]  }
0x1bd: {  	[tilespmem:s13+$0x8C80] =	vst v0;
	v0 =	vmax.f32 v1, $0.0e+00;
	v1 =	vadd.f32 v6, v26;
	v6 =	vld [tilespmem:s13+$0x6D00]  }
0x1be: {  	[tilespmem:s13+$0x8C90] =	vst v0;
	v0 =	vmax.f32 v2, $0.0e+00;
	v2 =	vadd.f32 v8, v27;
	v8 =	vld [tilespmem:s13+$0x6D10]  }
0x1bf: {  	[tilespmem:s13+$0x8CA0] =	vst v0;
	v0 =	vmax.f32 v1, $0.0e+00;
	v1 =	vadd.f32 v3, v28;
	v3 =	vld [tilespmem:s13+$0x6D20]  }
0x1c0: {  	[tilespmem:s13+$0x8CB0] =	vst v0;
	v0 =	vmax.f32 v2, $0.0e+00;
	v2 =	vadd.f32 v4, v29;
	v4 =	vld [tilespmem:s13+$0x6D30]  }
0x1c1: {  	[tilespmem:s13+$0x8CC0] =	vst v0;
	v0 =	vmax.f32 v1, $0.0e+00;
	v1 =	vadd.f32 v5, v30;
	v5 =	vld [tilespmem:s13+$0x6D40]  }
0x1c2: {  	[tilespmem:s13+$0x8CD0] =	vst v0;
	v0 =	vmax.f32 v2, $0.0e+00;
	v2 =	vadd.f32 v6, v31;
	v6 =	vld [tilespmem:s13+$0x6D50]  }
0x1c3: {  	[tilespmem:s13+$0x8CE0] =	vst v0;
	v0 =	vmax.f32 v1, $0.0e+00;
	v1 =	vadd.f32 v8, v32;
	v8 =	vld [tilespmem:s13+$0x6D60]  }
0x1c4: {  	[tilespmem:s13+$0x8CF0] =	vst v0;
	v0 =	vmax.f32 v2, $0.0e+00;
	v2 =	vadd.f32 v3, v33;
	v3 =	vld [tilespmem:s13+$0x6D70]  }
0x1c5: {  	[tilespmem:s13+$0x8D00] =	vst v0;
	v0 =	vmax.f32 v1, $0.0e+00;
	v1 =	vadd.f32 v4, v34;
	v4 =	vld [tilespmem:s13+$0x6D80]  }
0x1c6: {  	[tilespmem:s13+$0x8D10] =	vst v0;
	v0 =	vmax.f32 v2, $0.0e+00;
	v2 =	vadd.f32 v5, v35;
	v5 =	vld [tilespmem:s13+$0x6D90]  }
0x1c7: {  	[tilespmem:s13+$0x8D20] =	vst v0;
	v0 =	vmax.f32 v1, $0.0e+00;
	v1 =	vadd.f32 v6, v36;
	v6 =	vld [tilespmem:s13+$0x6DA0]  }
.Ltmp7:
0x1c8: {  	[tilespmem:s13+$0x8D30] =	vst v0;
	v0 =	vmax.f32 v2, $0.0e+00;
	v2 =	vadd.f32 v8, v37;
	v25 =	vld [tilespmem:s13+$0x6DB0];
	(pc) =	sbr.rel @p1 .LBB2_7-.Ltmp7, $4  }
0x1c9: {  	[tilespmem:s13+$0x8D40] =	vst v0;
	v0 =	vmax.f32 v1, $0.0e+00;
	v1 =	vadd.f32 v3, v38;
	v26 =	vld [tilespmem:s13+$0x6DC0]  }
0x1ca: {  	[tilespmem:s13+$0x8D50] =	vst v0;
	v0 =	vmax.f32 v2, $0.0e+00;
	v2 =	vadd.f32 v4, v39;
	v15 =	vld [tilespmem:s13+$0x6DD0]  }
0x1cb: {  	s14 =	sshra.s32 s10, $0x2;
	[tilespmem:s13+$0x8D60] =	vst v0;
	v0 =	vmax.f32 v1, $0.0e+00;
	v17 =	vadd.f32 v5, v16;
	v16 =	vld [tilespmem:s13+$0x6DE0]  }
0x1cc: {  	s10 =	sadd.s32 $0x800, s10;
	v13 =	vld [tilespmem:s14+$0x2DF0];
	[tilespmem:s13+$0x8D70] =	vst v0;
	v18 =	vmax.f32 v2, $0.0e+00;
	v14 =	vadd.f32 v6, v14  }
0x1cd: {  	v0 =	vld [tilespmem:s14+$0x4DF0];
	[tilespmem:s13+$0x8D80] =	vst v18;
	v1 =	vmax.f32 v17, $0.0e+00;
	v56 =	vadd.f32 v25, v10  }
0x1ce: {  	v2 =	vld [tilespmem:s14+$0x2C00];
	[tilespmem:s13+$0x8D90] =	vst v1;
	v3 =	vmax.f32 v14, $0.0e+00;
	v57 =	vadd.f32 v26, v11  }
0x1cf: {  	v4 =	vld [tilespmem:s14+$0x6DF0];
	[tilespmem:s13+$0x8DA0] =	vst v3;
	v1 =	vmax.f32 v56, $0.0e+00;
	v58 =	vadd.f32 v15, v12  }
0x1d0: {  	v5 =	vld [tilespmem:s14+$0x4C00];
	[tilespmem:s13+$0x8DB0] =	vst v1;
	v3 =	vmax.f32 v57, $0.0e+00;
	v60 =	vadd.f32 v16, v9  }
0x1d1: {  	v6 =	vld [tilespmem:s14+$0x2C10];
	[tilespmem:s13+$0x8DC0] =	vst v3;
	v1 =	vmax.f32 v58, $0.0e+00  }
0x1d2: {  	v8 =	vld [tilespmem:s14+$0x4C10];
	[tilespmem:s13+$0x8DD0] =	vst v1;
	v61 =	vmax.f32 v60, $0.0e+00  }
0x1d3: {  	v0 =	vadd.f32 v0, v13;
	v3 =	vld [tilespmem:s14+$0x2C20];
	[tilespmem:s13+$0x8DE0] =	vst v61  }
0x1d4: {  	v1 =	vld [tilespmem:s14+$0x4C20]  }
0x1d5: {  	v0 =	vadd.f32 v4, v0;
	v4 =	vld [tilespmem:s14+$0x2C30]  }
0x1d6: {  	v27 =	vld [tilespmem:s14+$0x4C30]  }
0x1d7: {  	v28 =	vld [tilespmem:s14+$0x2C40]  }
0x1d8: {  	v29 =	vld [tilespmem:s14+$0x2C50]  }
0x1d9: {  	v30 =	vld [tilespmem:s14+$0x4C50]  }
0x1da: {  	v31 =	vld [tilespmem:s14+$0x2C60]  }
0x1db: {  	v32 =	vld [tilespmem:s14+$0x4C60]  }
0x1dc: {  	v33 =	vld [tilespmem:s14+$0x2C70]  }
0x1dd: {  	v34 =	vld [tilespmem:s14+$0x4C70]  }
0x1de: {  	v35 =	vld [tilespmem:s14+$0x2C80]  }
0x1df: {  	v36 =	vld [tilespmem:s14+$0x4C80]  }
0x1e0: {  	v37 =	vld [tilespmem:s14+$0x2C90]  }
0x1e1: {  	v38 =	vld [tilespmem:s14+$0x4C90]  }
0x1e2: {  	v39 =	vld [tilespmem:s14+$0x2CA0]  }
0x1e3: {  	v40 =	vld [tilespmem:s14+$0x4CA0]  }
0x1e4: {  	v41 =	vld [tilespmem:s14+$0x2CB0]  }
0x1e5: {  	v42 =	vld [tilespmem:s14+$0x4CB0]  }
0x1e6: {  	v43 =	vld [tilespmem:s14+$0x2CC0]  }
0x1e7: {  	v44 =	vld [tilespmem:s14+$0x4CC0]  }
0x1e8: {  	v45 =	vld [tilespmem:s14+$0x2CD0]  }
0x1e9: {  	v46 =	vld [tilespmem:s14+$0x4CD0]  }
0x1ea: {  	v47 =	vld [tilespmem:s14+$0x2CE0]  }
0x1eb: {  	v48 =	vld [tilespmem:s14+$0x4CE0]  }
0x1ec: {  	v49 =	vld [tilespmem:s14+$0x2CF0]  }
0x1ed: {  	v50 =	vld [tilespmem:s14+$0x4CF0]  }
0x1ee: {  	v51 =	vld [tilespmem:s14+$0x2D00]  }
0x1ef: {  	v52 =	vld [tilespmem:s14+$0x4D00]  }
0x1f0: {  	v53 =	vld [tilespmem:s14+$0x2D10]  }
0x1f1: {  	v54 =	vld [tilespmem:s14+$0x4D10]  }
0x1f2: {  	v55 =	vld [tilespmem:s14+$0x2D20]  }
0x1f3: {  	v56 =	vld [tilespmem:s14+$0x4D20]  }
0x1f4: {  	v57 =	vld [tilespmem:s14+$0x2D30]  }
0x1f5: {  	v58 =	vld [tilespmem:s14+$0x4D30]  }
0x1f6: {  	v9 =	vld [tilespmem:s14+$0x2D40]  }
0x1f7: {  	v60 =	vld [tilespmem:s14+$0x4D40]  }
0x1f8: {  	v11 =	vld [tilespmem:s14+$0x2D50]  }
0x1f9: {  	v10 =	vld [tilespmem:s14+$0x4D50]  }
0x1fa: {  	v25 =	vld [tilespmem:s14+$0x2D60]  }
0x1fb: {  	v26 =	vld [tilespmem:s14+$0x4D60]  }
0x1fc: {  	v21 =	vld [tilespmem:s14+$0x2D70]  }
0x1fd: {  	v24 =	vld [tilespmem:s14+$0x4D70]  }
0x1fe: {  	v16 =	vld [tilespmem:s14+$0x2D80]  }
0x1ff: {  	v18 =	vld [tilespmem:s14+$0x4D80]  }
0x200: {  	v19 =	vld [tilespmem:s14+$0x2D90]  }
0x201: {  	v22 =	vld [tilespmem:s14+$0x4D90]  }
0x202: {  	v20 =	vld [tilespmem:s14+$0x2DA0]  }
0x203: {  	v23 =	vld [tilespmem:s14+$0x4DA0]  }
0x204: {  	v14 =	vld [tilespmem:s14+$0x2DB0]  }
0x205: {  	v17 =	vld [tilespmem:s14+$0x4DB0]  }
0x206: {  	v13 =	vld [tilespmem:s14+$0x2DC0]  }
0x207: {  	v15 =	vld [tilespmem:s14+$0x4DC0]  }
0x208: {  	v7 =	vld [tilespmem:s14+$0x2DD0]  }
0x209: {  	v63 =	vld [tilespmem:s14+$0x4DE0]  }
0x20a: {  	v62 =	vld [tilespmem:s14+$0x2DE0]  }
0x20b: {  	v61 =	vld [tilespmem:s14+$0x6C20];
	v0 =	vmax.f32 v0, $0.0e+00  }
0x20c: {  	[tilespmem:s14+$0x8DF0] =	vst v0;
	v0 =	vld [tilespmem:s14+$0x4C40]  }
0x20d: {  	v6 =	vadd.f32 v8, v6;
	v8 =	vld [tilespmem:s14+$0x6C50]  }
0x20e: {  	[tilespmem:$0x1FF80] =	vst v63;
	v63 =	vld [tilespmem:s14+$0x6C00]  }
0x20f: {  	[tilespmem:$0x1FF60] =	vst v7;
	v7 =	vld [tilespmem:s14+$0x6C10]  }
0x210: {  	[tilespmem:$0x1FF70] =	vst v62;
	v62 =	vld [tilespmem:s14+$0x6C40];
	v1 =	vadd.f32 v1, v3  }
0x211: {  	v12 =	vld [tilespmem:s14+$0x4DD0];
	v2 =	vadd.f32 v5, v2  }
0x212: {  	v5 =	vld [tilespmem:s14+$0x6C30];
	v32 =	vadd.f32 v32, v31;
	v1 =	vadd.f32 v61, v1  }
0x213: {  	v61 =	vadd.f32 v30, v29;
	v0 =	vadd.f32 v0, v28;
	v28 =	vld [tilespmem:$0x1FFC0]  }
0x214: {  	v1 =	vmax.f32 v1, $0.0e+00;
	v2 =	vadd.f32 v63, v2;
	v63 =	vld [tilespmem:s14+$0x6C60];
	v3 =	vadd.f32 v7, v6  }
0x215: {  	v6 =	vld [tilespmem:s14+$0x6C70];
	[tilespmem:s14+$0x8C20] =	vst v1;
	v0 =	vadd.f32 v62, v0;
	v1 =	vadd.f32 v8, v61  }
0x216: {  	v61 =	vld [tilespmem:s14+$0x6CB0];
	v62 =	vadd.f32 v34, v33;
	v33 =	vadd.f32 v36, v35  }
0x217: {  	v34 =	vld [tilespmem:s14+$0x6CD0];
	v35 =	vadd.f32 v38, v37;
	v37 =	vadd.f32 v40, v39;
	v2 =	vmax.f32 v2, $0.0e+00  }
0x218: {  	v36 =	vld [tilespmem:s14+$0x6CE0];
	v39 =	vadd.f32 v42, v41;
	[tilespmem:s14+$0x8C00] =	vst v2;
	v2 =	vadd.f32 v27, v4  }
0x219: {  	v41 =	vadd.f32 v44, v43;
	v43 =	vadd.f32 v46, v45;
	v4 =	vld [tilespmem:s14+$0x6C80]  }
0x21a: {  	v45 =	vadd.f32 v48, v47;
	v3 =	vmax.f32 v3, $0.0e+00;
	v2 =	vadd.f32 v5, v2;
	v5 =	vld [tilespmem:s14+$0x6CA0]  }
0x21b: {  	v47 =	vadd.f32 v50, v49;
	v49 =	vadd.f32 v52, v51;
	v0 =	vmax.f32 v0, $0.0e+00;
	[tilespmem:s14+$0x8C10] =	vst v3;
	v3 =	vld [tilespmem:s14+$0x6C90]  }
0x21c: {  	v38 =	vld [tilespmem:s14+$0x6CF0];
	v51 =	vadd.f32 v54, v53;
	[tilespmem:s14+$0x8C40] =	vst v0;
	v0 =	vadd.f32 v6, v62;
	v2 =	vmax.f32 v2, $0.0e+00  }
0x21d: {  	v50 =	vld [tilespmem:s14+$0x6D50];
	v53 =	vadd.f32 v56, v55;
	v1 =	vmax.f32 v1, $0.0e+00;
	[tilespmem:s14+$0x8C30] =	vst v2;
	v2 =	vadd.f32 v63, v32  }
0x21e: {  	v40 =	vld [tilespmem:s14+$0x6D00];
	v55 =	vadd.f32 v58, v57;
	[tilespmem:s14+$0x8C50] =	vst v1;
	v0 =	vmax.f32 v0, $0.0e+00;
	v1 =	vadd.f32 v4, v33  }
0x21f: {  	v57 =	vadd.f32 v60, v9;
	v32 =	vld [tilespmem:s14+$0x6CC0];
	[tilespmem:s14+$0x8C70] =	vst v0;
	v2 =	vmax.f32 v2, $0.0e+00;
	v0 =	vadd.f32 v5, v37  }
0x220: {  	v42 =	vld [tilespmem:s14+$0x6D10];
	v60 =	vadd.f32 v10, v11;
	v1 =	vmax.f32 v1, $0.0e+00;
	[tilespmem:s14+$0x8C60] =	vst v2;
	v2 =	vadd.f32 v3, v35  }
0x221: {  	v44 =	vld [tilespmem:s14+$0x6D20];
	[tilespmem:s14+$0x8C80] =	vst v1;
	v1 =	vadd.f32 v61, v39;
	v0 =	vmax.f32 v0, $0.0e+00  }
0x222: {  	v46 =	vld [tilespmem:s14+$0x6D30];
	v3 =	vadd.f32 v50, v60;
	v2 =	vmax.f32 v2, $0.0e+00;
	[tilespmem:s14+$0x8CA0] =	vst v0  }
0x223: {  	v58 =	vld [tilespmem:s14+$0x6D90];
	v27 =	vimm.f32 $0.0e+00;
	v1 =	vmax.f32 v1, $0.0e+00;
	v0 =	vadd.f32 v34, v43;
	[tilespmem:s14+$0x8C90] =	vst v2  }
0x224: {  	s10 =	sadd.s32 $0x80, s12;
	v48 =	vld [tilespmem:s14+$0x6D40];
	v2 =	vadd.f32 v32, v41;
	[tilespmem:s14+$0x8CB0] =	vst v1;
	v1 =	vadd.f32 v36, v45;
	v36 =	vmax.f32 v3, $0.0e+00  }
0x225: {  	v52 =	vld [tilespmem:s14+$0x6D60];
	v61 =	vmov s10;
	v39 =	vadd.f32 v22, v19;
	v0 =	vmax.f32 v0, $0.0e+00;
	[tilespmem:s14+$0x8D50] =	vst v36  }
0x226: {  	v56 =	vld [tilespmem:s14+$0x6D80];
	vm0 =	vlt.s32 v61, v28;
	v2 =	vmax.f32 v2, $0.0e+00;
	[tilespmem:s14+$0x8CD0] =	vst v0;
	v0 =	vadd.f32 v40, v49  }
0x227: {  	v33 =	vld [tilespmem:s14+$0x6DB0];
	v63 =	vsel vm0, $0x3F800000, v27;
	v1 =	vmax.f32 v1, $0.0e+00;
	[tilespmem:s14+$0x8CC0] =	vst v2;
	v2 =	vadd.f32 v38, v47  }
0x228: {  	v54 =	vld [tilespmem:s14+$0x6D70];
	v6 =	vadd.f32 v58, v39;
	[tilespmem:s14+$0x8CE0] =	vst v1;
	v1 =	vadd.f32 v42, v51;
	v0 =	vmax.f32 v0, $0.0e+00  }
0x229: {  	v62 =	vld [tilespmem:s14+$0x6DA0];
	(xrf0) =	vmax.scan.msk.f32 $0xffff, v63;
	v38 =	vadd.f32 v18, v16;
	v2 =	vmax.f32 v2, $0.0e+00;
	[tilespmem:s14+$0x8D00] =	vst v0  }
0x22a: {  	v37 =	vld [tilespmem:s14+$0x6DC0];
	v42 =	vadd.f32 v17, v14;
	v1 =	vmax.f32 v1, $0.0e+00;
	v0 =	vadd.f32 v46, v55;
	[tilespmem:s14+$0x8CF0] =	vst v2  }
0x22b: {  	v50 =	vld [tilespmem:$0x1FF70];
	v5 =	vadd.f32 v56, v38;
	[tilespmem:s14+$0x8D10] =	vst v1;
	v1 =	vadd.f32 v48, v57;
	v48 =	vmax.f32 v6, $0.0e+00  }
0x22c: {  	v47 =	vld [tilespmem:$0x1FF60];
	v49 =	vadd.f32 v33, v42;
	v0 =	vmax.f32 v0, $0.0e+00;
	[tilespmem:s14+$0x8D90] =	vst v48  }
0x22d: {  	v32 =	vadd.f32 v26, v25;
	v51 =	vld [tilespmem:$0x1FF80];
	v2 =	vadd.f32 v44, v53;
	v46 =	vmax.f32 v5, $0.0e+00;
	[tilespmem:s14+$0x8D30] =	vst v0  }
0x22e: {  	v34 =	vadd.f32 v24, v21;
	v43 =	vadd.f32 v15, v13;
	v41 =	vld [tilespmem:s14+$0x6DD0];
	v53 =	vmax.f32 v49, $0.0e+00;
	[tilespmem:s14+$0x8D80] =	vst v46  }
0x22f: {  	v35 =	vadd.f32 v52, v32;
	v40 =	vadd.f32 v23, v20;
	v44 =	vld [tilespmem:s14+$0x6DE0];
	v45, _, _ =	vpop (xrf0);
	v2 =	vmax.f32 v2, $0.0e+00;
	[tilespmem:s14+$0x8DB0] =	vst v53  }
0x230: {  	(v2sf) =	vpush v45, $0xF;
	v1 =	vmax.f32 v1, $0.0e+00;
	v0 =	vadd.f32 v54, v34;
	[tilespmem:s14+$0x8D20] =	vst v2  }
0x231: {  	v4 =	vadd.f32 v12, v47;
	[tilespmem:s14+$0x8D40] =	vst v1;
	v1 =	vmax.f32 v35, $0.0e+00;
	v2 =	vadd.f32 v62, v40  }
0x232: {  	v6 =	vadd.f32 v51, v50;
	[tilespmem:s14+$0x8D60] =	vst v1;
	v0 =	vmax.f32 v0, $0.0e+00;
	v1 =	vadd.f32 v37, v43  }
0x233: {  	v54 =	vadd.f32 v41, v4;
	[tilespmem:s14+$0x8D70] =	vst v0;
	v52 =	vmax.f32 v2, $0.0e+00  }
0x234: {  	v56 =	vadd.f32 v44, v6;
	[tilespmem:s14+$0x8DA0] =	vst v52;
	v55 =	vmax.f32 v1, $0.0e+00  }
0x235: {  	v57 =	vmax.f32 v54, $0.0e+00;
	[tilespmem:s14+$0x8DC0] =	vst v55  }
0x236: {  	[tilespmem:s14+$0x8DD0] =	vst v57;
	v58 =	vmax.f32 v56, $0.0e+00  }
0x237: {  	[tilespmem:s14+$0x8DE0] =	vst v58  }
0x238: {  	v0 =	vld [tilespmem:$0x2A80]  }
0x239: {  	v60 =	vld [tilespmem:$0x2A90]  }
0x23a: {  	v61 =	vld [tilespmem:$0x2AA0]  }
0x23b: {  	v62 =	vld [tilespmem:$0x2AB0];
	_ =	sdelay $0x1  }
0x23c: {  	[tilespmem:$0x2B00] =	vst v0  }
0x23d: {  	[tilespmem:$0x2B10] =	vst v60  }
0x23e: {  	[tilespmem:$0x2B20] =	vst v61;
	s14 =	spop (v2sf)  }
0x23f: {  	[tilespmem:$0x2B30] =	vst v62;
	p1 =	sgt.f32 s14, $0.0e+00  }
0x240: {  	[spmem:s1] =	stream.indirect.scatter.add.f32 [tilespmem:s25], [sflag:$0x4], $0x80, s24, s23, $0xb8;
	[tilespmem:$0x1CE80] =	vst v63  }
0x241: {  	v0 =	vld @p1 [tilespmem:s10+$0x1000];
	_ =	sdelay $0x4  }
0x242: {  	[tilespmem:$0x2980] =	vst @p1 v0  }
0x243: {  	v0 =	vld @p1 [tilespmem:s10+$0x1880];
	_ =	sdelay $0x4  }
0x244: {  	vm0 =	vlt.s32 @p1 v0, $0x1387  }
0x245: {  	v1 =	vnsel @p1 vm0, $0x1387, v0  }
0x246: {  	[tilespmem:$0x2A80] =	vst @p1 v0;
	v0 =	vadd.s32 @p1 v59, v1  }
0x247: {  	[tilespmem:$0x2A00] =	vst @p1 v0  }
0x248: {  	v0 =	vld @p1 [tilespmem:s10+$0x2100];
	_ =	sdelay $0x4  }
0x249: {  	[tilespmem:$0x2B80] =	vst @p1 v0  }
0x24a: {  	v0 =	vld @p1 [tilespmem:s12+$0x1090];
	_ =	sdelay $0x4  }
0x24b: {  	[tilespmem:$0x2990] =	vst @p1 v0  }
0x24c: {  	v0 =	vld @p1 [tilespmem:s12+$0x1910];
	_ =	sdelay $0x4  }
0x24d: {  	vm0 =	vlt.s32 @p1 v0, $0x1387  }
0x24e: {  	v1 =	vnsel @p1 vm0, $0x1387, v0  }
0x24f: {  	[tilespmem:$0x2A90] =	vst @p1 v0;
	v0 =	vadd.s32 @p1 v59, v1  }
0x250: {  	[tilespmem:$0x2A10] =	vst @p1 v0  }
0x251: {  	v0 =	vld @p1 [tilespmem:s12+$0x2190];
	_ =	sdelay $0x4  }
0x252: {  	[tilespmem:$0x2B90] =	vst @p1 v0  }
0x253: {  	v0 =	vld @p1 [tilespmem:s12+$0x10A0];
	_ =	sdelay $0x4  }
0x254: {  	[tilespmem:$0x29A0] =	vst @p1 v0  }
0x255: {  	v0 =	vld @p1 [tilespmem:s12+$0x1920];
	_ =	sdelay $0x4  }
0x256: {  	vm0 =	vlt.s32 @p1 v0, $0x1387  }
0x257: {  	v1 =	vnsel @p1 vm0, $0x1387, v0  }
0x258: {  	[tilespmem:$0x2AA0] =	vst @p1 v0;
	v0 =	vadd.s32 @p1 v59, v1  }
0x259: {  	[tilespmem:$0x2A20] =	vst @p1 v0  }
0x25a: {  	v0 =	vld @p1 [tilespmem:s12+$0x21A0];
	_ =	sdelay $0x4  }
0x25b: {  	[tilespmem:$0x2BA0] =	vst @p1 v0  }
0x25c: {  	s13 =	sor.u32 $0x40, s12;
	v0 =	vld @p1 [tilespmem:s12+$0x10B0]  }
0x25d: {  	v63 =	vmov s13  }
0x25e: {  	vm15 =	vlt.s32 v63, v28  }
0x25f: {  	v1 =	vsel vm15, $0x3F800000, v27  }
0x260: {  	(xrf0) =	vmax.scan.msk.f32 $0xffff, v1  }
0x261: {  	[tilespmem:$0x29B0] =	vst @p1 v0  }
0x262: {  	v0 =	vld @p1 [tilespmem:s12+$0x1930];
	_ =	sdelay $0x3  }
0x263: {  	v1, _, _ =	vpop (xrf0)  }
0x264: {  	(v2sf) =	vpush v1, $0xF;
	vm0 =	vlt.s32 @p1 v0, $0x1387  }
0x265: {  	v1 =	vnsel @p1 vm0, $0x1387, v0  }
0x266: {  	[tilespmem:$0x2AB0] =	vst @p1 v0;
	v0 =	vadd.s32 @p1 v59, v1  }
0x267: {  	[tilespmem:$0x2A30] =	vst @p1 v0  }
0x268: {  	v0 =	vld @p1 [tilespmem:s12+$0x21B0];
	_ =	sdelay $0x4  }
0x269: {  	s13 =	simm.s32 @p1 $0x2980;
	s14 =	simm.s32 @p1 $0x2C00;
	s10 =	simm.s32 @p1 $0x40;
	[tilespmem:$0x2BB0] =	vst @p1 v0  }
0x26a: {  	[tilespmem:s14], [sflag:$0x1] =	stream.indirect.gather @p1 [hbm4b:s4+s10], $0x80, s13, s10, $0xb8;
	[tilespmem:$0x1CE80] =	vst v63  }
0x26b: {  	s13 =	simm.s32 @p1 $0x2A00;
	s14 =	simm.s32 @p1 $0x4C00  }
0x26c: {  	[tilespmem:s14], [sflag:$0x2] =	stream.indirect.gather @p1 [hbm4b:s5+s10], $0x80, s13, s10, $0xb8;
	[tilespmem:$0x1CE80] =	vst v63  }
0x26d: {  	s13 =	simm.s32 @p1 $0x2B80;
	s14 =	simm.s32 @p1 $0x6C00  }
0x26e: {  	[tilespmem:s14], [sflag:$0x3] =	stream.indirect.gather @p1 [hbm4b:s6+s10], $0x80, s13, s10, $0xb8;
	[tilespmem:$0x1CE80] =	vst v63  }
0x26f: {  	s14 =	spop (v2sf)  }
0x270: {  	p1 =	sgt.f32 s14, $0.0e+00  }
.Ltmp8:
0x271: {  	_ = 	snop;
	(pc) =	sbr.rel @!p1 .LBB2_12-.Ltmp8, $1  }
0x272: {  	_ =	sdelay $0x3  }
0x273: {  	_ =	swait.ge [sflag:s26], $0x2000  }
0x274: {  	[sflag:s26] =	ssyncset.done $0x0  }
0x275: {  	[sflag:s26] =	ssyncadd.s32 $0xFFFFE000  }
0x276: {  	s10 =	sadd.s32 $0xFFFFFFC0, s12;
	_ =	swait.ge [sflag:s28], $0x2000  }
0x277: {  	v0 =	vmov s10;
	[sflag:s28] =	ssyncset.done $0x0  }
0x278: {  	vm0 =	vlt.s32 v0, v28;
	[sflag:s28] =	ssyncadd.s32 $0xFFFFE000  }
0x279: {  	v0 =	vsel vm0, $0x3F800000, v27;
	_ =	swait.ge [sflag:s29], $0x2000  }
0x27a: {  	(xrf0) =	vmax.scan.msk.f32 $0xffff, v0;
	_ =	sdelay $0x5  }
0x27b: {  	v0, _, _ =	vpop (xrf0)  }
0x27c: {  	(v2sf) =	vpush v0, $0xF;
	_ =	sdelay $0xe  }
0x27d: {  	s10 =	spop (v2sf)  }
0x27e: {  	p1 =	sgt.f32 @!p0 s10, $0.0e+00;
	_ =	sdelay $0x1  }
0x27f: {  	[sflag:s29] =	ssyncset.done $0x0;
	p0 =	por !p1, p0  }
0x280: {  	[sflag:s29] =	ssyncadd.s32 $0xFFFFE000;
	s10 =	simm.s32 @!p0 $0x8  }
0x281: {  	_ =	swait.ge @!p0 [sflag:s10], $0x2000  }
0x282: {  	[sflag:s10] =	ssyncset.done @!p0 $0x0  }
0x283: {  	s13 =	simm.s32 $0x0;
	[sflag:s10] =	ssyncadd.s32 @!p0 $0xFFFFE000  }
0x284: {  	v62 =	vld [tilespmem:s13+$0xB070]  }
0x285: {  	v1 =	vld [tilespmem:s13+$0xD070]  }
0x286: {  	v2 =	vld [tilespmem:s13+$0xAE80]  }
0x287: {  	v3 =	vld [tilespmem:s13+$0xF070]  }
0x288: {  	v4 =	vld [tilespmem:s13+$0xCE80]  }
0x289: {  	v5 =	vld [tilespmem:s13+$0xAE90]  }
0x28a: {  	v6 =	vld [tilespmem:s13+$0xCE90]  }
0x28b: {  	v8 =	vld [tilespmem:s13+$0xAEA0]  }
0x28c: {  	v7 =	vld [tilespmem:s13+$0xCEA0]  }
0x28d: {  	v10 =	vld [tilespmem:s13+$0xAEB0]  }
0x28e: {  	v9 =	vld [tilespmem:s13+$0xCEB0]  }
0x28f: {  	v25 =	vld [tilespmem:s13+$0xAEC0]  }
0x290: {  	v11 =	vld [tilespmem:s13+$0xCEC0]  }
0x291: {  	v26 =	vld [tilespmem:s13+$0xAED0]  }
0x292: {  	v27 =	vld [tilespmem:s13+$0xCED0]  }
0x293: {  	v28 =	vld [tilespmem:s13+$0xAEE0]  }
0x294: {  	v29 =	vld [tilespmem:s13+$0xCEE0]  }
0x295: {  	v30 =	vld [tilespmem:s13+$0xAEF0]  }
0x296: {  	v31 =	vld [tilespmem:s13+$0xCEF0]  }
0x297: {  	v32 =	vld [tilespmem:s13+$0xAF00]  }
0x298: {  	v33 =	vld [tilespmem:s13+$0xCF00]  }
0x299: {  	v34 =	vld [tilespmem:s13+$0xAF10]  }
0x29a: {  	v35 =	vld [tilespmem:s13+$0xCF10]  }
0x29b: {  	v36 =	vld [tilespmem:s13+$0xAF20]  }
0x29c: {  	v37 =	vld [tilespmem:s13+$0xCF20]  }
0x29d: {  	v38 =	vld [tilespmem:s13+$0xAF30]  }
0x29e: {  	v39 =	vld [tilespmem:s13+$0xCF30]  }
0x29f: {  	v40 =	vld [tilespmem:s13+$0xAF40]  }
0x2a0: {  	v41 =	vld [tilespmem:s13+$0xCF40]  }
0x2a1: {  	v42 =	vld [tilespmem:s13+$0xAF50]  }
0x2a2: {  	v43 =	vld [tilespmem:s13+$0xCF50]  }
0x2a3: {  	v44 =	vld [tilespmem:s13+$0xAF60]  }
0x2a4: {  	v45 =	vld [tilespmem:s13+$0xCF60]  }
0x2a5: {  	v46 =	vld [tilespmem:s13+$0xAF70]  }
0x2a6: {  	v47 =	vld [tilespmem:s13+$0xCF70]  }
0x2a7: {  	v48 =	vld [tilespmem:s13+$0xAF80]  }
0x2a8: {  	v49 =	vld [tilespmem:s13+$0xCF80]  }
0x2a9: {  	v50 =	vld [tilespmem:s13+$0xAF90]  }
0x2aa: {  	v51 =	vld [tilespmem:s13+$0xCF90]  }
0x2ab: {  	v52 =	vld [tilespmem:s13+$0xAFA0]  }
0x2ac: {  	v53 =	vld [tilespmem:s13+$0xCFA0]  }
0x2ad: {  	v54 =	vld [tilespmem:s13+$0xAFB0]  }
0x2ae: {  	v55 =	vld [tilespmem:s13+$0xCFB0]  }
0x2af: {  	v56 =	vld [tilespmem:s13+$0xAFC0]  }
0x2b0: {  	v57 =	vld [tilespmem:s13+$0xCFC0]  }
0x2b1: {  	v58 =	vld [tilespmem:s13+$0xAFD0]  }
0x2b2: {  	v60 =	vld [tilespmem:s13+$0xCFD0]  }
0x2b3: {  	v61 =	vld [tilespmem:s13+$0xAFE0]  }
0x2b4: {  	v12 =	vld [tilespmem:s13+$0xAFF0]  }
0x2b5: {  	v15 =	vld [tilespmem:s13+$0xCFF0]  }
0x2b6: {  	v16 =	vld [tilespmem:s13+$0xB000]  }
0x2b7: {  	v63 =	vld [tilespmem:s13+$0xB050]  }
0x2b8: {  	v20 =	vld [tilespmem:s13+$0xD000]  }
0x2b9: {  	v17 =	vld [tilespmem:s13+$0xB010]  }
0x2ba: {  	v21 =	vld [tilespmem:s13+$0xD010]  }
0x2bb: {  	v22 =	vld [tilespmem:s13+$0xB020]  }
0x2bc: {  	[tilespmem:$0x1FF30] =	vst v63;
	v63 =	vld [tilespmem:s13+$0xD050]  }
0x2bd: {  	v24 =	vld [tilespmem:s13+$0xD020]  }
0x2be: {  	v18 =	vld [tilespmem:s13+$0xB030]  }
0x2bf: {  	v23 =	vld [tilespmem:s13+$0xD030];
	v0 =	vadd.f32 v1, v62  }
0x2c0: {  	v13 =	vld [tilespmem:s13+$0xB040]  }
0x2c1: {  	v0 =	vadd.f32 v3, v0;
	[tilespmem:$0x1FF40] =	vst v63;
	v63 =	vld [tilespmem:s13+$0xB060]  }
0x2c2: {  	v19 =	vld [tilespmem:s13+$0xD040]  }
0x2c3: {  	v14 =	vld [tilespmem:s13+$0xD060];
	v0 =	vmax.f32 v0, $0.0e+00  }
0x2c4: {  	[tilespmem:s13+$0x11070] =	vst v0;
	v0 =	vld [tilespmem:s13+$0xEE90]  }
0x2c5: {  	v62 =	vld [tilespmem:s13+$0xCFE0]  }
0x2c6: {  	[tilespmem:$0x1FF50] =	vst v63;
	v63 =	vld [tilespmem:s13+$0xEE80]  }
0x2c7: {  	v1 =	vld [tilespmem:s13+$0xEEA0];
	v5 =	vadd.f32 v6, v5  }
0x2c8: {  	v2 =	vadd.f32 v4, v2;
	v4 =	vld [tilespmem:s13+$0xEEB0]  }
0x2c9: {  	v3 =	vld [tilespmem:s13+$0xEEC0];
	v0 =	vadd.f32 v0, v5  }
0x2ca: {  	v6 =	vld [tilespmem:s13+$0xEED0];
	v7 =	vadd.f32 v7, v8  }
0x2cb: {  	v8 =	vld [tilespmem:s13+$0xEF40];
	v0 =	vmax.f32 v0, $0.0e+00;
	v2 =	vadd.f32 v63, v2  }
0x2cc: {  	v1 =	vadd.f32 v1, v7;
	v5 =	vld [tilespmem:s13+$0xEEF0];
	[tilespmem:s13+$0x10E90] =	vst v0;
	v0 =	vadd.f32 v11, v25  }
0x2cd: {  	v29 =	vadd.f32 v29, v28;
	v28 =	vld [tilespmem:s13+$0xEF50];
	v2 =	vmax.f32 v2, $0.0e+00  }
0x2ce: {  	v1 =	vmax.f32 v1, $0.0e+00;
	v63 =	vld [tilespmem:s13+$0xEEE0];
	v0 =	vadd.f32 v3, v0;
	[tilespmem:s13+$0x10E80] =	vst v2;
	v2 =	vadd.f32 v9, v10  }
0x2cf: {  	v31 =	vadd.f32 v31, v30;
	[tilespmem:s13+$0x10EA0] =	vst v1;
	v1 =	vadd.f32 v27, v26;
	v3 =	vld [tilespmem:s13+$0xEF20]  }
0x2d0: {  	v7 =	vld [tilespmem:s13+$0xEF00];
	v0 =	vmax.f32 v0, $0.0e+00;
	v2 =	vadd.f32 v4, v2  }
0x2d1: {  	v1 =	vadd.f32 v6, v1;
	[tilespmem:s13+$0x10EC0] =	vst v0;
	v0 =	vadd.f32 v5, v31;
	v4 =	vld [tilespmem:s13+$0xEF10]  }
0x2d2: {  	v30 =	vld [tilespmem:s13+$0xEF60];
	v11 =	vadd.f32 v19, v13;
	v31 =	vadd.f32 v37, v36;
	v2 =	vmax.f32 v2, $0.0e+00  }
0x2d3: {  	v6 =	vld [tilespmem:s13+$0xEF30];
	v0 =	vmax.f32 v0, $0.0e+00;
	[tilespmem:s13+$0x10EB0] =	vst v2;
	v2 =	vadd.f32 v63, v29;
	v63 =	vadd.f32 v33, v32  }
0x2d4: {  	v1 =	vmax.f32 v1, $0.0e+00;
	v36 =	vld [tilespmem:s13+$0xEF90];
	[tilespmem:s13+$0x10EF0] =	vst v0;
	v0 =	vadd.f32 v3, v31;
	v29 =	vadd.f32 v35, v34  }
0x2d5: {  	[tilespmem:s13+$0x10ED0] =	vst v1;
	v37 =	vadd.f32 v43, v42;
	v34 =	vld [tilespmem:s13+$0xEF80];
	v2 =	vmax.f32 v2, $0.0e+00;
	v1 =	vadd.f32 v7, v63  }
0x2d6: {  	v43 =	vld [tilespmem:s13+$0xEFD0];
	v33 =	vadd.f32 v39, v38;
	v0 =	vmax.f32 v0, $0.0e+00;
	[tilespmem:s13+$0x10EE0] =	vst v2;
	v2 =	vadd.f32 v4, v29  }
0x2d7: {  	v32 =	vld [tilespmem:s13+$0xEF70];
	v35 =	vadd.f32 v41, v40;
	[tilespmem:s13+$0x10F20] =	vst v0;
	v0 =	vadd.f32 v28, v37;
	v1 =	vmax.f32 v1, $0.0e+00  }
0x2d8: {  	v42 =	vadd.f32 v49, v48;
	v39 =	vld [tilespmem:s13+$0xEFB0];
	[tilespmem:s13+$0x10F00] =	vst v1;
	v2 =	vmax.f32 v2, $0.0e+00;
	v1 =	vadd.f32 v6, v33  }
0x2d9: {  	v38 =	vadd.f32 v45, v44;
	v41 =	vld [tilespmem:s13+$0xEFC0];
	v0 =	vmax.f32 v0, $0.0e+00;
	[tilespmem:s13+$0x10F10] =	vst v2;
	v2 =	vadd.f32 v8, v35  }
0x2da: {  	v40 =	vadd.f32 v47, v46;
	[tilespmem:s13+$0x10F50] =	vst v0;
	v0 =	vadd.f32 v34, v42;
	v8 =	vld [tilespmem:s13+$0xEFA0];
	v1 =	vmax.f32 v1, $0.0e+00  }
0x2db: {  	v48 =	vadd.f32 v55, v54;
	v45 =	vld [tilespmem:s13+$0xEFE0];
	[tilespmem:s13+$0x10F30] =	vst v1;
	v2 =	vmax.f32 v2, $0.0e+00;
	v1 =	vadd.f32 v30, v38  }
0x2dc: {  	v44 =	vadd.f32 v51, v50;
	v47 =	vld [tilespmem:s13+$0xEFF0];
	v0 =	vmax.f32 v0, $0.0e+00;
	[tilespmem:s13+$0x10F40] =	vst v2;
	v2 =	vadd.f32 v32, v40  }
0x2dd: {  	v46 =	vadd.f32 v53, v52;
	v50 =	vld [tilespmem:s13+$0xF010];
	[tilespmem:s13+$0x10F80] =	vst v0;
	v0 =	vadd.f32 v39, v48;
	v1 =	vmax.f32 v1, $0.0e+00  }
0x2de: {  	v49 =	vadd.f32 v57, v56;
	v52 =	vld [tilespmem:s13+$0xF020];
	[tilespmem:s13+$0x10F60] =	vst v1;
	v2 =	vmax.f32 v2, $0.0e+00;
	v1 =	vadd.f32 v36, v44  }
0x2df: {  	v53 =	vadd.f32 v62, v61;
	v61 =	vld [tilespmem:$0x1FF30];
	v0 =	vmax.f32 v0, $0.0e+00;
	[tilespmem:s13+$0x10F70] =	vst v2;
	v2 =	vadd.f32 v8, v46  }
0x2e0: {  	v55 =	vadd.f32 v15, v12;
	v51 =	vadd.f32 v60, v58;
	[tilespmem:s13+$0x10FB0] =	vst v0;
	v8 =	vld [tilespmem:s13+$0xF000];
	v1 =	vmax.f32 v1, $0.0e+00  }
0x2e1: {  	v56 =	vadd.f32 v20, v16;
	v62 =	vld [tilespmem:$0x1FF40];
	v0 =	vadd.f32 v45, v53;
	[tilespmem:s13+$0x10F90] =	vst v1;
	v2 =	vmax.f32 v2, $0.0e+00  }
0x2e2: {  	v63 =	vld [tilespmem:$0x1FF50];
	v1 =	vadd.f32 v41, v49;
	[tilespmem:s13+$0x10FA0] =	vst v2;
	v2 =	vadd.f32 v43, v51  }
0x2e3: {  	v25 =	vld [tilespmem:s13+$0xF030];
	v57 =	vadd.f32 v21, v17;
	v10 =	vadd.f32 v23, v18;
	v0 =	vmax.f32 v0, $0.0e+00  }
0x2e4: {  	v26 =	vld [tilespmem:s13+$0xF040];
	[tilespmem:s13+$0x10FE0] =	vst v0;
	v1 =	vmax.f32 v1, $0.0e+00;
	v54 =	vmax.f32 v2, $0.0e+00;
	v2 =	vadd.f32 v47, v55  }
0x2e5: {  	v15 =	vld [tilespmem:s13+$0xF050];
	v58 =	vadd.f32 v24, v22;
	[tilespmem:s13+$0x10FC0] =	vst v1;
	v60 =	vadd.f32 v8, v56  }
0x2e6: {  	s14 =	simm.s32 $0x200;
	v16 =	vld [tilespmem:s13+$0xF060];
	v12 =	vadd.f32 v62, v61;
	v17 =	vadd.f32 v50, v57;
	[tilespmem:s13+$0x10FD0] =	vst v54;
	v2 =	vmax.f32 v2, $0.0e+00  }
0x2e7: {  	s10 =	simm.s32 $0x1000;
	v9 =	vadd.f32 v14, v63;
	v14 =	vadd.f32 v52, v58;
	v13 =	vld [tilespmem:s14+$0xB070];
	v18 =	vmax.f32 v60, $0.0e+00;
	[tilespmem:s13+$0x10FF0] =	vst v2  }
.LBB2_10:
0x2e8: {  	p0 =	sne.s32 s10, $0x7800;
	v0 =	vld [tilespmem:s14+$0xD070];
	[tilespmem:s13+$0x11000] =	vst v18;
	v1 =	vmax.f32 v17, $0.0e+00;
	v2 =	vadd.f32 v25, v10  }
0x2e9: {  	v3 =	vld [tilespmem:s14+$0xAE80];
	[tilespmem:s13+$0x11010] =	vst v1;
	v1 =	vmax.f32 v14, $0.0e+00;
	v4 =	vadd.f32 v26, v11  }
0x2ea: {  	v5 =	vld [tilespmem:s14+$0xF070];
	[tilespmem:s13+$0x11020] =	vst v1;
	v1 =	vmax.f32 v2, $0.0e+00;
	v2 =	vadd.f32 v15, v12  }
0x2eb: {  	v6 =	vld [tilespmem:s14+$0xCE80];
	[tilespmem:s13+$0x11030] =	vst v1;
	v1 =	vmax.f32 v4, $0.0e+00;
	v4 =	vadd.f32 v16, v9  }
0x2ec: {  	v7 =	vld [tilespmem:s14+$0xAE90];
	[tilespmem:s13+$0x11040] =	vst v1;
	v1 =	vmax.f32 v2, $0.0e+00  }
0x2ed: {  	v2 =	vld [tilespmem:s14+$0xCE90];
	v0 =	vadd.f32 v0, v13;
	[tilespmem:s13+$0x11050] =	vst v1;
	v1 =	vmax.f32 v4, $0.0e+00  }
0x2ee: {  	v4 =	vld [tilespmem:s14+$0xAEA0];
	[tilespmem:s13+$0x11060] =	vst v1;
	s13 =	smov.u32 s14  }
0x2ef: {  	v1 =	vld [tilespmem:s13+$0xCEA0];
	v0 =	vadd.f32 v5, v0  }
0x2f0: {  	v13 =	vadd.f32 v6, v3;
	v3 =	vld [tilespmem:s13+$0xAEB0]  }
0x2f1: {  	v5 =	vld [tilespmem:s13+$0xCEB0];
	v0 =	vmax.f32 v0, $0.0e+00  }
0x2f2: {  	v15 =	vadd.f32 v2, v7;
	v2 =	vld [tilespmem:s13+$0xAEC0];
	[tilespmem:s13+$0x11070] =	vst v0  }
0x2f3: {  	v0 =	vld [tilespmem:s13+$0xCEC0]  }
0x2f4: {  	v17 =	vadd.f32 v1, v4;
	v1 =	vld [tilespmem:s13+$0xAED0]  }
0x2f5: {  	v4 =	vld [tilespmem:s13+$0xCED0]  }
0x2f6: {  	v18 =	vadd.f32 v5, v3;
	v3 =	vld [tilespmem:s13+$0xAEE0]  }
0x2f7: {  	v5 =	vld [tilespmem:s13+$0xCEE0]  }
0x2f8: {  	v19 =	vadd.f32 v0, v2;
	v0 =	vld [tilespmem:s13+$0xAEF0]  }
0x2f9: {  	v2 =	vld [tilespmem:s13+$0xCEF0]  }
0x2fa: {  	v20 =	vadd.f32 v4, v1;
	v1 =	vld [tilespmem:s13+$0xAF00]  }
0x2fb: {  	v4 =	vld [tilespmem:s13+$0xCF00]  }
0x2fc: {  	v21 =	vadd.f32 v5, v3;
	v3 =	vld [tilespmem:s13+$0xAF10]  }
0x2fd: {  	v5 =	vld [tilespmem:s13+$0xCF10]  }
0x2fe: {  	v22 =	vadd.f32 v2, v0;
	v0 =	vld [tilespmem:s13+$0xAF20]  }
0x2ff: {  	v2 =	vld [tilespmem:s13+$0xCF20]  }
0x300: {  	v23 =	vadd.f32 v4, v1;
	v1 =	vld [tilespmem:s13+$0xAF30]  }
0x301: {  	v4 =	vld [tilespmem:s13+$0xCF30]  }
0x302: {  	v24 =	vadd.f32 v5, v3;
	v3 =	vld [tilespmem:s13+$0xAF40]  }
0x303: {  	v5 =	vld [tilespmem:s13+$0xCF40]  }
0x304: {  	v25 =	vadd.f32 v2, v0;
	v0 =	vld [tilespmem:s13+$0xAF50]  }
0x305: {  	v2 =	vld [tilespmem:s13+$0xCF50]  }
0x306: {  	v26 =	vadd.f32 v4, v1;
	v1 =	vld [tilespmem:s13+$0xAF60]  }
0x307: {  	v4 =	vld [tilespmem:s13+$0xCF60]  }
0x308: {  	v27 =	vadd.f32 v5, v3;
	v3 =	vld [tilespmem:s13+$0xAF70]  }
0x309: {  	v5 =	vld [tilespmem:s13+$0xCF70]  }
0x30a: {  	v28 =	vadd.f32 v2, v0;
	v0 =	vld [tilespmem:s13+$0xAF80]  }
0x30b: {  	v2 =	vld [tilespmem:s13+$0xCF80]  }
0x30c: {  	v29 =	vadd.f32 v4, v1;
	v1 =	vld [tilespmem:s13+$0xAF90]  }
0x30d: {  	v4 =	vld [tilespmem:s13+$0xCF90]  }
0x30e: {  	v30 =	vadd.f32 v5, v3;
	v3 =	vld [tilespmem:s13+$0xAFA0]  }
0x30f: {  	v5 =	vld [tilespmem:s13+$0xCFA0]  }
0x310: {  	v31 =	vadd.f32 v2, v0;
	v0 =	vld [tilespmem:s13+$0xAFB0]  }
0x311: {  	v2 =	vld [tilespmem:s13+$0xCFB0]  }
0x312: {  	v32 =	vadd.f32 v4, v1;
	v1 =	vld [tilespmem:s13+$0xAFC0]  }
0x313: {  	v4 =	vld [tilespmem:s13+$0xCFC0]  }
0x314: {  	v33 =	vadd.f32 v5, v3;
	v3 =	vld [tilespmem:s13+$0xAFD0]  }
0x315: {  	v5 =	vld [tilespmem:s13+$0xCFD0]  }
0x316: {  	v34 =	vadd.f32 v2, v0;
	v0 =	vld [tilespmem:s13+$0xAFE0]  }
0x317: {  	v2 =	vld [tilespmem:s13+$0xCFE0]  }
0x318: {  	v35 =	vadd.f32 v4, v1;
	v1 =	vld [tilespmem:s13+$0xAFF0]  }
0x319: {  	v4 =	vld [tilespmem:s13+$0xCFF0]  }
0x31a: {  	v36 =	vadd.f32 v5, v3;
	v3 =	vld [tilespmem:s13+$0xB000]  }
0x31b: {  	v5 =	vld [tilespmem:s13+$0xD000]  }
0x31c: {  	v37 =	vadd.f32 v2, v0;
	v0 =	vld [tilespmem:s13+$0xB010]  }
0x31d: {  	v2 =	vld [tilespmem:s13+$0xD010]  }
0x31e: {  	v38 =	vadd.f32 v4, v1;
	v1 =	vld [tilespmem:s13+$0xB020]  }
0x31f: {  	v4 =	vld [tilespmem:s13+$0xD020]  }
0x320: {  	v39 =	vadd.f32 v5, v3;
	v3 =	vld [tilespmem:s13+$0xB030]  }
0x321: {  	v5 =	vld [tilespmem:s13+$0xD030]  }
0x322: {  	v16 =	vadd.f32 v2, v0;
	v0 =	vld [tilespmem:s13+$0xB040]  }
0x323: {  	v2 =	vld [tilespmem:s13+$0xD040]  }
0x324: {  	v14 =	vadd.f32 v4, v1;
	v1 =	vld [tilespmem:s13+$0xB050]  }
0x325: {  	v4 =	vld [tilespmem:s13+$0xD050]  }
0x326: {  	v10 =	vadd.f32 v5, v3;
	v3 =	vld [tilespmem:s13+$0xB060]  }
0x327: {  	v5 =	vld [tilespmem:s13+$0xD060]  }
0x328: {  	v6 =	vld [tilespmem:s13+$0xEE80];
	v11 =	vadd.f32 v2, v0  }
0x329: {  	v0 =	vld [tilespmem:s13+$0xEE90]  }
0x32a: {  	v2 =	vld [tilespmem:s13+$0xEEA0];
	v12 =	vadd.f32 v4, v1  }
0x32b: {  	v1 =	vld [tilespmem:s13+$0xEEB0]  }
0x32c: {  	v4 =	vld [tilespmem:s13+$0xEEC0];
	v9 =	vadd.f32 v5, v3  }
0x32d: {  	v3 =	vadd.f32 v6, v13;
	v5 =	vld [tilespmem:s13+$0xEED0]  }
0x32e: {  	v0 =	vadd.f32 v0, v15;
	v6 =	vld [tilespmem:s13+$0xEEE0]  }
0x32f: {  	v3 =	vmax.f32 v3, $0.0e+00;
	v2 =	vadd.f32 v2, v17;
	v7 =	vld [tilespmem:s13+$0xEEF0]  }
0x330: {  	[tilespmem:s13+$0x10E80] =	vst v3;
	v0 =	vmax.f32 v0, $0.0e+00;
	v1 =	vadd.f32 v1, v18;
	v3 =	vld [tilespmem:s13+$0xEF00]  }
0x331: {  	[tilespmem:s13+$0x10E90] =	vst v0;
	v0 =	vmax.f32 v2, $0.0e+00;
	v2 =	vadd.f32 v4, v19;
	v4 =	vld [tilespmem:s13+$0xEF10]  }
0x332: {  	[tilespmem:s13+$0x10EA0] =	vst v0;
	v0 =	vmax.f32 v1, $0.0e+00;
	v1 =	vadd.f32 v5, v20;
	v5 =	vld [tilespmem:s13+$0xEF20]  }
0x333: {  	[tilespmem:s13+$0x10EB0] =	vst v0;
	v0 =	vmax.f32 v2, $0.0e+00;
	v2 =	vadd.f32 v6, v21;
	v6 =	vld [tilespmem:s13+$0xEF30]  }
0x334: {  	[tilespmem:s13+$0x10EC0] =	vst v0;
	v0 =	vmax.f32 v1, $0.0e+00;
	v1 =	vadd.f32 v7, v22;
	v7 =	vld [tilespmem:s13+$0xEF40]  }
0x335: {  	[tilespmem:s13+$0x10ED0] =	vst v0;
	v0 =	vmax.f32 v2, $0.0e+00;
	v2 =	vadd.f32 v3, v23;
	v3 =	vld [tilespmem:s13+$0xEF50]  }
0x336: {  	[tilespmem:s13+$0x10EE0] =	vst v0;
	v0 =	vmax.f32 v1, $0.0e+00;
	v1 =	vadd.f32 v4, v24;
	v4 =	vld [tilespmem:s13+$0xEF60]  }
0x337: {  	[tilespmem:s13+$0x10EF0] =	vst v0;
	v0 =	vmax.f32 v2, $0.0e+00;
	v2 =	vadd.f32 v5, v25;
	v5 =	vld [tilespmem:s13+$0xEF70]  }
0x338: {  	[tilespmem:s13+$0x10F00] =	vst v0;
	v0 =	vmax.f32 v1, $0.0e+00;
	v1 =	vadd.f32 v6, v26;
	v6 =	vld [tilespmem:s13+$0xEF80]  }
0x339: {  	[tilespmem:s13+$0x10F10] =	vst v0;
	v0 =	vmax.f32 v2, $0.0e+00;
	v2 =	vadd.f32 v7, v27;
	v7 =	vld [tilespmem:s13+$0xEF90]  }
0x33a: {  	[tilespmem:s13+$0x10F20] =	vst v0;
	v0 =	vmax.f32 v1, $0.0e+00;
	v1 =	vadd.f32 v3, v28;
	v3 =	vld [tilespmem:s13+$0xEFA0]  }
0x33b: {  	[tilespmem:s13+$0x10F30] =	vst v0;
	v0 =	vmax.f32 v2, $0.0e+00;
	v2 =	vadd.f32 v4, v29;
	v4 =	vld [tilespmem:s13+$0xEFB0]  }
0x33c: {  	[tilespmem:s13+$0x10F40] =	vst v0;
	v0 =	vmax.f32 v1, $0.0e+00;
	v1 =	vadd.f32 v5, v30;
	v5 =	vld [tilespmem:s13+$0xEFC0]  }
0x33d: {  	[tilespmem:s13+$0x10F50] =	vst v0;
	v0 =	vmax.f32 v2, $0.0e+00;
	v2 =	vadd.f32 v6, v31;
	v6 =	vld [tilespmem:s13+$0xEFD0]  }
0x33e: {  	[tilespmem:s13+$0x10F60] =	vst v0;
	v0 =	vmax.f32 v1, $0.0e+00;
	v1 =	vadd.f32 v7, v32;
	v7 =	vld [tilespmem:s13+$0xEFE0]  }
0x33f: {  	[tilespmem:s13+$0x10F70] =	vst v0;
	v0 =	vmax.f32 v2, $0.0e+00;
	v2 =	vadd.f32 v3, v33;
	v3 =	vld [tilespmem:s13+$0xEFF0]  }
0x340: {  	[tilespmem:s13+$0x10F80] =	vst v0;
	v0 =	vmax.f32 v1, $0.0e+00;
	v1 =	vadd.f32 v4, v34;
	v4 =	vld [tilespmem:s13+$0xF000]  }
0x341: {  	[tilespmem:s13+$0x10F90] =	vst v0;
	v0 =	vmax.f32 v2, $0.0e+00;
	v2 =	vadd.f32 v5, v35;
	v5 =	vld [tilespmem:s13+$0xF010]  }
0x342: {  	[tilespmem:s13+$0x10FA0] =	vst v0;
	v0 =	vmax.f32 v1, $0.0e+00;
	v1 =	vadd.f32 v6, v36;
	v6 =	vld [tilespmem:s13+$0xF020]  }
.Ltmp9:
0x343: {  	[tilespmem:s13+$0x10FB0] =	vst v0;
	v0 =	vmax.f32 v2, $0.0e+00;
	v2 =	vadd.f32 v7, v37;
	v25 =	vld [tilespmem:s13+$0xF030];
	(pc) =	sbr.rel @p0 .LBB2_10-.Ltmp9, $4  }
0x344: {  	[tilespmem:s13+$0x10FC0] =	vst v0;
	v0 =	vmax.f32 v1, $0.0e+00;
	v1 =	vadd.f32 v3, v38;
	v26 =	vld [tilespmem:s13+$0xF040]  }
0x345: {  	[tilespmem:s13+$0x10FD0] =	vst v0;
	v0 =	vmax.f32 v2, $0.0e+00;
	v2 =	vadd.f32 v4, v39;
	v15 =	vld [tilespmem:s13+$0xF050]  }
0x346: {  	s14 =	sshra.s32 s10, $0x2;
	[tilespmem:s13+$0x10FE0] =	vst v0;
	v0 =	vmax.f32 v1, $0.0e+00;
	v17 =	vadd.f32 v5, v16;
	v16 =	vld [tilespmem:s13+$0xF060]  }
0x347: {  	s10 =	sadd.s32 $0x800, s10;
	v13 =	vld [tilespmem:s14+$0xB070];
	[tilespmem:s13+$0x10FF0] =	vst v0;
	v18 =	vmax.f32 v2, $0.0e+00;
	v14 =	vadd.f32 v6, v14  }
0x348: {  	v0 =	vld [tilespmem:s14+$0xD070];
	[tilespmem:s13+$0x11000] =	vst v18;
	v1 =	vmax.f32 v17, $0.0e+00;
	v60 =	vadd.f32 v25, v10  }
0x349: {  	v17 =	vld [tilespmem:s14+$0xAE80];
	[tilespmem:s13+$0x11010] =	vst v1;
	v3 =	vmax.f32 v14, $0.0e+00;
	v61 =	vadd.f32 v26, v11  }
0x34a: {  	v4 =	vld [tilespmem:s14+$0xF070];
	[tilespmem:s13+$0x11020] =	vst v3;
	v1 =	vmax.f32 v60, $0.0e+00;
	v62 =	vadd.f32 v15, v12  }
0x34b: {  	v10 =	vld [tilespmem:s14+$0xCE80];
	[tilespmem:s13+$0x11030] =	vst v1;
	v3 =	vmax.f32 v61, $0.0e+00;
	v63 =	vadd.f32 v16, v9  }
0x34c: {  	v11 =	vld [tilespmem:s14+$0xAE90];
	[tilespmem:s13+$0x11040] =	vst v3;
	v1 =	vmax.f32 v62, $0.0e+00  }
0x34d: {  	v7 =	vld [tilespmem:s14+$0xCE90];
	[tilespmem:s13+$0x11050] =	vst v1;
	v9 =	vmax.f32 v63, $0.0e+00  }
0x34e: {  	v0 =	vadd.f32 v0, v13;
	v6 =	vld [tilespmem:s14+$0xAEA0];
	[tilespmem:s13+$0x11060] =	vst v9  }
0x34f: {  	v3 =	vld [tilespmem:s14+$0xCEA0]  }
0x350: {  	v0 =	vadd.f32 v4, v0;
	v4 =	vld [tilespmem:s14+$0xAEB0]  }
0x351: {  	v8 =	vld [tilespmem:s14+$0xCEB0]  }
0x352: {  	v25 =	vld [tilespmem:s14+$0xAEC0]  }
0x353: {  	v5 =	vld [tilespmem:s14+$0xCEC0]  }
0x354: {  	v26 =	vld [tilespmem:s14+$0xAED0]  }
0x355: {  	v27 =	vld [tilespmem:s14+$0xCED0]  }
0x356: {  	v28 =	vld [tilespmem:s14+$0xAEE0]  }
0x357: {  	v29 =	vld [tilespmem:s14+$0xCEE0]  }
0x358: {  	v30 =	vld [tilespmem:s14+$0xAEF0]  }
0x359: {  	v31 =	vld [tilespmem:s14+$0xCEF0]  }
0x35a: {  	v32 =	vld [tilespmem:s14+$0xAF00]  }
0x35b: {  	v33 =	vld [tilespmem:s14+$0xCF00]  }
0x35c: {  	v34 =	vld [tilespmem:s14+$0xAF10]  }
0x35d: {  	v35 =	vld [tilespmem:s14+$0xCF10]  }
0x35e: {  	v36 =	vld [tilespmem:s14+$0xAF20]  }
0x35f: {  	v37 =	vld [tilespmem:s14+$0xCF20]  }
0x360: {  	v38 =	vld [tilespmem:s14+$0xAF30]  }
0x361: {  	v39 =	vld [tilespmem:s14+$0xCF30]  }
0x362: {  	v40 =	vld [tilespmem:s14+$0xAF40]  }
0x363: {  	v41 =	vld [tilespmem:s14+$0xCF40]  }
0x364: {  	v42 =	vld [tilespmem:s14+$0xAF50]  }
0x365: {  	v43 =	vld [tilespmem:s14+$0xCF50]  }
0x366: {  	v44 =	vld [tilespmem:s14+$0xAF60]  }
0x367: {  	v45 =	vld [tilespmem:s14+$0xCF60]  }
0x368: {  	v46 =	vld [tilespmem:s14+$0xAF70]  }
0x369: {  	v47 =	vld [tilespmem:s14+$0xCF70]  }
0x36a: {  	v48 =	vld [tilespmem:s14+$0xAF80]  }
0x36b: {  	v49 =	vld [tilespmem:s14+$0xCF80]  }
0x36c: {  	v50 =	vld [tilespmem:s14+$0xAF90]  }
0x36d: {  	v51 =	vld [tilespmem:s14+$0xCF90]  }
0x36e: {  	v52 =	vld [tilespmem:s14+$0xAFA0]  }
0x36f: {  	v53 =	vld [tilespmem:s14+$0xCFA0]  }
0x370: {  	v54 =	vld [tilespmem:s14+$0xAFB0]  }
0x371: {  	v55 =	vld [tilespmem:s14+$0xCFB0]  }
0x372: {  	v56 =	vld [tilespmem:s14+$0xAFC0]  }
0x373: {  	v57 =	vld [tilespmem:s14+$0xCFC0]  }
0x374: {  	v58 =	vld [tilespmem:s14+$0xAFD0]  }
0x375: {  	v60 =	vld [tilespmem:s14+$0xCFD0]  }
0x376: {  	v61 =	vld [tilespmem:s14+$0xAFE0]  }
0x377: {  	v62 =	vld [tilespmem:s14+$0xCFE0]  }
0x378: {  	v23 =	vld [tilespmem:s14+$0xAFF0]  }
0x379: {  	v24 =	vld [tilespmem:s14+$0xCFF0]  }
0x37a: {  	v19 =	vld [tilespmem:s14+$0xB000]  }
0x37b: {  	v21 =	vld [tilespmem:s14+$0xD000]  }
0x37c: {  	v20 =	vld [tilespmem:s14+$0xB010]  }
0x37d: {  	v22 =	vld [tilespmem:s14+$0xD010]  }
0x37e: {  	v16 =	vld [tilespmem:s14+$0xB020]  }
0x37f: {  	v18 =	vld [tilespmem:s14+$0xD020]  }
0x380: {  	v63 =	vld [tilespmem:s14+$0xB060]  }
0x381: {  	v15 =	vld [tilespmem:s14+$0xB030]  }
0x382: {  	v9 =	vld [tilespmem:s14+$0xD030]  }
0x383: {  	v13 =	vld [tilespmem:s14+$0xB040]  }
0x384: {  	v14 =	vld [tilespmem:s14+$0xD040]  }
0x385: {  	[tilespmem:$0x1FF10] =	vst v63;
	v63 =	vld [tilespmem:s14+$0xD060]  }
0x386: {  	v1 =	vld [tilespmem:s14+$0xEEA0]  }
0x387: {  	v10 =	vadd.f32 v10, v17;
	v17 =	vld [tilespmem:s14+$0xEEB0]  }
0x388: {  	v12 =	vld [tilespmem:s14+$0xB050]  }
0x389: {  	v7 =	vadd.f32 v7, v11;
	v11 =	vld [tilespmem:s14+$0xEED0];
	v3 =	vadd.f32 v3, v6  }
0x38a: {  	v4 =	vadd.f32 v8, v4;
	[tilespmem:$0x1FF20] =	vst v63;
	v63 =	vld [tilespmem:s14+$0xEE80]  }
0x38b: {  	v2 =	vld [tilespmem:s14+$0xEEC0];
	v0 =	vmax.f32 v0, $0.0e+00;
	v1 =	vadd.f32 v1, v3  }
0x38c: {  	[tilespmem:s14+$0x11070] =	vst v0;
	v0 =	vld [tilespmem:s14+$0xEE90];
	v4 =	vadd.f32 v17, v4;
	v17 =	vadd.f32 v27, v26  }
0x38d: {  	[tilespmem:$0x1FF00] =	vst v12;
	v3 =	vld [tilespmem:s14+$0xEF00];
	v1 =	vmax.f32 v1, $0.0e+00  }
0x38e: {  	v12 =	vld [tilespmem:s14+$0xD050];
	[tilespmem:s14+$0x10EA0] =	vst v1;
	v1 =	vadd.f32 v11, v17  }
0x38f: {  	v6 =	vld [tilespmem:s14+$0xEF30];
	v10 =	vadd.f32 v63, v10  }
0x390: {  	v32 =	vadd.f32 v33, v32;
	v33 =	vld [tilespmem:s14+$0xEF50];
	v1 =	vmax.f32 v1, $0.0e+00  }
0x391: {  	v34 =	vadd.f32 v35, v34;
	v35 =	vld [tilespmem:s14+$0xEF60];
	v0 =	vadd.f32 v0, v7;
	[tilespmem:s14+$0x10ED0] =	vst v1;
	v10 =	vmax.f32 v10, $0.0e+00  }
0x392: {  	v1 =	vadd.f32 v3, v32;
	v63 =	vld [tilespmem:s14+$0xEEE0];
	[tilespmem:s14+$0x10E80] =	vst v10;
	v10 =	vadd.f32 v5, v25  }
0x393: {  	v36 =	vadd.f32 v37, v36;
	v37 =	vld [tilespmem:s14+$0xEF70];
	v38 =	vadd.f32 v39, v38;
	v0 =	vmax.f32 v0, $0.0e+00  }
0x394: {  	v40 =	vadd.f32 v41, v40;
	v7 =	vld [tilespmem:s14+$0xEEF0];
	[tilespmem:s14+$0x10E90] =	vst v0;
	v1 =	vmax.f32 v1, $0.0e+00;
	v0 =	vadd.f32 v2, v10  }
0x395: {  	[tilespmem:s14+$0x10F00] =	vst v1;
	v1 =	vadd.f32 v6, v38;
	v5 =	vld [tilespmem:s14+$0xEF10];
	v10 =	vadd.f32 v29, v28  }
0x396: {  	v41 =	vld [tilespmem:s14+$0xEF90];
	v44 =	vadd.f32 v45, v44;
	v8 =	vmax.f32 v4, $0.0e+00;
	v0 =	vmax.f32 v0, $0.0e+00  }
0x397: {  	v4 =	vld [tilespmem:s14+$0xEF20];
	v1 =	vmax.f32 v1, $0.0e+00;
	v2 =	vadd.f32 v63, v10;
	[tilespmem:s14+$0x10EC0] =	vst v0;
	v0 =	vadd.f32 v31, v30  }
0x398: {  	v17 =	vld [tilespmem:s14+$0xEF40];
	[tilespmem:s14+$0x10F30] =	vst v1;
	v1 =	vadd.f32 v35, v44  }
0x399: {  	v39 =	vld [tilespmem:s14+$0xEF80];
	v46 =	vadd.f32 v47, v46;
	v2 =	vmax.f32 v2, $0.0e+00;
	v0 =	vadd.f32 v7, v0  }
0x39a: {  	v47 =	vld [tilespmem:s14+$0xEFC0];
	v51 =	vadd.f32 v51, v50;
	v1 =	vmax.f32 v1, $0.0e+00;
	[tilespmem:s14+$0x10EE0] =	vst v2;
	v2 =	vadd.f32 v5, v34  }
0x39b: {  	v42 =	vadd.f32 v43, v42;
	v43 =	vld [tilespmem:s14+$0xEFA0];
	[tilespmem:s14+$0x10F60] =	vst v1;
	v0 =	vmax.f32 v0, $0.0e+00  }
0x39c: {  	v45 =	vld [tilespmem:s14+$0xEFB0];
	v1 =	vadd.f32 v41, v51;
	v34 =	vadd.f32 v57, v56;
	v2 =	vmax.f32 v2, $0.0e+00;
	[tilespmem:s14+$0x10EF0] =	vst v0  }
0x39d: {  	v0 =	vadd.f32 v4, v36;
	[tilespmem:s14+$0x10F10] =	vst v2;
	v2 =	vadd.f32 v17, v40;
	v17 =	vld [tilespmem:s14+$0xEFF0]  }
0x39e: {  	v48 =	vadd.f32 v49, v48;
	v49 =	vld [tilespmem:s14+$0xEFD0];
	[tilespmem:s14+$0x10EB0] =	vst v8;
	v1 =	vmax.f32 v1, $0.0e+00  }
0x39f: {  	v50 =	vld [tilespmem:$0x1FF00];
	[tilespmem:s14+$0x10F90] =	vst v1;
	v1 =	vadd.f32 v47, v34;
	v0 =	vmax.f32 v0, $0.0e+00  }
0x3a0: {  	v40 =	vadd.f32 v24, v23;
	v2 =	vmax.f32 v2, $0.0e+00;
	[tilespmem:s14+$0x10F20] =	vst v0;
	v0 =	vadd.f32 v33, v42;
	v33 =	vld [tilespmem:s14+$0xF000]  }
0x3a1: {  	v11 =	vadd.f32 v53, v52;
	v52 =	vld [tilespmem:$0x1FF10];
	v1 =	vmax.f32 v1, $0.0e+00;
	[tilespmem:s14+$0x10F40] =	vst v2;
	v2 =	vadd.f32 v37, v46  }
0x3a2: {  	v32 =	vadd.f32 v55, v54;
	v35 =	vld [tilespmem:s14+$0xF010];
	[tilespmem:s14+$0x10FC0] =	vst v1;
	v0 =	vmax.f32 v0, $0.0e+00;
	v1 =	vadd.f32 v17, v40  }
0x3a3: {  	v41 =	vld [tilespmem:s14+$0xF040];
	v42 =	vadd.f32 v21, v19;
	v2 =	vmax.f32 v2, $0.0e+00;
	[tilespmem:s14+$0x10F50] =	vst v0;
	v0 =	vadd.f32 v39, v48  }
0x3a4: {  	v38 =	vadd.f32 v62, v61;
	v37 =	vld [tilespmem:s14+$0xF020];
	[tilespmem:s14+$0x10F70] =	vst v2;
	v2 =	vadd.f32 v43, v11;
	v1 =	vmax.f32 v1, $0.0e+00  }
0x3a5: {  	v63 =	vld [tilespmem:s14+$0xEFE0];
	v36 =	vadd.f32 v60, v58;
	v0 =	vmax.f32 v0, $0.0e+00;
	v8 =	vadd.f32 v33, v42;
	[tilespmem:s14+$0x10FF0] =	vst v1  }
0x3a6: {  	v44 =	vld [tilespmem:s14+$0xF050];
	v48 =	vadd.f32 v14, v13;
	v2 =	vmax.f32 v2, $0.0e+00;
	[tilespmem:s14+$0x10F80] =	vst v0;
	v0 =	vadd.f32 v45, v32  }
0x3a7: {  	v53 =	vld [tilespmem:$0x1FF20];
	[tilespmem:s14+$0x10FA0] =	vst v2;
	v2 =	vadd.f32 v49, v36;
	v45 =	vadd.f32 v18, v16;
	v49 =	vmax.f32 v8, $0.0e+00  }
0x3a8: {  	v39 =	vld [tilespmem:s14+$0xF030];
	v43 =	vadd.f32 v22, v20;
	v55 =	vadd.f32 v41, v48;
	v0 =	vmax.f32 v0, $0.0e+00;
	[tilespmem:s14+$0x11000] =	vst v49  }
0x3a9: {  	v47 =	vld [tilespmem:s14+$0xF060];
	v8 =	vadd.f32 v12, v50;
	v2 =	vmax.f32 v2, $0.0e+00;
	v3 =	vadd.f32 v37, v45;
	[tilespmem:s14+$0x10FB0] =	vst v0  }
0x3aa: {  	v57 =	vmax.f32 v55, $0.0e+00;
	v0 =	vadd.f32 v63, v38;
	[tilespmem:s14+$0x10FD0] =	vst v2;
	v2 =	vadd.f32 v35, v43  }
0x3ab: {  	v46 =	vadd.f32 v9, v15;
	[tilespmem:s14+$0x11040] =	vst v57;
	v56 =	vadd.f32 v44, v8;
	v54 =	vmax.f32 v3, $0.0e+00  }
0x3ac: {  	v0 =	vmax.f32 v0, $0.0e+00;
	v51 =	vmax.f32 v2, $0.0e+00;
	v2 =	vadd.f32 v53, v52;
	[tilespmem:s14+$0x11020] =	vst v54  }
0x3ad: {  	[tilespmem:s14+$0x10FE0] =	vst v0;
	v0 =	vadd.f32 v39, v46  }
0x3ae: {  	v58 =	vmax.f32 v56, $0.0e+00;
	[tilespmem:s14+$0x11010] =	vst v51;
	v2 =	vadd.f32 v47, v2  }
0x3af: {  	[tilespmem:s14+$0x11050] =	vst v58;
	v0 =	vmax.f32 v0, $0.0e+00  }
0x3b0: {  	[tilespmem:s14+$0x11030] =	vst v0;
	v60 =	vmax.f32 v2, $0.0e+00  }
0x3b1: {  	[tilespmem:s14+$0x11060] =	vst v60  }
0x3b2: {  	v0 =	vld [tilespmem:$0xAD00]  }
0x3b3: {  	v61 =	vld [tilespmem:$0xAD10]  }
0x3b4: {  	v62 =	vld [tilespmem:$0xAD20]  }
0x3b5: {  	v63 =	vld [tilespmem:$0xAD30];
	_ =	sdelay $0x1  }
.Ltmp10:
0x3b6: {  	[tilespmem:$0xAD80] =	vst v0;
	(pc) =	sbr.rel .LBB2_12-.Ltmp10, $4  }
0x3b7: {  	[tilespmem:$0xAD90] =	vst v61  }
0x3b8: {  	v28 =	vld [tilespmem:$0x1FFC0];
	[tilespmem:$0xADA0] =	vst v62  }
0x3b9: {  	[tilespmem:$0xADB0] =	vst v63  }
0x3ba: {  	v27 =	vimm.f32 $0.0e+00;
	[spmem:s1] =	stream.indirect.scatter.add.f32 [tilespmem:s31], [sflag:$0x8], $0x80, s30, s23, $0xb8;
	[tilespmem:$0x1CE80] =	vst v63  }
.LBB2_15:
0x3bb: {  	_ =	sfence.sel $0x180000  }
0x3bc: {  	[bflag:$0x0] =	sbarrier.arrive $0xFFFF  }
0x3bd: {  	_ =	strace $0x90000047  }
0x3be: {  	s0 =	stileid.u32;
	[bflag:$0x2] =	sbarrier.arrive $0xFFFF  }
0x3bf: {  	p0 =	sne.s32 s0, $0x0;
	s0 =	rddreg [dreg:$0x2]  }
0x3c0: {  	s0 =	sadd.s32 @!p0 $0x100000, s0  }
0x3c1: {  	[sflag:s0] =	ssyncadd.tile.s32 @!p0 $0x1;
	_ =	shalt  }
.Lfunc_end2:
_tile_overlayer_lowered:
.L_overlay_start_2:
0x3c2: {  	(tag) =	ssettag $0x2  }
0x3c3: {  	s0 =	rddreg [dreg:$0x0];
	s2 =	stileid.u32  }
0x3c4: {  	s1 =	rddreg [dreg:$0x1];
	p0 =	sne.s32 s2, $0x0  }
0x3c5: {  	s3 =	rddreg [dreg:$0x2];
	[bflag:$0x3] =	sbarrier.arrive $0xFFFF;
	s2 =	simm.s32 @!p0 $0x1C09  }
0x3c6: {  	[timem:s3], [sflag:s2] =	dma.local @!p0 [hbm:s0], s1  }
0x3c7: {  	s0 =	simm.s32 @!p0 $0x9  }
0x3c8: {  	_ =	swait.ge @!p0 [sflag:s0], s1  }
0x3c9: {  	s1 =	ssub.s32 @!p0 $0x0, s1;
	[sflag:s0] =	ssyncset.done @!p0 $0x0  }
0x3ca: {  	[sflag:s0] =	ssyncadd.s32 @!p0 s1  }
0x3cb: {  	[bflag:$0x3] =	sbarrier.arrive $0xFFFF  }
0x3cc: {  	_ =	shalt  }

</sc_bundles>
